<compile_context>
chip_gen: v7x
topology: tpu7x:2x2x1
jax: 0.10.2.dev20260603
libtpu: 0.0.44.dev20260713+nightly
codegen_flags: <defaults>
</compile_context>

<pallas_src>
import functools

import jax
import jax.numpy as jnp
from jax import lax
from jax.experimental import pallas as pl
from jax.experimental.pallas import tpu as pltpu
from jax.experimental.pallas import tpu_sc as plsc

_B, _D, _C = 4096, 100, 128
_R = 2
_NBUF = 4
_OFFS = (0, 16, 32, 48, 64, 80, 84)


def _make_sc_kernel():
    info = plsc.get_sparse_core_info()
    nc, ns = info.num_cores, info.num_subcores
    nw = nc * ns
    rows_w = _B // nw
    chunks = rows_w // _R
    mesh = plsc.VectorSubcoreMesh(core_axis_name="c", subcore_axis_name="s")

    @functools.partial(
        pl.kernel,
        mesh=mesh,
        out_type=jax.ShapeDtypeStruct((_B, _D * _C), jnp.float32),
        scratch_types=[
            pltpu.VMEM((rows_w, _D), jnp.int32),
            *[pltpu.VMEM((_R, _D * _C), jnp.float32) for _ in range(_NBUF)],
            *[pltpu.SemaphoreType.DMA for _ in range(_NBUF)],
        ],
        compiler_params=pltpu.CompilerParams(needs_layout_passes=False),
    )
    def k(x_hbm, out_hbm, idx_v, *bufsems):
        bufs = bufsems[:_NBUF]
        sems = bufsems[_NBUF:]
        wid = lax.axis_index("s") * nc + lax.axis_index("c")
        zeros16 = jnp.zeros((16,), jnp.float32)
        ones16 = jnp.ones((16,), jnp.float32)
        lane = lax.broadcasted_iota(jnp.int32, (16,), 0) * _C

        idx_cp = pltpu.async_copy(
            x_hbm.at[pl.ds(wid * rows_w, rows_w)], idx_v, sems[0]
        )

        def zero_buf(buf):
            def zbody(i, carry):
                base = i * 64
                for r in range(_R):
                    for u in range(4):
                        buf[r, pl.ds(base + u * 16, 16)] = zeros16
                return carry

            lax.fori_loop(0, _D * _C // 64, zbody, 0)

        def scatter(buf, chunk, val16):
            for r in range(_R):
                rowv = jnp.full((16,), r, jnp.int32)
                for off in _OFFS:
                    vals = idx_v[chunk * _R + r, pl.ds(off, 16)]
                    cols = vals + lane + off * _C
                    plsc.store_scatter(buf, [rowv, cols], val16)

        def out_slice(i):
            return out_hbm.at[pl.ds(wid * rows_w + i * _R, _R)]

        for p in range(_NBUF):
            zero_buf(bufs[p])
            if p == 0:
                idx_cp.wait()
            scatter(bufs[p], p, ones16)
            pltpu.async_copy(bufs[p], out_slice(p), sems[p])

        def body(i, carry):
            for parity in range(_NBUF):
                buf, sem = bufs[parity], sems[parity]

                @pl.when(lax.rem(i, _NBUF) == parity)
                def _():
                    pltpu.make_async_copy(buf, out_slice(i - _NBUF), sem).wait()
                    scatter(buf, i - _NBUF, zeros16)
                    scatter(buf, i, ones16)
                    pltpu.async_copy(buf, out_slice(i), sem)

            return carry

        lax.fori_loop(_NBUF, chunks, body, 0)
        for parity in range(_NBUF):
            i = chunks - _NBUF + parity
            pltpu.make_async_copy(bufs[parity], out_slice(i), sems[parity]).wait()

    return k


def kernel(inputs):
    return _make_sc_kernel()(inputs.astype(jnp.int32))

# --- scband reference (transcript-rebuilt; emitter-appended) ---
"""Pipeline reference for scband-qfeature-map-one-hot-48661979463909 (READ-ONLY COPY).

The authoritative reference and input builder live on the scoring server;
editing this copy changes nothing except your own understanding.
"""

import jax, jax.numpy as jnp
import numpy as np

NUM_CLASSES = 128

def setup_inputs(seed: int = 0) -> dict:
    key = jax.random.key(seed)
    inputs = jax.random.randint(key, (4096, 100), 0, NUM_CLASSES, dtype=jnp.int64)
    return {"inputs": inputs}

def reference(inputs) -> jnp.ndarray:
    # Faithful translation of QFeatureMapOneHot.call:
    #   out = one_hot(inputs, num_classes)  -> (batch, dim, num_classes)
    #   out = reshape(out, (batch, -1))     -> (batch, dim * num_classes)
    out = jax.nn.one_hot(inputs, NUM_CLASSES, dtype=jnp.float32)
    b_size = out.shape[0]
    out = jnp.reshape(out, (b_size, -1))
    return out

if __name__ == "__main__":
    import jax
    _d = setup_inputs()
    print(jax.jit(kernel)(*tuple(_d.values())))

</pallas_src>

<mosaic_0001>
#map = affine_map<(d0, d1) -> (0, 0)>
module attributes {stable_mosaic.version = 14 : i64} {
  func.func @k(%arg0: i32, %arg1: i32, %arg2: memref<4096x100xi32, #tpu.memory_space<hbm>>, %arg3: memref<4096x12800xf32, #tpu.memory_space<hbm>>, %arg4: memref<128x100xi32, #tpu.memory_space<vmem>>, %arg5: memref<2x12800xf32, #tpu.memory_space<vmem>>, %arg6: memref<2x12800xf32, #tpu.memory_space<vmem>>, %arg7: memref<2x12800xf32, #tpu.memory_space<vmem>>, %arg8: memref<2x12800xf32, #tpu.memory_space<vmem>>, %arg9: memref<!tpu.dma_semaphore, #tpu.memory_space<semaphore_mem>>, %arg10: memref<!tpu.dma_semaphore, #tpu.memory_space<semaphore_mem>>, %arg11: memref<!tpu.dma_semaphore, #tpu.memory_space<semaphore_mem>>, %arg12: memref<!tpu.dma_semaphore, #tpu.memory_space<semaphore_mem>>) attributes {dimension_semantics = [#tpu.dimension_semantics<core_parallel>, #tpu.dimension_semantics<subcore_parallel>], iteration_bounds = array<i64: 2, 16>, scalar_prefetch = 0 : i64, scratch_operands = 9 : i64, tpu.core_type = #tpu.core_type<sc_vector_subcore>, window_params = [{transform_indices = #map}, {transform_indices = #map}]} {
    %mul3A = arith.constant 2 : i32
    %mul3A_0 = arith.muli %arg1, %mul3A : i32
    %add3A = arith.addi %mul3A_0, %arg0 : i32
    %broadcast_in_dim3A = arith.constant 0.000000e+00 : f32
    %broadcast_in_dim3A_1 = vector.broadcast %broadcast_in_dim3A : f32 to vector<16xf32>
    %broadcast_in_dim3A_2 = arith.constant 1.000000e+00 : f32
    %broadcast_in_dim3A_3 = vector.broadcast %broadcast_in_dim3A_2 : f32 to vector<16xf32>
    %iota3A = tpu.iota {dimensions = array<i32: 0>} : vector<16xi32>
    %mul3A_4 = arith.constant 128 : i32
    %mul3A_5 = vector.broadcast %mul3A_4 : i32 to vector<16xi32>
    %mul3A_6 = arith.muli %iota3A, %mul3A_5 : vector<16xi32>
    %mul3A_7 = arith.constant 128 : i32
    %mul3A_8 = arith.muli %add3A, %mul3A_7 : i32
    %dma_start3A = arith.constant 0 : i32
    %dma_start3A_9 = tpu.memref_slice %arg2[%mul3A_8, %dma_start3A] : memref<4096x100xi32, #tpu.memory_space<hbm>> -> memref<128x100xi32, #tpu.memory_space<hbm>>
    %dma_start3A_10 = arith.constant 0 : i32
    %dma_start3A_11 = tpu.memref_slice %arg2[%mul3A_8, %dma_start3A_10] : memref<4096x100xi32, #tpu.memory_space<hbm>> -> memref<128x100xi32, #tpu.memory_space<hbm>>
    tpu.enqueue_dma source(%dma_start3A_11 : memref<128x100xi32, #tpu.memory_space<hbm>>) target(%arg4 : memref<128x100xi32, #tpu.memory_space<vmem>>) target_semaphore(%arg9 : memref<!tpu.dma_semaphore, #tpu.memory_space<semaphore_mem>>)
    %scan3A = arith.constant 0 : i32
    %scan3A_12 = arith.constant 0 : i32
    %scan3A_13 = arith.constant 200 : i32
    %scan3A_14 = arith.addi %scan3A_12, %scan3A_13 : i32
    %scan3A_15 = arith.constant 1 : i32
    scf.for %scan3A_571 = %scan3A_12 to %scan3A_14 step %scan3A_15  : i32 {
      %mul3A_572 = arith.constant 64 : i32
      %mul3A_573 = arith.muli %scan3A_571, %mul3A_572 : i32
      %add3A_574 = arith.constant 0 : i32
      %add3A_575 = arith.addi %mul3A_573, %add3A_574 : i32
      %swap3A = arith.constant 0 : i32
      %swap3A_576 = arith.index_cast %swap3A : i32 to index
      %swap3A_577 = arith.index_cast %add3A_575 : i32 to index
      %swap3A_578 = tpu.vector_load %arg5[%swap3A_576, %swap3A_577] {strides = array<i32>} : memref<2x12800xf32, #tpu.memory_space<vmem>>, vector<16xf32>,
      tpu.vector_store %arg5[%swap3A_576, %swap3A_577], %broadcast_in_dim3A_1 {strides = array<i32>} : memref<2x12800xf32, #tpu.memory_space<vmem>>, vector<16xf32>,
      %add3A_579 = arith.constant 16 : i32
      %add3A_580 = arith.addi %mul3A_573, %add3A_579 : i32
      %swap3A_581 = arith.constant 0 : i32
      %swap3A_582 = arith.index_cast %swap3A_581 : i32 to index
      %swap3A_583 = arith.index_cast %add3A_580 : i32 to index
      %swap3A_584 = tpu.vector_load %arg5[%swap3A_582, %swap3A_583] {strides = array<i32>} : memref<2x12800xf32, #tpu.memory_space<vmem>>, vector<16xf32>,
      tpu.vector_store %arg5[%swap3A_582, %swap3A_583], %broadcast_in_dim3A_1 {strides = array<i32>} : memref<2x12800xf32, #tpu.memory_space<vmem>>, vector<16xf32>,
      %add3A_585 = arith.constant 32 : i32
      %add3A_586 = arith.addi %mul3A_573, %add3A_585 : i32
      %swap3A_587 = arith.constant 0 : i32
      %swap3A_588 = arith.index_cast %swap3A_587 : i32 to index
      %swap3A_589 = arith.index_cast %add3A_586 : i32 to index
      %swap3A_590 = tpu.vector_load %arg5[%swap3A_588, %swap3A_589] {strides = array<i32>} : memref<2x12800xf32, #tpu.memory_space<vmem>>, vector<16xf32>,
      tpu.vector_store %arg5[%swap3A_588, %swap3A_589], %broadcast_in_dim3A_1 {strides = array<i32>} : memref<2x12800xf32, #tpu.memory_space<vmem>>, vector<16xf32>,
      %add3A_591 = arith.constant 48 : i32
      %add3A_592 = arith.addi %mul3A_573, %add3A_591 : i32
      %swap3A_593 = arith.constant 0 : i32
      %swap3A_594 = arith.index_cast %swap3A_593 : i32 to index
      %swap3A_595 = arith.index_cast %add3A_592 : i32 to index
      %swap3A_596 = tpu.vector_load %arg5[%swap3A_594, %swap3A_595] {strides = array<i32>} : memref<2x12800xf32, #tpu.memory_space<vmem>>, vector<16xf32>,
      tpu.vector_store %arg5[%swap3A_594, %swap3A_595], %broadcast_in_dim3A_1 {strides = array<i32>} : memref<2x12800xf32, #tpu.memory_space<vmem>>, vector<16xf32>,
      %add3A_597 = arith.constant 0 : i32
      %add3A_598 = arith.addi %mul3A_573, %add3A_597 : i32
      %swap3A_599 = arith.constant 1 : i32
      %swap3A_600 = arith.index_cast %swap3A_599 : i32 to index
      %swap3A_601 = arith.index_cast %add3A_598 : i32 to index
      %swap3A_602 = tpu.vector_load %arg5[%swap3A_600, %swap3A_601] {strides = array<i32>} : memref<2x12800xf32, #tpu.memory_space<vmem>>, vector<16xf32>,
      tpu.vector_store %arg5[%swap3A_600, %swap3A_601], %broadcast_in_dim3A_1 {strides = array<i32>} : memref<2x12800xf32, #tpu.memory_space<vmem>>, vector<16xf32>,
      %add3A_603 = arith.constant 16 : i32
      %add3A_604 = arith.addi %mul3A_573, %add3A_603 : i32
      %swap3A_605 = arith.constant 1 : i32
      %swap3A_606 = arith.index_cast %swap3A_605 : i32 to index
      %swap3A_607 = arith.index_cast %add3A_604 : i32 to index
      %swap3A_608 = tpu.vector_load %arg5[%swap3A_606, %swap3A_607] {strides = array<i32>} : memref<2x12800xf32, #tpu.memory_space<vmem>>, vector<16xf32>,
      tpu.vector_store %arg5[%swap3A_606, %swap3A_607], %broadcast_in_dim3A_1 {strides = array<i32>} : memref<2x12800xf32, #tpu.memory_space<vmem>>, vector<16xf32>,
      %add3A_609 = arith.constant 32 : i32
      %add3A_610 = arith.addi %mul3A_573, %add3A_609 : i32
      %swap3A_611 = arith.constant 1 : i32
      %swap3A_612 = arith.index_cast %swap3A_611 : i32 to index
      %swap3A_613 = arith.index_cast %add3A_610 : i32 to index
      %swap3A_614 = tpu.vector_load %arg5[%swap3A_612, %swap3A_613] {strides = array<i32>} : memref<2x12800xf32, #tpu.memory_space<vmem>>, vector<16xf32>,
      tpu.vector_store %arg5[%swap3A_612, %swap3A_613], %broadcast_in_dim3A_1 {strides = array<i32>} : memref<2x12800xf32, #tpu.memory_space<vmem>>, vector<16xf32>,
      %add3A_615 = arith.constant 48 : i32
      %add3A_616 = arith.addi %mul3A_573, %add3A_615 : i32
      %swap3A_617 = arith.constant 1 : i32
      %swap3A_618 = arith.index_cast %swap3A_617 : i32 to index
      %swap3A_619 = arith.index_cast %add3A_616 : i32 to index
      %swap3A_620 = tpu.vector_load %arg5[%swap3A_618, %swap3A_619] {strides = array<i32>} : memref<2x12800xf32, #tpu.memory_space<vmem>>, vector<16xf32>,
      tpu.vector_store %arg5[%swap3A_618, %swap3A_619], %broadcast_in_dim3A_1 {strides = array<i32>} : memref<2x12800xf32, #tpu.memory_space<vmem>>, vector<16xf32>,
    }
    %scan3A_16 = arith.constant 200 : i32
    %dma_wait3A = arith.constant 0 : i32
    %dma_wait3A_17 = tpu.memref_slice %arg2[%mul3A_8, %dma_wait3A] : memref<4096x100xi32, #tpu.memory_space<hbm>> -> memref<128x100xi32, #tpu.memory_space<hbm>>
    %dma_wait3A_18 = arith.constant 0 : i32
    %dma_wait3A_19 = tpu.memref_slice %arg2[%mul3A_8, %dma_wait3A_18] : memref<4096x100xi32, #tpu.memory_space<hbm>> -> memref<128x100xi32, #tpu.memory_space<hbm>>
    tpu.wait_dma2 semaphore(%arg9 : memref<!tpu.dma_semaphore, #tpu.memory_space<semaphore_mem>>) src(%dma_wait3A_19 : memref<128x100xi32, #tpu.memory_space<hbm>>) dst(%arg4 : memref<128x100xi32, #tpu.memory_space<vmem>>)
    %broadcast_in_dim3A_20 = arith.constant 0 : i32
    %broadcast_in_dim3A_21 = vector.broadcast %broadcast_in_dim3A_20 : i32 to vector<16xi32>
    %get3A = arith.constant 0 : i32
    %get3A_22 = arith.index_cast %get3A : i32 to index
    %get3A_23 = arith.constant 0 : index
    %get3A_24 = tpu.vector_load %arg4[%get3A_22, %get3A_23] {strides = array<i32>} : memref<128x100xi32, #tpu.memory_space<vmem>>, vector<16xi32>,
    %add3A_25 = arith.addi %get3A_24, %mul3A_6 : vector<16xi32>
    %add3A_26 = arith.constant 0 : i32
    %add3A_27 = vector.broadcast %add3A_26 : i32 to vector<16xi32>
    %add3A_28 = arith.addi %add3A_25, %add3A_27 : vector<16xi32>
    tpu.vector_store_idx %arg5[%broadcast_in_dim3A_21, %add3A_28], %broadcast_in_dim3A_3 : memref<2x12800xf32, #tpu.memory_space<vmem>>[vector<16xi32>, vector<16xi32>], vector<16xf32>,
    %get3A_29 = arith.constant 0 : i32
    %get3A_30 = arith.index_cast %get3A_29 : i32 to index
    %get3A_31 = arith.constant 16 : index
    %get3A_32 = tpu.vector_load %arg4[%get3A_30, %get3A_31] {strides = array<i32>} : memref<128x100xi32, #tpu.memory_space<vmem>>, vector<16xi32>,
    %add3A_33 = arith.addi %get3A_32, %mul3A_6 : vector<16xi32>
    %add3A_34 = arith.constant 2048 : i32
    %add3A_35 = vector.broadcast %add3A_34 : i32 to vector<16xi32>
    %add3A_36 = arith.addi %add3A_33, %add3A_35 : vector<16xi32>
    tpu.vector_store_idx %arg5[%broadcast_in_dim3A_21, %add3A_36], %broadcast_in_dim3A_3 : memref<2x12800xf32, #tpu.memory_space<vmem>>[vector<16xi32>, vector<16xi32>], vector<16xf32>,
    %get3A_37 = arith.constant 0 : i32
    %get3A_38 = arith.index_cast %get3A_37 : i32 to index
    %get3A_39 = arith.constant 32 : index
    %get3A_40 = tpu.vector_load %arg4[%get3A_38, %get3A_39] {strides = array<i32>} : memref<128x100xi32, #tpu.memory_space<vmem>>, vector<16xi32>,
    %add3A_41 = arith.addi %get3A_40, %mul3A_6 : vector<16xi32>
    %add3A_42 = arith.constant 4096 : i32
    %add3A_43 = vector.broadcast %add3A_42 : i32 to vector<16xi32>
    %add3A_44 = arith.addi %add3A_41, %add3A_43 : vector<16xi32>
    tpu.vector_store_idx %arg5[%broadcast_in_dim3A_21, %add3A_44], %broadcast_in_dim3A_3 : memref<2x12800xf32, #tpu.memory_space<vmem>>[vector<16xi32>, vector<16xi32>], vector<16xf32>,
    %get3A_45 = arith.constant 0 : i32
    %get3A_46 = arith.index_cast %get3A_45 : i32 to index
    %get3A_47 = arith.constant 48 : index
    %get3A_48 = tpu.vector_load %arg4[%get3A_46, %get3A_47] {strides = array<i32>} : memref<128x100xi32, #tpu.memory_space<vmem>>, vector<16xi32>,
    %add3A_49 = arith.addi %get3A_48, %mul3A_6 : vector<16xi32>
    %add3A_50 = arith.constant 6144 : i32
    %add3A_51 = vector.broadcast %add3A_50 : i32 to vector<16xi32>
    %add3A_52 = arith.addi %add3A_49, %add3A_51 : vector<16xi32>
    tpu.vector_store_idx %arg5[%broadcast_in_dim3A_21, %add3A_52], %broadcast_in_dim3A_3 : memref<2x12800xf32, #tpu.memory_space<vmem>>[vector<16xi32>, vector<16xi32>], vector<16xf32>,
    %get3A_53 = arith.constant 0 : i32
    %get3A_54 = arith.index_cast %get3A_53 : i32 to index
    %get3A_55 = arith.constant 64 : index
    %get3A_56 = tpu.vector_load %arg4[%get3A_54, %get3A_55] {strides = array<i32>} : memref<128x100xi32, #tpu.memory_space<vmem>>, vector<16xi32>,
    %add3A_57 = arith.addi %get3A_56, %mul3A_6 : vector<16xi32>
    %add3A_58 = arith.constant 8192 : i32
    %add3A_59 = vector.broadcast %add3A_58 : i32 to vector<16xi32>
    %add3A_60 = arith.addi %add3A_57, %add3A_59 : vector<16xi32>
    tpu.vector_store_idx %arg5[%broadcast_in_dim3A_21, %add3A_60], %broadcast_in_dim3A_3 : memref<2x12800xf32, #tpu.memory_space<vmem>>[vector<16xi32>, vector<16xi32>], vector<16xf32>,
    %get3A_61 = arith.constant 0 : i32
    %get3A_62 = arith.index_cast %get3A_61 : i32 to index
    %get3A_63 = arith.constant 80 : index
    %get3A_64 = tpu.vector_load %arg4[%get3A_62, %get3A_63] {strides = array<i32>} : memref<128x100xi32, #tpu.memory_space<vmem>>, vector<16xi32>,
    %add3A_65 = arith.addi %get3A_64, %mul3A_6 : vector<16xi32>
    %add3A_66 = arith.constant 10240 : i32
    %add3A_67 = vector.broadcast %add3A_66 : i32 to vector<16xi32>
    %add3A_68 = arith.addi %add3A_65, %add3A_67 : vector<16xi32>
    tpu.vector_store_idx %arg5[%broadcast_in_dim3A_21, %add3A_68], %broadcast_in_dim3A_3 : memref<2x12800xf32, #tpu.memory_space<vmem>>[vector<16xi32>, vector<16xi32>], vector<16xf32>,
    %get3A_69 = arith.constant 0 : i32
    %get3A_70 = arith.index_cast %get3A_69 : i32 to index
    %get3A_71 = arith.constant 84 : index
    %get3A_72 = tpu.vector_load %arg4[%get3A_70, %get3A_71] {strides = array<i32>} : memref<128x100xi32, #tpu.memory_space<vmem>>, vector<16xi32>,
    %add3A_73 = arith.addi %get3A_72, %mul3A_6 : vector<16xi32>
    %add3A_74 = arith.constant 10752 : i32
    %add3A_75 = vector.broadcast %add3A_74 : i32 to vector<16xi32>
    %add3A_76 = arith.addi %add3A_73, %add3A_75 : vector<16xi32>
    tpu.vector_store_idx %arg5[%broadcast_in_dim3A_21, %add3A_76], %broadcast_in_dim3A_3 : memref<2x12800xf32, #tpu.memory_space<vmem>>[vector<16xi32>, vector<16xi32>], vector<16xf32>,
    %broadcast_in_dim3A_77 = arith.constant 1 : i32
    %broadcast_in_dim3A_78 = vector.broadcast %broadcast_in_dim3A_77 : i32 to vector<16xi32>
    %get3A_79 = arith.constant 1 : i32
    %get3A_80 = arith.index_cast %get3A_79 : i32 to index
    %get3A_81 = arith.constant 0 : index
    %get3A_82 = tpu.vector_load %arg4[%get3A_80, %get3A_81] {strides = array<i32>} : memref<128x100xi32, #tpu.memory_space<vmem>>, vector<16xi32>,
    %add3A_83 = arith.addi %get3A_82, %mul3A_6 : vector<16xi32>
    %add3A_84 = arith.constant 0 : i32
    %add3A_85 = vector.broadcast %add3A_84 : i32 to vector<16xi32>
    %add3A_86 = arith.addi %add3A_83, %add3A_85 : vector<16xi32>
    tpu.vector_store_idx %arg5[%broadcast_in_dim3A_78, %add3A_86], %broadcast_in_dim3A_3 : memref<2x12800xf32, #tpu.memory_space<vmem>>[vector<16xi32>, vector<16xi32>], vector<16xf32>,
    %get3A_87 = arith.constant 1 : i32
    %get3A_88 = arith.index_cast %get3A_87 : i32 to index
    %get3A_89 = arith.constant 16 : index
    %get3A_90 = tpu.vector_load %arg4[%get3A_88, %get3A_89] {strides = array<i32>} : memref<128x100xi32, #tpu.memory_space<vmem>>, vector<16xi32>,
    %add3A_91 = arith.addi %get3A_90, %mul3A_6 : vector<16xi32>
    %add3A_92 = arith.constant 2048 : i32
    %add3A_93 = vector.broadcast %add3A_92 : i32 to vector<16xi32>
    %add3A_94 = arith.addi %add3A_91, %add3A_93 : vector<16xi32>
    tpu.vector_store_idx %arg5[%broadcast_in_dim3A_78, %add3A_94], %broadcast_in_dim3A_3 : memref<2x12800xf32, #tpu.memory_space<vmem>>[vector<16xi32>, vector<16xi32>], vector<16xf32>,
    %get3A_95 = arith.constant 1 : i32
    %get3A_96 = arith.index_cast %get3A_95 : i32 to index
    %get3A_97 = arith.constant 32 : index
    %get3A_98 = tpu.vector_load %arg4[%get3A_96, %get3A_97] {strides = array<i32>} : memref<128x100xi32, #tpu.memory_space<vmem>>, vector<16xi32>,
    %add3A_99 = arith.addi %get3A_98, %mul3A_6 : vector<16xi32>
    %add3A_100 = arith.constant 4096 : i32
    %add3A_101 = vector.broadcast %add3A_100 : i32 to vector<16xi32>
    %add3A_102 = arith.addi %add3A_99, %add3A_101 : vector<16xi32>
    tpu.vector_store_idx %arg5[%broadcast_in_dim3A_78, %add3A_102], %broadcast_in_dim3A_3 : memref<2x12800xf32, #tpu.memory_space<vmem>>[vector<16xi32>, vector<16xi32>], vector<16xf32>,
    %get3A_103 = arith.constant 1 : i32
    %get3A_104 = arith.index_cast %get3A_103 : i32 to index
    %get3A_105 = arith.constant 48 : index
    %get3A_106 = tpu.vector_load %arg4[%get3A_104, %get3A_105] {strides = array<i32>} : memref<128x100xi32, #tpu.memory_space<vmem>>, vector<16xi32>,
    %add3A_107 = arith.addi %get3A_106, %mul3A_6 : vector<16xi32>
    %add3A_108 = arith.constant 6144 : i32
    %add3A_109 = vector.broadcast %add3A_108 : i32 to vector<16xi32>
    %add3A_110 = arith.addi %add3A_107, %add3A_109 : vector<16xi32>
    tpu.vector_store_idx %arg5[%broadcast_in_dim3A_78, %add3A_110], %broadcast_in_dim3A_3 : memref<2x12800xf32, #tpu.memory_space<vmem>>[vector<16xi32>, vector<16xi32>], vector<16xf32>,
    %get3A_111 = arith.constant 1 : i32
    %get3A_112 = arith.index_cast %get3A_111 : i32 to index
    %get3A_113 = arith.constant 64 : index
    %get3A_114 = tpu.vector_load %arg4[%get3A_112, %get3A_113] {strides = array<i32>} : memref<128x100xi32, #tpu.memory_space<vmem>>, vector<16xi32>,
    %add3A_115 = arith.addi %get3A_114, %mul3A_6 : vector<16xi32>
    %add3A_116 = arith.constant 8192 : i32
    %add3A_117 = vector.broadcast %add3A_116 : i32 to vector<16xi32>
    %add3A_118 = arith.addi %add3A_115, %add3A_117 : vector<16xi32>
    tpu.vector_store_idx %arg5[%broadcast_in_dim3A_78, %add3A_118], %broadcast_in_dim3A_3 : memref<2x12800xf32, #tpu.memory_space<vmem>>[vector<16xi32>, vector<16xi32>], vector<16xf32>,
    %get3A_119 = arith.constant 1 : i32
    %get3A_120 = arith.index_cast %get3A_119 : i32 to index
    %get3A_121 = arith.constant 80 : index
    %get3A_122 = tpu.vector_load %arg4[%get3A_120, %get3A_121] {strides = array<i32>} : memref<128x100xi32, #tpu.memory_space<vmem>>, vector<16xi32>,
    %add3A_123 = arith.addi %get3A_122, %mul3A_6 : vector<16xi32>
    %add3A_124 = arith.constant 10240 : i32
    %add3A_125 = vector.broadcast %add3A_124 : i32 to vector<16xi32>
    %add3A_126 = arith.addi %add3A_123, %add3A_125 : vector<16xi32>
    tpu.vector_store_idx %arg5[%broadcast_in_dim3A_78, %add3A_126], %broadcast_in_dim3A_3 : memref<2x12800xf32, #tpu.memory_space<vmem>>[vector<16xi32>, vector<16xi32>], vector<16xf32>,
    %get3A_127 = arith.constant 1 : i32
    %get3A_128 = arith.index_cast %get3A_127 : i32 to index
    %get3A_129 = arith.constant 84 : index
    %get3A_130 = tpu.vector_load %arg4[%get3A_128, %get3A_129] {strides = array<i32>} : memref<128x100xi32, #tpu.memory_space<vmem>>, vector<16xi32>,
    %add3A_131 = arith.addi %get3A_130, %mul3A_6 : vector<16xi32>
    %add3A_132 = arith.constant 10752 : i32
    %add3A_133 = vector.broadcast %add3A_132 : i32 to vector<16xi32>
    %add3A_134 = arith.addi %add3A_131, %add3A_133 : vector<16xi32>
    tpu.vector_store_idx %arg5[%broadcast_in_dim3A_78, %add3A_134], %broadcast_in_dim3A_3 : memref<2x12800xf32, #tpu.memory_space<vmem>>[vector<16xi32>, vector<16xi32>], vector<16xf32>,
    %mul3A_135 = arith.constant 128 : i32
    %mul3A_136 = arith.muli %add3A, %mul3A_135 : i32
    %add3A_137 = arith.constant 0 : i32
    %add3A_138 = arith.addi %mul3A_136, %add3A_137 : i32
    %dma_start3A_139 = arith.constant 0 : i32
    %dma_start3A_140 = tpu.memref_slice %arg3[%add3A_138, %dma_start3A_139] : memref<4096x12800xf32, #tpu.memory_space<hbm>> -> memref<2x12800xf32, #tpu.memory_space<hbm>>
    %dma_start3A_141 = arith.constant 0 : i32
    %dma_start3A_142 = tpu.memref_slice %arg3[%add3A_138, %dma_start3A_141] : memref<4096x12800xf32, #tpu.memory_space<hbm>> -> memref<2x12800xf32, #tpu.memory_space<hbm>>
    tpu.enqueue_dma source(%arg5 : memref<2x12800xf32, #tpu.memory_space<vmem>>) target(%dma_start3A_142 : memref<2x12800xf32, #tpu.memory_space<hbm>>) target_semaphore(%arg9 : memref<!tpu.dma_semaphore, #tpu.memory_space<semaphore_mem>>)
    %scan3A_143 = arith.constant 0 : i32
    %scan3A_144 = arith.constant 0 : i32
    %scan3A_145 = arith.constant 200 : i32
    %scan3A_146 = arith.addi %scan3A_144, %scan3A_145 : i32
    %scan3A_147 = arith.constant 1 : i32
    scf.for %scan3A_571 = %scan3A_144 to %scan3A_146 step %scan3A_147  : i32 {
      %mul3A_572 = arith.constant 64 : i32
      %mul3A_573 = arith.muli %scan3A_571, %mul3A_572 : i32
      %add3A_574 = arith.constant 0 : i32
      %add3A_575 = arith.addi %mul3A_573, %add3A_574 : i32
      %swap3A = arith.constant 0 : i32
      %swap3A_576 = arith.index_cast %swap3A : i32 to index
      %swap3A_577 = arith.index_cast %add3A_575 : i32 to index
      %swap3A_578 = tpu.vector_load %arg6[%swap3A_576, %swap3A_577] {strides = array<i32>} : memref<2x12800xf32, #tpu.memory_space<vmem>>, vector<16xf32>,
      tpu.vector_store %arg6[%swap3A_576, %swap3A_577], %broadcast_in_dim3A_1 {strides = array<i32>} : memref<2x12800xf32, #tpu.memory_space<vmem>>, vector<16xf32>,
      %add3A_579 = arith.constant 16 : i32
      %add3A_580 = arith.addi %mul3A_573, %add3A_579 : i32
      %swap3A_581 = arith.constant 0 : i32
      %swap3A_582 = arith.index_cast %swap3A_581 : i32 to index
      %swap3A_583 = arith.index_cast %add3A_580 : i32 to index
      %swap3A_584 = tpu.vector_load %arg6[%swap3A_582, %swap3A_583] {strides = array<i32>} : memref<2x12800xf32, #tpu.memory_space<vmem>>, vector<16xf32>,
      tpu.vector_store %arg6[%swap3A_582, %swap3A_583], %broadcast_in_dim3A_1 {strides = array<i32>} : memref<2x12800xf32, #tpu.memory_space<vmem>>, vector<16xf32>,
      %add3A_585 = arith.constant 32 : i32
      %add3A_586 = arith.addi %mul3A_573, %add3A_585 : i32
      %swap3A_587 = arith.constant 0 : i32
      %swap3A_588 = arith.index_cast %swap3A_587 : i32 to index
      %swap3A_589 = arith.index_cast %add3A_586 : i32 to index
      %swap3A_590 = tpu.vector_load %arg6[%swap3A_588, %swap3A_589] {strides = array<i32>} : memref<2x12800xf32, #tpu.memory_space<vmem>>, vector<16xf32>,
      tpu.vector_store %arg6[%swap3A_588, %swap3A_589], %broadcast_in_dim3A_1 {strides = array<i32>} : memref<2x12800xf32, #tpu.memory_space<vmem>>, vector<16xf32>,
      %add3A_591 = arith.constant 48 : i32
      %add3A_592 = arith.addi %mul3A_573, %add3A_591 : i32
      %swap3A_593 = arith.constant 0 : i32
      %swap3A_594 = arith.index_cast %swap3A_593 : i32 to index
      %swap3A_595 = arith.index_cast %add3A_592 : i32 to index
      %swap3A_596 = tpu.vector_load %arg6[%swap3A_594, %swap3A_595] {strides = array<i32>} : memref<2x12800xf32, #tpu.memory_space<vmem>>, vector<16xf32>,
      tpu.vector_store %arg6[%swap3A_594, %swap3A_595], %broadcast_in_dim3A_1 {strides = array<i32>} : memref<2x12800xf32, #tpu.memory_space<vmem>>, vector<16xf32>,
      %add3A_597 = arith.constant 0 : i32
      %add3A_598 = arith.addi %mul3A_573, %add3A_597 : i32
      %swap3A_599 = arith.constant 1 : i32
      %swap3A_600 = arith.index_cast %swap3A_599 : i32 to index
      %swap3A_601 = arith.index_cast %add3A_598 : i32 to index
      %swap3A_602 = tpu.vector_load %arg6[%swap3A_600, %swap3A_601] {strides = array<i32>} : memref<2x12800xf32, #tpu.memory_space<vmem>>, vector<16xf32>,
      tpu.vector_store %arg6[%swap3A_600, %swap3A_601], %broadcast_in_dim3A_1 {strides = array<i32>} : memref<2x12800xf32, #tpu.memory_space<vmem>>, vector<16xf32>,
      %add3A_603 = arith.constant 16 : i32
      %add3A_604 = arith.addi %mul3A_573, %add3A_603 : i32
      %swap3A_605 = arith.constant 1 : i32
      %swap3A_606 = arith.index_cast %swap3A_605 : i32 to index
      %swap3A_607 = arith.index_cast %add3A_604 : i32 to index
      %swap3A_608 = tpu.vector_load %arg6[%swap3A_606, %swap3A_607] {strides = array<i32>} : memref<2x12800xf32, #tpu.memory_space<vmem>>, vector<16xf32>,
      tpu.vector_store %arg6[%swap3A_606, %swap3A_607], %broadcast_in_dim3A_1 {strides = array<i32>} : memref<2x12800xf32, #tpu.memory_space<vmem>>, vector<16xf32>,
      %add3A_609 = arith.constant 32 : i32
      %add3A_610 = arith.addi %mul3A_573, %add3A_609 : i32
      %swap3A_611 = arith.constant 1 : i32
      %swap3A_612 = arith.index_cast %swap3A_611 : i32 to index
      %swap3A_613 = arith.index_cast %add3A_610 : i32 to index
      %swap3A_614 = tpu.vector_load %arg6[%swap3A_612, %swap3A_613] {strides = array<i32>} : memref<2x12800xf32, #tpu.memory_space<vmem>>, vector<16xf32>,
      tpu.vector_store %arg6[%swap3A_612, %swap3A_613], %broadcast_in_dim3A_1 {strides = array<i32>} : memref<2x12800xf32, #tpu.memory_space<vmem>>, vector<16xf32>,
      %add3A_615 = arith.constant 48 : i32
      %add3A_616 = arith.addi %mul3A_573, %add3A_615 : i32
      %swap3A_617 = arith.constant 1 : i32
      %swap3A_618 = arith.index_cast %swap3A_617 : i32 to index
      %swap3A_619 = arith.index_cast %add3A_616 : i32 to index
      %swap3A_620 = tpu.vector_load %arg6[%swap3A_618, %swap3A_619] {strides = array<i32>} : memref<2x12800xf32, #tpu.memory_space<vmem>>, vector<16xf32>,
      tpu.vector_store %arg6[%swap3A_618, %swap3A_619], %broadcast_in_dim3A_1 {strides = array<i32>} : memref<2x12800xf32, #tpu.memory_space<vmem>>, vector<16xf32>,
    }
    %scan3A_148 = arith.constant 200 : i32
    %broadcast_in_dim3A_149 = arith.constant 0 : i32
    %broadcast_in_dim3A_150 = vector.broadcast %broadcast_in_dim3A_149 : i32 to vector<16xi32>
    %get3A_151 = arith.constant 2 : i32
    %get3A_152 = arith.index_cast %get3A_151 : i32 to index
    %get3A_153 = arith.constant 0 : index
    %get3A_154 = tpu.vector_load %arg4[%get3A_152, %get3A_153] {strides = array<i32>} : memref<128x100xi32, #tpu.memory_space<vmem>>, vector<16xi32>,
    %add3A_155 = arith.addi %get3A_154, %mul3A_6 : vector<16xi32>
    %add3A_156 = arith.constant 0 : i32
    %add3A_157 = vector.broadcast %add3A_156 : i32 to vector<16xi32>
    %add3A_158 = arith.addi %add3A_155, %add3A_157 : vector<16xi32>
    tpu.vector_store_idx %arg6[%broadcast_in_dim3A_150, %add3A_158], %broadcast_in_dim3A_3 : memref<2x12800xf32, #tpu.memory_space<vmem>>[vector<16xi32>, vector<16xi32>], vector<16xf32>,
    %get3A_159 = arith.constant 2 : i32
    %get3A_160 = arith.index_cast %get3A_159 : i32 to index
    %get3A_161 = arith.constant 16 : index
    %get3A_162 = tpu.vector_load %arg4[%get3A_160, %get3A_161] {strides = array<i32>} : memref<128x100xi32, #tpu.memory_space<vmem>>, vector<16xi32>,
    %add3A_163 = arith.addi %get3A_162, %mul3A_6 : vector<16xi32>
    %add3A_164 = arith.constant 2048 : i32
    %add3A_165 = vector.broadcast %add3A_164 : i32 to vector<16xi32>
    %add3A_166 = arith.addi %add3A_163, %add3A_165 : vector<16xi32>
    tpu.vector_store_idx %arg6[%broadcast_in_dim3A_150, %add3A_166], %broadcast_in_dim3A_3 : memref<2x12800xf32, #tpu.memory_space<vmem>>[vector<16xi32>, vector<16xi32>], vector<16xf32>,
    %get3A_167 = arith.constant 2 : i32
    %get3A_168 = arith.index_cast %get3A_167 : i32 to index
    %get3A_169 = arith.constant 32 : index
    %get3A_170 = tpu.vector_load %arg4[%get3A_168, %get3A_169] {strides = array<i32>} : memref<128x100xi32, #tpu.memory_space<vmem>>, vector<16xi32>,
    %add3A_171 = arith.addi %get3A_170, %mul3A_6 : vector<16xi32>
    %add3A_172 = arith.constant 4096 : i32
    %add3A_173 = vector.broadcast %add3A_172 : i32 to vector<16xi32>
    %add3A_174 = arith.addi %add3A_171, %add3A_173 : vector<16xi32>
    tpu.vector_store_idx %arg6[%broadcast_in_dim3A_150, %add3A_174], %broadcast_in_dim3A_3 : memref<2x12800xf32, #tpu.memory_space<vmem>>[vector<16xi32>, vector<16xi32>], vector<16xf32>,
    %get3A_175 = arith.constant 2 : i32
    %get3A_176 = arith.index_cast %get3A_175 : i32 to index
    %get3A_177 = arith.constant 48 : index
    %get3A_178 = tpu.vector_load %arg4[%get3A_176, %get3A_177] {strides = array<i32>} : memref<128x100xi32, #tpu.memory_space<vmem>>, vector<16xi32>,
    %add3A_179 = arith.addi %get3A_178, %mul3A_6 : vector<16xi32>
    %add3A_180 = arith.constant 6144 : i32
    %add3A_181 = vector.broadcast %add3A_180 : i32 to vector<16xi32>
    %add3A_182 = arith.addi %add3A_179, %add3A_181 : vector<16xi32>
    tpu.vector_store_idx %arg6[%broadcast_in_dim3A_150, %add3A_182], %broadcast_in_dim3A_3 : memref<2x12800xf32, #tpu.memory_space<vmem>>[vector<16xi32>, vector<16xi32>], vector<16xf32>,
    %get3A_183 = arith.constant 2 : i32
    %get3A_184 = arith.index_cast %get3A_183 : i32 to index
    %get3A_185 = arith.constant 64 : index
    %get3A_186 = tpu.vector_load %arg4[%get3A_184, %get3A_185] {strides = array<i32>} : memref<128x100xi32, #tpu.memory_space<vmem>>, vector<16xi32>,
    %add3A_187 = arith.addi %get3A_186, %mul3A_6 : vector<16xi32>
    %add3A_188 = arith.constant 8192 : i32
    %add3A_189 = vector.broadcast %add3A_188 : i32 to vector<16xi32>
    %add3A_190 = arith.addi %add3A_187, %add3A_189 : vector<16xi32>
    tpu.vector_store_idx %arg6[%broadcast_in_dim3A_150, %add3A_190], %broadcast_in_dim3A_3 : memref<2x12800xf32, #tpu.memory_space<vmem>>[vector<16xi32>, vector<16xi32>], vector<16xf32>,
    %get3A_191 = arith.constant 2 : i32
    %get3A_192 = arith.index_cast %get3A_191 : i32 to index
    %get3A_193 = arith.constant 80 : index
    %get3A_194 = tpu.vector_load %arg4[%get3A_192, %get3A_193] {strides = array<i32>} : memref<128x100xi32, #tpu.memory_space<vmem>>, vector<16xi32>,
    %add3A_195 = arith.addi %get3A_194, %mul3A_6 : vector<16xi32>
    %add3A_196 = arith.constant 10240 : i32
    %add3A_197 = vector.broadcast %add3A_196 : i32 to vector<16xi32>
    %add3A_198 = arith.addi %add3A_195, %add3A_197 : vector<16xi32>
    tpu.vector_store_idx %arg6[%broadcast_in_dim3A_150, %add3A_198], %broadcast_in_dim3A_3 : memref<2x12800xf32, #tpu.memory_space<vmem>>[vector<16xi32>, vector<16xi32>], vector<16xf32>,
    %get3A_199 = arith.constant 2 : i32
    %get3A_200 = arith.index_cast %get3A_199 : i32 to index
    %get3A_201 = arith.constant 84 : index
    %get3A_202 = tpu.vector_load %arg4[%get3A_200, %get3A_201] {strides = array<i32>} : memref<128x100xi32, #tpu.memory_space<vmem>>, vector<16xi32>,
    %add3A_203 = arith.addi %get3A_202, %mul3A_6 : vector<16xi32>
    %add3A_204 = arith.constant 10752 : i32
    %add3A_205 = vector.broadcast %add3A_204 : i32 to vector<16xi32>
    %add3A_206 = arith.addi %add3A_203, %add3A_205 : vector<16xi32>
    tpu.vector_store_idx %arg6[%broadcast_in_dim3A_150, %add3A_206], %broadcast_in_dim3A_3 : memref<2x12800xf32, #tpu.memory_space<vmem>>[vector<16xi32>, vector<16xi32>], vector<16xf32>,
    %broadcast_in_dim3A_207 = arith.constant 1 : i32
    %broadcast_in_dim3A_208 = vector.broadcast %broadcast_in_dim3A_207 : i32 to vector<16xi32>
    %get3A_209 = arith.constant 3 : i32
    %get3A_210 = arith.index_cast %get3A_209 : i32 to index
    %get3A_211 = arith.constant 0 : index
    %get3A_212 = tpu.vector_load %arg4[%get3A_210, %get3A_211] {strides = array<i32>} : memref<128x100xi32, #tpu.memory_space<vmem>>, vector<16xi32>,
    %add3A_213 = arith.addi %get3A_212, %mul3A_6 : vector<16xi32>
    %add3A_214 = arith.constant 0 : i32
    %add3A_215 = vector.broadcast %add3A_214 : i32 to vector<16xi32>
    %add3A_216 = arith.addi %add3A_213, %add3A_215 : vector<16xi32>
    tpu.vector_store_idx %arg6[%broadcast_in_dim3A_208, %add3A_216], %broadcast_in_dim3A_3 : memref<2x12800xf32, #tpu.memory_space<vmem>>[vector<16xi32>, vector<16xi32>], vector<16xf32>,
    %get3A_217 = arith.constant 3 : i32
    %get3A_218 = arith.index_cast %get3A_217 : i32 to index
    %get3A_219 = arith.constant 16 : index
    %get3A_220 = tpu.vector_load %arg4[%get3A_218, %get3A_219] {strides = array<i32>} : memref<128x100xi32, #tpu.memory_space<vmem>>, vector<16xi32>,
    %add3A_221 = arith.addi %get3A_220, %mul3A_6 : vector<16xi32>
    %add3A_222 = arith.constant 2048 : i32
    %add3A_223 = vector.broadcast %add3A_222 : i32 to vector<16xi32>
    %add3A_224 = arith.addi %add3A_221, %add3A_223 : vector<16xi32>
    tpu.vector_store_idx %arg6[%broadcast_in_dim3A_208, %add3A_224], %broadcast_in_dim3A_3 : memref<2x12800xf32, #tpu.memory_space<vmem>>[vector<16xi32>, vector<16xi32>], vector<16xf32>,
    %get3A_225 = arith.constant 3 : i32
    %get3A_226 = arith.index_cast %get3A_225 : i32 to index
    %get3A_227 = arith.constant 32 : index
    %get3A_228 = tpu.vector_load %arg4[%get3A_226, %get3A_227] {strides = array<i32>} : memref<128x100xi32, #tpu.memory_space<vmem>>, vector<16xi32>,
    %add3A_229 = arith.addi %get3A_228, %mul3A_6 : vector<16xi32>
    %add3A_230 = arith.constant 4096 : i32
    %add3A_231 = vector.broadcast %add3A_230 : i32 to vector<16xi32>
    %add3A_232 = arith.addi %add3A_229, %add3A_231 : vector<16xi32>
    tpu.vector_store_idx %arg6[%broadcast_in_dim3A_208, %add3A_232], %broadcast_in_dim3A_3 : memref<2x12800xf32, #tpu.memory_space<vmem>>[vector<16xi32>, vector<16xi32>], vector<16xf32>,
    %get3A_233 = arith.constant 3 : i32
    %get3A_234 = arith.index_cast %get3A_233 : i32 to index
    %get3A_235 = arith.constant 48 : index
    %get3A_236 = tpu.vector_load %arg4[%get3A_234, %get3A_235] {strides = array<i32>} : memref<128x100xi32, #tpu.memory_space<vmem>>, vector<16xi32>,
    %add3A_237 = arith.addi %get3A_236, %mul3A_6 : vector<16xi32>
    %add3A_238 = arith.constant 6144 : i32
    %add3A_239 = vector.broadcast %add3A_238 : i32 to vector<16xi32>
    %add3A_240 = arith.addi %add3A_237, %add3A_239 : vector<16xi32>
    tpu.vector_store_idx %arg6[%broadcast_in_dim3A_208, %add3A_240], %broadcast_in_dim3A_3 : memref<2x12800xf32, #tpu.memory_space<vmem>>[vector<16xi32>, vector<16xi32>], vector<16xf32>,
    %get3A_241 = arith.constant 3 : i32
    %get3A_242 = arith.index_cast %get3A_241 : i32 to index
    %get3A_243 = arith.constant 64 : index
    %get3A_244 = tpu.vector_load %arg4[%get3A_242, %get3A_243] {strides = array<i32>} : memref<128x100xi32, #tpu.memory_space<vmem>>, vector<16xi32>,
    %add3A_245 = arith.addi %get3A_244, %mul3A_6 : vector<16xi32>
    %add3A_246 = arith.constant 8192 : i32
    %add3A_247 = vector.broadcast %add3A_246 : i32 to vector<16xi32>
    %add3A_248 = arith.addi %add3A_245, %add3A_247 : vector<16xi32>
    tpu.vector_store_idx %arg6[%broadcast_in_dim3A_208, %add3A_248], %broadcast_in_dim3A_3 : memref<2x12800xf32, #tpu.memory_space<vmem>>[vector<16xi32>, vector<16xi32>], vector<16xf32>,
    %get3A_249 = arith.constant 3 : i32
    %get3A_250 = arith.index_cast %get3A_249 : i32 to index
    %get3A_251 = arith.constant 80 : index
    %get3A_252 = tpu.vector_load %arg4[%get3A_250, %get3A_251] {strides = array<i32>} : memref<128x100xi32, #tpu.memory_space<vmem>>, vector<16xi32>,
    %add3A_253 = arith.addi %get3A_252, %mul3A_6 : vector<16xi32>
    %add3A_254 = arith.constant 10240 : i32
    %add3A_255 = vector.broadcast %add3A_254 : i32 to vector<16xi32>
    %add3A_256 = arith.addi %add3A_253, %add3A_255 : vector<16xi32>
    tpu.vector_store_idx %arg6[%broadcast_in_dim3A_208, %add3A_256], %broadcast_in_dim3A_3 : memref<2x12800xf32, #tpu.memory_space<vmem>>[vector<16xi32>, vector<16xi32>], vector<16xf32>,
    %get3A_257 = arith.constant 3 : i32
    %get3A_258 = arith.index_cast %get3A_257 : i32 to index
    %get3A_259 = arith.constant 84 : index
    %get3A_260 = tpu.vector_load %arg4[%get3A_258, %get3A_259] {strides = array<i32>} : memref<128x100xi32, #tpu.memory_space<vmem>>, vector<16xi32>,
    %add3A_261 = arith.addi %get3A_260, %mul3A_6 : vector<16xi32>
    %add3A_262 = arith.constant 10752 : i32
    %add3A_263 = vector.broadcast %add3A_262 : i32 to vector<16xi32>
    %add3A_264 = arith.addi %add3A_261, %add3A_263 : vector<16xi32>
    tpu.vector_store_idx %arg6[%broadcast_in_dim3A_208, %add3A_264], %broadcast_in_dim3A_3 : memref<2x12800xf32, #tpu.memory_space<vmem>>[vector<16xi32>, vector<16xi32>], vector<16xf32>,
    %mul3A_265 = arith.constant 128 : i32
    %mul3A_266 = arith.muli %add3A, %mul3A_265 : i32
    %add3A_267 = arith.constant 2 : i32
    %add3A_268 = arith.addi %mul3A_266, %add3A_267 : i32
    %dma_start3A_269 = arith.constant 0 : i32
    %dma_start3A_270 = tpu.memref_slice %arg3[%add3A_268, %dma_start3A_269] : memref<4096x12800xf32, #tpu.memory_space<hbm>> -> memref<2x12800xf32, #tpu.memory_space<hbm>>
    %dma_start3A_271 = arith.constant 0 : i32
    %dma_start3A_272 = tpu.memref_slice %arg3[%add3A_268, %dma_start3A_271] : memref<4096x12800xf32, #tpu.memory_space<hbm>> -> memref<2x12800xf32, #tpu.memory_space<hbm>>
    tpu.enqueue_dma source(%arg6 : memref<2x12800xf32, #tpu.memory_space<vmem>>) target(%dma_start3A_272 : memref<2x12800xf32, #tpu.memory_space<hbm>>) target_semaphore(%arg10 : memref<!tpu.dma_semaphore, #tpu.memory_space<semaphore_mem>>)
    %scan3A_273 = arith.constant 0 : i32
    %scan3A_274 = arith.constant 0 : i32
    %scan3A_275 = arith.constant 200 : i32
    %scan3A_276 = arith.addi %scan3A_274, %scan3A_275 : i32
    %scan3A_277 = arith.constant 1 : i32
    scf.for %scan3A_571 = %scan3A_274 to %scan3A_276 step %scan3A_277  : i32 {
      %mul3A_572 = arith.constant 64 : i32
      %mul3A_573 = arith.muli %scan3A_571, %mul3A_572 : i32
      %add3A_574 = arith.constant 0 : i32
      %add3A_575 = arith.addi %mul3A_573, %add3A_574 : i32
      %swap3A = arith.constant 0 : i32
      %swap3A_576 = arith.index_cast %swap3A : i32 to index
      %swap3A_577 = arith.index_cast %add3A_575 : i32 to index
      %swap3A_578 = tpu.vector_load %arg7[%swap3A_576, %swap3A_577] {strides = array<i32>} : memref<2x12800xf32, #tpu.memory_space<vmem>>, vector<16xf32>,
      tpu.vector_store %arg7[%swap3A_576, %swap3A_577], %broadcast_in_dim3A_1 {strides = array<i32>} : memref<2x12800xf32, #tpu.memory_space<vmem>>, vector<16xf32>,
      %add3A_579 = arith.constant 16 : i32
      %add3A_580 = arith.addi %mul3A_573, %add3A_579 : i32
      %swap3A_581 = arith.constant 0 : i32
      %swap3A_582 = arith.index_cast %swap3A_581 : i32 to index
      %swap3A_583 = arith.index_cast %add3A_580 : i32 to index
      %swap3A_584 = tpu.vector_load %arg7[%swap3A_582, %swap3A_583] {strides = array<i32>} : memref<2x12800xf32, #tpu.memory_space<vmem>>, vector<16xf32>,
      tpu.vector_store %arg7[%swap3A_582, %swap3A_583], %broadcast_in_dim3A_1 {strides = array<i32>} : memref<2x12800xf32, #tpu.memory_space<vmem>>, vector<16xf32>,
      %add3A_585 = arith.constant 32 : i32
      %add3A_586 = arith.addi %mul3A_573, %add3A_585 : i32
      %swap3A_587 = arith.constant 0 : i32
      %swap3A_588 = arith.index_cast %swap3A_587 : i32 to index
      %swap3A_589 = arith.index_cast %add3A_586 : i32 to index
      %swap3A_590 = tpu.vector_load %arg7[%swap3A_588, %swap3A_589] {strides = array<i32>} : memref<2x12800xf32, #tpu.memory_space<vmem>>, vector<16xf32>,
      tpu.vector_store %arg7[%swap3A_588, %swap3A_589], %broadcast_in_dim3A_1 {strides = array<i32>} : memref<2x12800xf32, #tpu.memory_space<vmem>>, vector<16xf32>,
      %add3A_591 = arith.constant 48 : i32
      %add3A_592 = arith.addi %mul3A_573, %add3A_591 : i32
      %swap3A_593 = arith.constant 0 : i32
      %swap3A_594 = arith.index_cast %swap3A_593 : i32 to index
      %swap3A_595 = arith.index_cast %add3A_592 : i32 to index
      %swap3A_596 = tpu.vector_load %arg7[%swap3A_594, %swap3A_595] {strides = array<i32>} : memref<2x12800xf32, #tpu.memory_space<vmem>>, vector<16xf32>,
      tpu.vector_store %arg7[%swap3A_594, %swap3A_595], %broadcast_in_dim3A_1 {strides = array<i32>} : memref<2x12800xf32, #tpu.memory_space<vmem>>, vector<16xf32>,
      %add3A_597 = arith.constant 0 : i32
      %add3A_598 = arith.addi %mul3A_573, %add3A_597 : i32
      %swap3A_599 = arith.constant 1 : i32
      %swap3A_600 = arith.index_cast %swap3A_599 : i32 to index
      %swap3A_601 = arith.index_cast %add3A_598 : i32 to index
      %swap3A_602 = tpu.vector_load %arg7[%swap3A_600, %swap3A_601] {strides = array<i32>} : memref<2x12800xf32, #tpu.memory_space<vmem>>, vector<16xf32>,
      tpu.vector_store %arg7[%swap3A_600, %swap3A_601], %broadcast_in_dim3A_1 {strides = array<i32>} : memref<2x12800xf32, #tpu.memory_space<vmem>>, vector<16xf32>,
      %add3A_603 = arith.constant 16 : i32
      %add3A_604 = arith.addi %mul3A_573, %add3A_603 : i32
      %swap3A_605 = arith.constant 1 : i32
      %swap3A_606 = arith.index_cast %swap3A_605 : i32 to index
      %swap3A_607 = arith.index_cast %add3A_604 : i32 to index
      %swap3A_608 = tpu.vector_load %arg7[%swap3A_606, %swap3A_607] {strides = array<i32>} : memref<2x12800xf32, #tpu.memory_space<vmem>>, vector<16xf32>,
      tpu.vector_store %arg7[%swap3A_606, %swap3A_607], %broadcast_in_dim3A_1 {strides = array<i32>} : memref<2x12800xf32, #tpu.memory_space<vmem>>, vector<16xf32>,
      %add3A_609 = arith.constant 32 : i32
      %add3A_610 = arith.addi %mul3A_573, %add3A_609 : i32
      %swap3A_611 = arith.constant 1 : i32
      %swap3A_612 = arith.index_cast %swap3A_611 : i32 to index
      %swap3A_613 = arith.index_cast %add3A_610 : i32 to index
      %swap3A_614 = tpu.vector_load %arg7[%swap3A_612, %swap3A_613] {strides = array<i32>} : memref<2x12800xf32, #tpu.memory_space<vmem>>, vector<16xf32>,
      tpu.vector_store %arg7[%swap3A_612, %swap3A_613], %broadcast_in_dim3A_1 {strides = array<i32>} : memref<2x12800xf32, #tpu.memory_space<vmem>>, vector<16xf32>,
      %add3A_615 = arith.constant 48 : i32
      %add3A_616 = arith.addi %mul3A_573, %add3A_615 : i32
      %swap3A_617 = arith.constant 1 : i32
      %swap3A_618 = arith.index_cast %swap3A_617 : i32 to index
      %swap3A_619 = arith.index_cast %add3A_616 : i32 to index
      %swap3A_620 = tpu.vector_load %arg7[%swap3A_618, %swap3A_619] {strides = array<i32>} : memref<2x12800xf32, #tpu.memory_space<vmem>>, vector<16xf32>,
      tpu.vector_store %arg7[%swap3A_618, %swap3A_619], %broadcast_in_dim3A_1 {strides = array<i32>} : memref<2x12800xf32, #tpu.memory_space<vmem>>, vector<16xf32>,
    }
    %scan3A_278 = arith.constant 200 : i32
    %broadcast_in_dim3A_279 = arith.constant 0 : i32
    %broadcast_in_dim3A_280 = vector.broadcast %broadcast_in_dim3A_279 : i32 to vector<16xi32>
    %get3A_281 = arith.constant 4 : i32
    %get3A_282 = arith.index_cast %get3A_281 : i32 to index
    %get3A_283 = arith.constant 0 : index
    %get3A_284 = tpu.vector_load %arg4[%get3A_282, %get3A_283] {strides = array<i32>} : memref<128x100xi32, #tpu.memory_space<vmem>>, vector<16xi32>,
    %add3A_285 = arith.addi %get3A_284, %mul3A_6 : vector<16xi32>
    %add3A_286 = arith.constant 0 : i32
    %add3A_287 = vector.broadcast %add3A_286 : i32 to vector<16xi32>
    %add3A_288 = arith.addi %add3A_285, %add3A_287 : vector<16xi32>
    tpu.vector_store_idx %arg7[%broadcast_in_dim3A_280, %add3A_288], %broadcast_in_dim3A_3 : memref<2x12800xf32, #tpu.memory_space<vmem>>[vector<16xi32>, vector<16xi32>], vector<16xf32>,
    %get3A_289 = arith.constant 4 : i32
    %get3A_290 = arith.index_cast %get3A_289 : i32 to index
    %get3A_291 = arith.constant 16 : index
    %get3A_292 = tpu.vector_load %arg4[%get3A_290, %get3A_291] {strides = array<i32>} : memref<128x100xi32, #tpu.memory_space<vmem>>, vector<16xi32>,
    %add3A_293 = arith.addi %get3A_292, %mul3A_6 : vector<16xi32>
    %add3A_294 = arith.constant 2048 : i32
    %add3A_295 = vector.broadcast %add3A_294 : i32 to vector<16xi32>
    %add3A_296 = arith.addi %add3A_293, %add3A_295 : vector<16xi32>
    tpu.vector_store_idx %arg7[%broadcast_in_dim3A_280, %add3A_296], %broadcast_in_dim3A_3 : memref<2x12800xf32, #tpu.memory_space<vmem>>[vector<16xi32>, vector<16xi32>], vector<16xf32>,
    %get3A_297 = arith.constant 4 : i32
    %get3A_298 = arith.index_cast %get3A_297 : i32 to index
    %get3A_299 = arith.constant 32 : index
    %get3A_300 = tpu.vector_load %arg4[%get3A_298, %get3A_299] {strides = array<i32>} : memref<128x100xi32, #tpu.memory_space<vmem>>, vector<16xi32>,
    %add3A_301 = arith.addi %get3A_300, %mul3A_6 : vector<16xi32>
    %add3A_302 = arith.constant 4096 : i32
    %add3A_303 = vector.broadcast %add3A_302 : i32 to vector<16xi32>
    %add3A_304 = arith.addi %add3A_301, %add3A_303 : vector<16xi32>
    tpu.vector_store_idx %arg7[%broadcast_in_dim3A_280, %add3A_304], %broadcast_in_dim3A_3 : memref<2x12800xf32, #tpu.memory_space<vmem>>[vector<16xi32>, vector<16xi32>], vector<16xf32>,
    %get3A_305 = arith.constant 4 : i32
    %get3A_306 = arith.index_cast %get3A_305 : i32 to index
    %get3A_307 = arith.constant 48 : index
    %get3A_308 = tpu.vector_load %arg4[%get3A_306, %get3A_307] {strides = array<i32>} : memref<128x100xi32, #tpu.memory_space<vmem>>, vector<16xi32>,
    %add3A_309 = arith.addi %get3A_308, %mul3A_6 : vector<16xi32>
    %add3A_310 = arith.constant 6144 : i32
    %add3A_311 = vector.broadcast %add3A_310 : i32 to vector<16xi32>
    %add3A_312 = arith.addi %add3A_309, %add3A_311 : vector<16xi32>
    tpu.vector_store_idx %arg7[%broadcast_in_dim3A_280, %add3A_312], %broadcast_in_dim3A_3 : memref<2x12800xf32, #tpu.memory_space<vmem>>[vector<16xi32>, vector<16xi32>], vector<16xf32>,
    %get3A_313 = arith.constant 4 : i32
    %get3A_314 = arith.index_cast %get3A_313 : i32 to index
    %get3A_315 = arith.constant 64 : index
    %get3A_316 = tpu.vector_load %arg4[%get3A_314, %get3A_315] {strides = array<i32>} : memref<128x100xi32, #tpu.memory_space<vmem>>, vector<16xi32>,
    %add3A_317 = arith.addi %get3A_316, %mul3A_6 : vector<16xi32>
    %add3A_318 = arith.constant 8192 : i32
    %add3A_319 = vector.broadcast %add3A_318 : i32 to vector<16xi32>
    %add3A_320 = arith.addi %add3A_317, %add3A_319 : vector<16xi32>
    tpu.vector_store_idx %arg7[%broadcast_in_dim3A_280, %add3A_320], %broadcast_in_dim3A_3 : memref<2x12800xf32, #tpu.memory_space<vmem>>[vector<16xi32>, vector<16xi32>], vector<16xf32>,
    %get3A_321 = arith.constant 4 : i32
    %get3A_322 = arith.index_cast %get3A_321 : i32 to index
    %get3A_323 = arith.constant 80 : index
    %get3A_324 = tpu.vector_load %arg4[%get3A_322, %get3A_323] {strides = array<i32>} : memref<128x100xi32, #tpu.memory_space<vmem>>, vector<16xi32>,
    %add3A_325 = arith.addi %get3A_324, %mul3A_6 : vector<16xi32>
    %add3A_326 = arith.constant 10240 : i32
    %add3A_327 = vector.broadcast %add3A_326 : i32 to vector<16xi32>
    %add3A_328 = arith.addi %add3A_325, %add3A_327 : vector<16xi32>
    tpu.vector_store_idx %arg7[%broadcast_in_dim3A_280, %add3A_328], %broadcast_in_dim3A_3 : memref<2x12800xf32, #tpu.memory_space<vmem>>[vector<16xi32>, vector<16xi32>], vector<16xf32>,
    %get3A_329 = arith.constant 4 : i32
    %get3A_330 = arith.index_cast %get3A_329 : i32 to index
    %get3A_331 = arith.constant 84 : index
    %get3A_332 = tpu.vector_load %arg4[%get3A_330, %get3A_331] {strides = array<i32>} : memref<128x100xi32, #tpu.memory_space<vmem>>, vector<16xi32>,
    %add3A_333 = arith.addi %get3A_332, %mul3A_6 : vector<16xi32>
    %add3A_334 = arith.constant 10752 : i32
    %add3A_335 = vector.broadcast %add3A_334 : i32 to vector<16xi32>
    %add3A_336 = arith.addi %add3A_333, %add3A_335 : vector<16xi32>
    tpu.vector_store_idx %arg7[%broadcast_in_dim3A_280, %add3A_336], %broadcast_in_dim3A_3 : memref<2x12800xf32, #tpu.memory_space<vmem>>[vector<16xi32>, vector<16xi32>], vector<16xf32>,
    %broadcast_in_dim3A_337 = arith.constant 1 : i32
    %broadcast_in_dim3A_338 = vector.broadcast %broadcast_in_dim3A_337 : i32 to vector<16xi32>
    %get3A_339 = arith.constant 5 : i32
    %get3A_340 = arith.index_cast %get3A_339 : i32 to index
    %get3A_341 = arith.constant 0 : index
    %get3A_342 = tpu.vector_load %arg4[%get3A_340, %get3A_341] {strides = array<i32>} : memref<128x100xi32, #tpu.memory_space<vmem>>, vector<16xi32>,
    %add3A_343 = arith.addi %get3A_342, %mul3A_6 : vector<16xi32>
    %add3A_344 = arith.constant 0 : i32
    %add3A_345 = vector.broadcast %add3A_344 : i32 to vector<16xi32>
    %add3A_346 = arith.addi %add3A_343, %add3A_345 : vector<16xi32>
    tpu.vector_store_idx %arg7[%broadcast_in_dim3A_338, %add3A_346], %broadcast_in_dim3A_3 : memref<2x12800xf32, #tpu.memory_space<vmem>>[vector<16xi32>, vector<16xi32>], vector<16xf32>,
    %get3A_347 = arith.constant 5 : i32
    %get3A_348 = arith.index_cast %get3A_347 : i32 to index
    %get3A_349 = arith.constant 16 : index
    %get3A_350 = tpu.vector_load %arg4[%get3A_348, %get3A_349] {strides = array<i32>} : memref<128x100xi32, #tpu.memory_space<vmem>>, vector<16xi32>,
    %add3A_351 = arith.addi %get3A_350, %mul3A_6 : vector<16xi32>
    %add3A_352 = arith.constant 2048 : i32
    %add3A_353 = vector.broadcast %add3A_352 : i32 to vector<16xi32>
    %add3A_354 = arith.addi %add3A_351, %add3A_353 : vector<16xi32>
    tpu.vector_store_idx %arg7[%broadcast_in_dim3A_338, %add3A_354], %broadcast_in_dim3A_3 : memref<2x12800xf32, #tpu.memory_space<vmem>>[vector<16xi32>, vector<16xi32>], vector<16xf32>,
    %get3A_355 = arith.constant 5 : i32
    %get3A_356 = arith.index_cast %get3A_355 : i32 to index
    %get3A_357 = arith.constant 32 : index
    %get3A_358 = tpu.vector_load %arg4[%get3A_356, %get3A_357] {strides = array<i32>} : memref<128x100xi32, #tpu.memory_space<vmem>>, vector<16xi32>,
    %add3A_359 = arith.addi %get3A_358, %mul3A_6 : vector<16xi32>
    %add3A_360 = arith.constant 4096 : i32
    %add3A_361 = vector.broadcast %add3A_360 : i32 to vector<16xi32>
    %add3A_362 = arith.addi %add3A_359, %add3A_361 : vector<16xi32>
    tpu.vector_store_idx %arg7[%broadcast_in_dim3A_338, %add3A_362], %broadcast_in_dim3A_3 : memref<2x12800xf32, #tpu.memory_space<vmem>>[vector<16xi32>, vector<16xi32>], vector<16xf32>,
    %get3A_363 = arith.constant 5 : i32
    %get3A_364 = arith.index_cast %get3A_363 : i32 to index
    %get3A_365 = arith.constant 48 : index
    %get3A_366 = tpu.vector_load %arg4[%get3A_364, %get3A_365] {strides = array<i32>} : memref<128x100xi32, #tpu.memory_space<vmem>>, vector<16xi32>,
    %add3A_367 = arith.addi %get3A_366, %mul3A_6 : vector<16xi32>
    %add3A_368 = arith.constant 6144 : i32
    %add3A_369 = vector.broadcast %add3A_368 : i32 to vector<16xi32>
    %add3A_370 = arith.addi %add3A_367, %add3A_369 : vector<16xi32>
    tpu.vector_store_idx %arg7[%broadcast_in_dim3A_338, %add3A_370], %broadcast_in_dim3A_3 : memref<2x12800xf32, #tpu.memory_space<vmem>>[vector<16xi32>, vector<16xi32>], vector<16xf32>,
    %get3A_371 = arith.constant 5 : i32
    %get3A_372 = arith.index_cast %get3A_371 : i32 to index
    %get3A_373 = arith.constant 64 : index
    %get3A_374 = tpu.vector_load %arg4[%get3A_372, %get3A_373] {strides = array<i32>} : memref<128x100xi32, #tpu.memory_space<vmem>>, vector<16xi32>,
    %add3A_375 = arith.addi %get3A_374, %mul3A_6 : vector<16xi32>
    %add3A_376 = arith.constant 8192 : i32
    %add3A_377 = vector.broadcast %add3A_376 : i32 to vector<16xi32>
    %add3A_378 = arith.addi %add3A_375, %add3A_377 : vector<16xi32>
    tpu.vector_store_idx %arg7[%broadcast_in_dim3A_338, %add3A_378], %broadcast_in_dim3A_3 : memref<2x12800xf32, #tpu.memory_space<vmem>>[vector<16xi32>, vector<16xi32>], vector<16xf32>,
    %get3A_379 = arith.constant 5 : i32
    %get3A_380 = arith.index_cast %get3A_379 : i32 to index
    %get3A_381 = arith.constant 80 : index
    %get3A_382 = tpu.vector_load %arg4[%get3A_380, %get3A_381] {strides = array<i32>} : memref<128x100xi32, #tpu.memory_space<vmem>>, vector<16xi32>,
    %add3A_383 = arith.addi %get3A_382, %mul3A_6 : vector<16xi32>
    %add3A_384 = arith.constant 10240 : i32
    %add3A_385 = vector.broadcast %add3A_384 : i32 to vector<16xi32>
    %add3A_386 = arith.addi %add3A_383, %add3A_385 : vector<16xi32>
    tpu.vector_store_idx %arg7[%broadcast_in_dim3A_338, %add3A_386], %broadcast_in_dim3A_3 : memref<2x12800xf32, #tpu.memory_space<vmem>>[vector<16xi32>, vector<16xi32>], vector<16xf32>,
    %get3A_387 = arith.constant 5 : i32
    %get3A_388 = arith.index_cast %get3A_387 : i32 to index
    %get3A_389 = arith.constant 84 : index
    %get3A_390 = tpu.vector_load %arg4[%get3A_388, %get3A_389] {strides = array<i32>} : memref<128x100xi32, #tpu.memory_space<vmem>>, vector<16xi32>,
    %add3A_391 = arith.addi %get3A_390, %mul3A_6 : vector<16xi32>
    %add3A_392 = arith.constant 10752 : i32
    %add3A_393 = vector.broadcast %add3A_392 : i32 to vector<16xi32>
    %add3A_394 = arith.addi %add3A_391, %add3A_393 : vector<16xi32>
    tpu.vector_store_idx %arg7[%broadcast_in_dim3A_338, %add3A_394], %broadcast_in_dim3A_3 : memref<2x12800xf32, #tpu.memory_space<vmem>>[vector<16xi32>, vector<16xi32>], vector<16xf32>,
    %mul3A_395 = arith.constant 128 : i32
    %mul3A_396 = arith.muli %add3A, %mul3A_395 : i32
    %add3A_397 = arith.constant 4 : i32
    %add3A_398 = arith.addi %mul3A_396, %add3A_397 : i32
    %dma_start3A_399 = arith.constant 0 : i32
    %dma_start3A_400 = tpu.memref_slice %arg3[%add3A_398, %dma_start3A_399] : memref<4096x12800xf32, #tpu.memory_space<hbm>> -> memref<2x12800xf32, #tpu.memory_space<hbm>>
    %dma_start3A_401 = arith.constant 0 : i32
    %dma_start3A_402 = tpu.memref_slice %arg3[%add3A_398, %dma_start3A_401] : memref<4096x12800xf32, #tpu.memory_space<hbm>> -> memref<2x12800xf32, #tpu.memory_space<hbm>>
    tpu.enqueue_dma source(%arg7 : memref<2x12800xf32, #tpu.memory_space<vmem>>) target(%dma_start3A_402 : memref<2x12800xf32, #tpu.memory_space<hbm>>) target_semaphore(%arg11 : memref<!tpu.dma_semaphore, #tpu.memory_space<semaphore_mem>>)
    %scan3A_403 = arith.constant 0 : i32
    %scan3A_404 = arith.constant 0 : i32
    %scan3A_405 = arith.constant 200 : i32
    %scan3A_406 = arith.addi %scan3A_404, %scan3A_405 : i32
    %scan3A_407 = arith.constant 1 : i32
    scf.for %scan3A_571 = %scan3A_404 to %scan3A_406 step %scan3A_407  : i32 {
      %mul3A_572 = arith.constant 64 : i32
      %mul3A_573 = arith.muli %scan3A_571, %mul3A_572 : i32
      %add3A_574 = arith.constant 0 : i32
      %add3A_575 = arith.addi %mul3A_573, %add3A_574 : i32
      %swap3A = arith.constant 0 : i32
      %swap3A_576 = arith.index_cast %swap3A : i32 to index
      %swap3A_577 = arith.index_cast %add3A_575 : i32 to index
      %swap3A_578 = tpu.vector_load %arg8[%swap3A_576, %swap3A_577] {strides = array<i32>} : memref<2x12800xf32, #tpu.memory_space<vmem>>, vector<16xf32>,
      tpu.vector_store %arg8[%swap3A_576, %swap3A_577], %broadcast_in_dim3A_1 {strides = array<i32>} : memref<2x12800xf32, #tpu.memory_space<vmem>>, vector<16xf32>,
      %add3A_579 = arith.constant 16 : i32
      %add3A_580 = arith.addi %mul3A_573, %add3A_579 : i32
      %swap3A_581 = arith.constant 0 : i32
      %swap3A_582 = arith.index_cast %swap3A_581 : i32 to index
      %swap3A_583 = arith.index_cast %add3A_580 : i32 to index
      %swap3A_584 = tpu.vector_load %arg8[%swap3A_582, %swap3A_583] {strides = array<i32>} : memref<2x12800xf32, #tpu.memory_space<vmem>>, vector<16xf32>,
      tpu.vector_store %arg8[%swap3A_582, %swap3A_583], %broadcast_in_dim3A_1 {strides = array<i32>} : memref<2x12800xf32, #tpu.memory_space<vmem>>, vector<16xf32>,
      %add3A_585 = arith.constant 32 : i32
      %add3A_586 = arith.addi %mul3A_573, %add3A_585 : i32
      %swap3A_587 = arith.constant 0 : i32
      %swap3A_588 = arith.index_cast %swap3A_587 : i32 to index
      %swap3A_589 = arith.index_cast %add3A_586 : i32 to index
      %swap3A_590 = tpu.vector_load %arg8[%swap3A_588, %swap3A_589] {strides = array<i32>} : memref<2x12800xf32, #tpu.memory_space<vmem>>, vector<16xf32>,
      tpu.vector_store %arg8[%swap3A_588, %swap3A_589], %broadcast_in_dim3A_1 {strides = array<i32>} : memref<2x12800xf32, #tpu.memory_space<vmem>>, vector<16xf32>,
      %add3A_591 = arith.constant 48 : i32
      %add3A_592 = arith.addi %mul3A_573, %add3A_591 : i32
      %swap3A_593 = arith.constant 0 : i32
      %swap3A_594 = arith.index_cast %swap3A_593 : i32 to index
      %swap3A_595 = arith.index_cast %add3A_592 : i32 to index
      %swap3A_596 = tpu.vector_load %arg8[%swap3A_594, %swap3A_595] {strides = array<i32>} : memref<2x12800xf32, #tpu.memory_space<vmem>>, vector<16xf32>,
      tpu.vector_store %arg8[%swap3A_594, %swap3A_595], %broadcast_in_dim3A_1 {strides = array<i32>} : memref<2x12800xf32, #tpu.memory_space<vmem>>, vector<16xf32>,
      %add3A_597 = arith.constant 0 : i32
      %add3A_598 = arith.addi %mul3A_573, %add3A_597 : i32
      %swap3A_599 = arith.constant 1 : i32
      %swap3A_600 = arith.index_cast %swap3A_599 : i32 to index
      %swap3A_601 = arith.index_cast %add3A_598 : i32 to index
      %swap3A_602 = tpu.vector_load %arg8[%swap3A_600, %swap3A_601] {strides = array<i32>} : memref<2x12800xf32, #tpu.memory_space<vmem>>, vector<16xf32>,
      tpu.vector_store %arg8[%swap3A_600, %swap3A_601], %broadcast_in_dim3A_1 {strides = array<i32>} : memref<2x12800xf32, #tpu.memory_space<vmem>>, vector<16xf32>,
      %add3A_603 = arith.constant 16 : i32
      %add3A_604 = arith.addi %mul3A_573, %add3A_603 : i32
      %swap3A_605 = arith.constant 1 : i32
      %swap3A_606 = arith.index_cast %swap3A_605 : i32 to index
      %swap3A_607 = arith.index_cast %add3A_604 : i32 to index
      %swap3A_608 = tpu.vector_load %arg8[%swap3A_606, %swap3A_607] {strides = array<i32>} : memref<2x12800xf32, #tpu.memory_space<vmem>>, vector<16xf32>,
      tpu.vector_store %arg8[%swap3A_606, %swap3A_607], %broadcast_in_dim3A_1 {strides = array<i32>} : memref<2x12800xf32, #tpu.memory_space<vmem>>, vector<16xf32>,
      %add3A_609 = arith.constant 32 : i32
      %add3A_610 = arith.addi %mul3A_573, %add3A_609 : i32
      %swap3A_611 = arith.constant 1 : i32
      %swap3A_612 = arith.index_cast %swap3A_611 : i32 to index
      %swap3A_613 = arith.index_cast %add3A_610 : i32 to index
      %swap3A_614 = tpu.vector_load %arg8[%swap3A_612, %swap3A_613] {strides = array<i32>} : memref<2x12800xf32, #tpu.memory_space<vmem>>, vector<16xf32>,
      tpu.vector_store %arg8[%swap3A_612, %swap3A_613], %broadcast_in_dim3A_1 {strides = array<i32>} : memref<2x12800xf32, #tpu.memory_space<vmem>>, vector<16xf32>,
      %add3A_615 = arith.constant 48 : i32
      %add3A_616 = arith.addi %mul3A_573, %add3A_615 : i32
      %swap3A_617 = arith.constant 1 : i32
      %swap3A_618 = arith.index_cast %swap3A_617 : i32 to index
      %swap3A_619 = arith.index_cast %add3A_616 : i32 to index
      %swap3A_620 = tpu.vector_load %arg8[%swap3A_618, %swap3A_619] {strides = array<i32>} : memref<2x12800xf32, #tpu.memory_space<vmem>>, vector<16xf32>,
      tpu.vector_store %arg8[%swap3A_618, %swap3A_619], %broadcast_in_dim3A_1 {strides = array<i32>} : memref<2x12800xf32, #tpu.memory_space<vmem>>, vector<16xf32>,
    }
    %scan3A_408 = arith.constant 200 : i32
    %broadcast_in_dim3A_409 = arith.constant 0 : i32
    %broadcast_in_dim3A_410 = vector.broadcast %broadcast_in_dim3A_409 : i32 to vector<16xi32>
    %get3A_411 = arith.constant 6 : i32
    %get3A_412 = arith.index_cast %get3A_411 : i32 to index
    %get3A_413 = arith.constant 0 : index
    %get3A_414 = tpu.vector_load %arg4[%get3A_412, %get3A_413] {strides = array<i32>} : memref<128x100xi32, #tpu.memory_space<vmem>>, vector<16xi32>,
    %add3A_415 = arith.addi %get3A_414, %mul3A_6 : vector<16xi32>
    %add3A_416 = arith.constant 0 : i32
    %add3A_417 = vector.broadcast %add3A_416 : i32 to vector<16xi32>
    %add3A_418 = arith.addi %add3A_415, %add3A_417 : vector<16xi32>
    tpu.vector_store_idx %arg8[%broadcast_in_dim3A_410, %add3A_418], %broadcast_in_dim3A_3 : memref<2x12800xf32, #tpu.memory_space<vmem>>[vector<16xi32>, vector<16xi32>], vector<16xf32>,
    %get3A_419 = arith.constant 6 : i32
    %get3A_420 = arith.index_cast %get3A_419 : i32 to index
    %get3A_421 = arith.constant 16 : index
    %get3A_422 = tpu.vector_load %arg4[%get3A_420, %get3A_421] {strides = array<i32>} : memref<128x100xi32, #tpu.memory_space<vmem>>, vector<16xi32>,
    %add3A_423 = arith.addi %get3A_422, %mul3A_6 : vector<16xi32>
    %add3A_424 = arith.constant 2048 : i32
    %add3A_425 = vector.broadcast %add3A_424 : i32 to vector<16xi32>
    %add3A_426 = arith.addi %add3A_423, %add3A_425 : vector<16xi32>
    tpu.vector_store_idx %arg8[%broadcast_in_dim3A_410, %add3A_426], %broadcast_in_dim3A_3 : memref<2x12800xf32, #tpu.memory_space<vmem>>[vector<16xi32>, vector<16xi32>], vector<16xf32>,
    %get3A_427 = arith.constant 6 : i32
    %get3A_428 = arith.index_cast %get3A_427 : i32 to index
    %get3A_429 = arith.constant 32 : index
    %get3A_430 = tpu.vector_load %arg4[%get3A_428, %get3A_429] {strides = array<i32>} : memref<128x100xi32, #tpu.memory_space<vmem>>, vector<16xi32>,
    %add3A_431 = arith.addi %get3A_430, %mul3A_6 : vector<16xi32>
    %add3A_432 = arith.constant 4096 : i32
    %add3A_433 = vector.broadcast %add3A_432 : i32 to vector<16xi32>
    %add3A_434 = arith.addi %add3A_431, %add3A_433 : vector<16xi32>
    tpu.vector_store_idx %arg8[%broadcast_in_dim3A_410, %add3A_434], %broadcast_in_dim3A_3 : memref<2x12800xf32, #tpu.memory_space<vmem>>[vector<16xi32>, vector<16xi32>], vector<16xf32>,
    %get3A_435 = arith.constant 6 : i32
    %get3A_436 = arith.index_cast %get3A_435 : i32 to index
    %get3A_437 = arith.constant 48 : index
    %get3A_438 = tpu.vector_load %arg4[%get3A_436, %get3A_437] {strides = array<i32>} : memref<128x100xi32, #tpu.memory_space<vmem>>, vector<16xi32>,
    %add3A_439 = arith.addi %get3A_438, %mul3A_6 : vector<16xi32>
    %add3A_440 = arith.constant 6144 : i32
    %add3A_441 = vector.broadcast %add3A_440 : i32 to vector<16xi32>
    %add3A_442 = arith.addi %add3A_439, %add3A_441 : vector<16xi32>
    tpu.vector_store_idx %arg8[%broadcast_in_dim3A_410, %add3A_442], %broadcast_in_dim3A_3 : memref<2x12800xf32, #tpu.memory_space<vmem>>[vector<16xi32>, vector<16xi32>], vector<16xf32>,
    %get3A_443 = arith.constant 6 : i32
    %get3A_444 = arith.index_cast %get3A_443 : i32 to index
    %get3A_445 = arith.constant 64 : index
    %get3A_446 = tpu.vector_load %arg4[%get3A_444, %get3A_445] {strides = array<i32>} : memref<128x100xi32, #tpu.memory_space<vmem>>, vector<16xi32>,
    %add3A_447 = arith.addi %get3A_446, %mul3A_6 : vector<16xi32>
    %add3A_448 = arith.constant 8192 : i32
    %add3A_449 = vector.broadcast %add3A_448 : i32 to vector<16xi32>
    %add3A_450 = arith.addi %add3A_447, %add3A_449 : vector<16xi32>
    tpu.vector_store_idx %arg8[%broadcast_in_dim3A_410, %add3A_450], %broadcast_in_dim3A_3 : memref<2x12800xf32, #tpu.memory_space<vmem>>[vector<16xi32>, vector<16xi32>], vector<16xf32>,
    %get3A_451 = arith.constant 6 : i32
    %get3A_452 = arith.index_cast %get3A_451 : i32 to index
    %get3A_453 = arith.constant 80 : index
    %get3A_454 = tpu.vector_load %arg4[%get3A_452, %get3A_453] {strides = array<i32>} : memref<128x100xi32, #tpu.memory_space<vmem>>, vector<16xi32>,
    %add3A_455 = arith.addi %get3A_454, %mul3A_6 : vector<16xi32>
    %add3A_456 = arith.constant 10240 : i32
    %add3A_457 = vector.broadcast %add3A_456 : i32 to vector<16xi32>
    %add3A_458 = arith.addi %add3A_455, %add3A_457 : vector<16xi32>
    tpu.vector_store_idx %arg8[%broadcast_in_dim3A_410, %add3A_458], %broadcast_in_dim3A_3 : memref<2x12800xf32, #tpu.memory_space<vmem>>[vector<16xi32>, vector<16xi32>], vector<16xf32>,
    %get3A_459 = arith.constant 6 : i32
    %get3A_460 = arith.index_cast %get3A_459 : i32 to index
    %get3A_461 = arith.constant 84 : index
    %get3A_462 = tpu.vector_load %arg4[%get3A_460, %get3A_461] {strides = array<i32>} : memref<128x100xi32, #tpu.memory_space<vmem>>, vector<16xi32>,
    %add3A_463 = arith.addi %get3A_462, %mul3A_6 : vector<16xi32>
    %add3A_464 = arith.constant 10752 : i32
    %add3A_465 = vector.broadcast %add3A_464 : i32 to vector<16xi32>
    %add3A_466 = arith.addi %add3A_463, %add3A_465 : vector<16xi32>
    tpu.vector_store_idx %arg8[%broadcast_in_dim3A_410, %add3A_466], %broadcast_in_dim3A_3 : memref<2x12800xf32, #tpu.memory_space<vmem>>[vector<16xi32>, vector<16xi32>], vector<16xf32>,
    %broadcast_in_dim3A_467 = arith.constant 1 : i32
    %broadcast_in_dim3A_468 = vector.broadcast %broadcast_in_dim3A_467 : i32 to vector<16xi32>
    %get3A_469 = arith.constant 7 : i32
    %get3A_470 = arith.index_cast %get3A_469 : i32 to index
    %get3A_471 = arith.constant 0 : index
    %get3A_472 = tpu.vector_load %arg4[%get3A_470, %get3A_471] {strides = array<i32>} : memref<128x100xi32, #tpu.memory_space<vmem>>, vector<16xi32>,
    %add3A_473 = arith.addi %get3A_472, %mul3A_6 : vector<16xi32>
    %add3A_474 = arith.constant 0 : i32
    %add3A_475 = vector.broadcast %add3A_474 : i32 to vector<16xi32>
    %add3A_476 = arith.addi %add3A_473, %add3A_475 : vector<16xi32>
    tpu.vector_store_idx %arg8[%broadcast_in_dim3A_468, %add3A_476], %broadcast_in_dim3A_3 : memref<2x12800xf32, #tpu.memory_space<vmem>>[vector<16xi32>, vector<16xi32>], vector<16xf32>,
    %get3A_477 = arith.constant 7 : i32
    %get3A_478 = arith.index_cast %get3A_477 : i32 to index
    %get3A_479 = arith.constant 16 : index
    %get3A_480 = tpu.vector_load %arg4[%get3A_478, %get3A_479] {strides = array<i32>} : memref<128x100xi32, #tpu.memory_space<vmem>>, vector<16xi32>,
    %add3A_481 = arith.addi %get3A_480, %mul3A_6 : vector<16xi32>
    %add3A_482 = arith.constant 2048 : i32
    %add3A_483 = vector.broadcast %add3A_482 : i32 to vector<16xi32>
    %add3A_484 = arith.addi %add3A_481, %add3A_483 : vector<16xi32>
    tpu.vector_store_idx %arg8[%broadcast_in_dim3A_468, %add3A_484], %broadcast_in_dim3A_3 : memref<2x12800xf32, #tpu.memory_space<vmem>>[vector<16xi32>, vector<16xi32>], vector<16xf32>,
    %get3A_485 = arith.constant 7 : i32
    %get3A_486 = arith.index_cast %get3A_485 : i32 to index
    %get3A_487 = arith.constant 32 : index
    %get3A_488 = tpu.vector_load %arg4[%get3A_486, %get3A_487] {strides = array<i32>} : memref<128x100xi32, #tpu.memory_space<vmem>>, vector<16xi32>,
    %add3A_489 = arith.addi %get3A_488, %mul3A_6 : vector<16xi32>
    %add3A_490 = arith.constant 4096 : i32
    %add3A_491 = vector.broadcast %add3A_490 : i32 to vector<16xi32>
    %add3A_492 = arith.addi %add3A_489, %add3A_491 : vector<16xi32>
    tpu.vector_store_idx %arg8[%broadcast_in_dim3A_468, %add3A_492], %broadcast_in_dim3A_3 : memref<2x12800xf32, #tpu.memory_space<vmem>>[vector<16xi32>, vector<16xi32>], vector<16xf32>,
    %get3A_493 = arith.constant 7 : i32
    %get3A_494 = arith.index_cast %get3A_493 : i32 to index
    %get3A_495 = arith.constant 48 : index
    %get3A_496 = tpu.vector_load %arg4[%get3A_494, %get3A_495] {strides = array<i32>} : memref<128x100xi32, #tpu.memory_space<vmem>>, vector<16xi32>,
    %add3A_497 = arith.addi %get3A_496, %mul3A_6 : vector<16xi32>
    %add3A_498 = arith.constant 6144 : i32
    %add3A_499 = vector.broadcast %add3A_498 : i32 to vector<16xi32>
    %add3A_500 = arith.addi %add3A_497, %add3A_499 : vector<16xi32>
    tpu.vector_store_idx %arg8[%broadcast_in_dim3A_468, %add3A_500], %broadcast_in_dim3A_3 : memref<2x12800xf32, #tpu.memory_space<vmem>>[vector<16xi32>, vector<16xi32>], vector<16xf32>,
    %get3A_501 = arith.constant 7 : i32
    %get3A_502 = arith.index_cast %get3A_501 : i32 to index
    %get3A_503 = arith.constant 64 : index
    %get3A_504 = tpu.vector_load %arg4[%get3A_502, %get3A_503] {strides = array<i32>} : memref<128x100xi32, #tpu.memory_space<vmem>>, vector<16xi32>,
    %add3A_505 = arith.addi %get3A_504, %mul3A_6 : vector<16xi32>
    %add3A_506 = arith.constant 8192 : i32
    %add3A_507 = vector.broadcast %add3A_506 : i32 to vector<16xi32>
    %add3A_508 = arith.addi %add3A_505, %add3A_507 : vector<16xi32>
    tpu.vector_store_idx %arg8[%broadcast_in_dim3A_468, %add3A_508], %broadcast_in_dim3A_3 : memref<2x12800xf32, #tpu.memory_space<vmem>>[vector<16xi32>, vector<16xi32>], vector<16xf32>,
    %get3A_509 = arith.constant 7 : i32
    %get3A_510 = arith.index_cast %get3A_509 : i32 to index
    %get3A_511 = arith.constant 80 : index
    %get3A_512 = tpu.vector_load %arg4[%get3A_510, %get3A_511] {strides = array<i32>} : memref<128x100xi32, #tpu.memory_space<vmem>>, vector<16xi32>,
    %add3A_513 = arith.addi %get3A_512, %mul3A_6 : vector<16xi32>
    %add3A_514 = arith.constant 10240 : i32
    %add3A_515 = vector.broadcast %add3A_514 : i32 to vector<16xi32>
    %add3A_516 = arith.addi %add3A_513, %add3A_515 : vector<16xi32>
    tpu.vector_store_idx %arg8[%broadcast_in_dim3A_468, %add3A_516], %broadcast_in_dim3A_3 : memref<2x12800xf32, #tpu.memory_space<vmem>>[vector<16xi32>, vector<16xi32>], vector<16xf32>,
    %get3A_517 = arith.constant 7 : i32
    %get3A_518 = arith.index_cast %get3A_517 : i32 to index
    %get3A_519 = arith.constant 84 : index
    %get3A_520 = tpu.vector_load %arg4[%get3A_518, %get3A_519] {strides = array<i32>} : memref<128x100xi32, #tpu.memory_space<vmem>>, vector<16xi32>,
    %add3A_521 = arith.addi %get3A_520, %mul3A_6 : vector<16xi32>
    %add3A_522 = arith.constant 10752 : i32
    %add3A_523 = vector.broadcast %add3A_522 : i32 to vector<16xi32>
    %add3A_524 = arith.addi %add3A_521, %add3A_523 : vector<16xi32>
    tpu.vector_store_idx %arg8[%broadcast_in_dim3A_468, %add3A_524], %broadcast_in_dim3A_3 : memref<2x12800xf32, #tpu.memory_space<vmem>>[vector<16xi32>, vector<16xi32>], vector<16xf32>,
    %mul3A_525 = arith.constant 128 : i32
    %mul3A_526 = arith.muli %add3A, %mul3A_525 : i32
    %add3A_527 = arith.constant 6 : i32
    %add3A_528 = arith.addi %mul3A_526, %add3A_527 : i32
    %dma_start3A_529 = arith.constant 0 : i32
    %dma_start3A_530 = tpu.memref_slice %arg3[%add3A_528, %dma_start3A_529] : memref<4096x12800xf32, #tpu.memory_space<hbm>> -> memref<2x12800xf32, #tpu.memory_space<hbm>>
    %dma_start3A_531 = arith.constant 0 : i32
    %dma_start3A_532 = tpu.memref_slice %arg3[%add3A_528, %dma_start3A_531] : memref<4096x12800xf32, #tpu.memory_space<hbm>> -> memref<2x12800xf32, #tpu.memory_space<hbm>>
    tpu.enqueue_dma source(%arg8 : memref<2x12800xf32, #tpu.memory_space<vmem>>) target(%dma_start3A_532 : memref<2x12800xf32, #tpu.memory_space<hbm>>) target_semaphore(%arg12 : memref<!tpu.dma_semaphore, #tpu.memory_space<semaphore_mem>>)
    %scan3A_533 = arith.constant 0 : i32
    %scan3A_534 = arith.constant 4 : i32
    %scan3A_535 = arith.constant 60 : i32
    %scan3A_536 = arith.addi %scan3A_534, %scan3A_535 : i32
    %scan3A_537 = arith.constant 1 : i32
    scf.for %scan3A_571 = %scan3A_534 to %scan3A_536 step %scan3A_537  : i32 {
      %rem3A = arith.constant 4 : i32
      %rem3A_572 = arith.remsi %scan3A_571, %rem3A : i32
      %eq3A = arith.constant 0 : i32
      %eq3A_573 = arith.cmpi eq, %rem3A_572, %eq3A : i32
      %convert_element_type3A = arith.extui %eq3A_573 : i1 to i32
      %cond3A = arith.constant 0 : i32
      %cond3A_574 = arith.cmpi ne, %convert_element_type3A, %cond3A : i32
      scf.if %cond3A_574 {
        %sub3A = arith.constant 4 : i32
        %sub3A_596 = arith.subi %scan3A_571, %sub3A : i32
        %mul3A_597 = arith.constant 128 : i32
        %mul3A_598 = arith.muli %add3A, %mul3A_597 : i32
        %mul3A_599 = arith.constant 2 : i32
        %mul3A_600 = arith.muli %sub3A_596, %mul3A_599 : i32
        %add3A_601 = arith.addi %mul3A_598, %mul3A_600 : i32
        %dma_wait3A_602 = arith.constant 0 : i32
        %dma_wait3A_603 = tpu.memref_slice %arg3[%add3A_601, %dma_wait3A_602] : memref<4096x12800xf32, #tpu.memory_space<hbm>> -> memref<2x12800xf32, #tpu.memory_space<hbm>>
        %dma_wait3A_604 = arith.constant 0 : i32
        %dma_wait3A_605 = tpu.memref_slice %arg3[%add3A_601, %dma_wait3A_604] : memref<4096x12800xf32, #tpu.memory_space<hbm>> -> memref<2x12800xf32, #tpu.memory_space<hbm>>
        tpu.wait_dma2 semaphore(%arg9 : memref<!tpu.dma_semaphore, #tpu.memory_space<semaphore_mem>>) src(%arg5 : memref<2x12800xf32, #tpu.memory_space<vmem>>) dst(%dma_wait3A_605 : memref<2x12800xf32, #tpu.memory_space<hbm>>)
        %sub3A_606 = arith.constant 4 : i32
        %sub3A_607 = arith.subi %scan3A_571, %sub3A_606 : i32
        %broadcast_in_dim3A_608 = arith.constant 0 : i32
        %broadcast_in_dim3A_609 = vector.broadcast %broadcast_in_dim3A_608 : i32 to vector<16xi32>
        %mul3A_610 = arith.constant 2 : i32
        %mul3A_611 = arith.muli %sub3A_607, %mul3A_610 : i32
        %add3A_612 = arith.constant 0 : i32
        %add3A_613 = arith.addi %mul3A_611, %add3A_612 : i32
        %get3A_614 = arith.index_cast %add3A_613 : i32 to index
        %get3A_615 = arith.constant 0 : index
        %get3A_616 = tpu.vector_load %arg4[%get3A_614, %get3A_615] {strides = array<i32>} : memref<128x100xi32, #tpu.memory_space<vmem>>, vector<16xi32>,
        %add3A_617 = arith.addi %get3A_616, %mul3A_6 : vector<16xi32>
        %add3A_618 = arith.constant 0 : i32
        %add3A_619 = vector.broadcast %add3A_618 : i32 to vector<16xi32>
        %add3A_620 = arith.addi %add3A_617, %add3A_619 : vector<16xi32>
        tpu.vector_store_idx %arg5[%broadcast_in_dim3A_609, %add3A_620], %broadcast_in_dim3A_1 : memref<2x12800xf32, #tpu.memory_space<vmem>>[vector<16xi32>, vector<16xi32>], vector<16xf32>,
        %mul3A_621 = arith.constant 2 : i32
        %mul3A_622 = arith.muli %sub3A_607, %mul3A_621 : i32
        %add3A_623 = arith.constant 0 : i32
        %add3A_624 = arith.addi %mul3A_622, %add3A_623 : i32
        %get3A_625 = arith.index_cast %add3A_624 : i32 to index
        %get3A_626 = arith.constant 16 : index
        %get3A_627 = tpu.vector_load %arg4[%get3A_625, %get3A_626] {strides = array<i32>} : memref<128x100xi32, #tpu.memory_space<vmem>>, vector<16xi32>,
        %add3A_628 = arith.addi %get3A_627, %mul3A_6 : vector<16xi32>
        %add3A_629 = arith.constant 2048 : i32
        %add3A_630 = vector.broadcast %add3A_629 : i32 to vector<16xi32>
        %add3A_631 = arith.addi %add3A_628, %add3A_630 : vector<16xi32>
        tpu.vector_store_idx %arg5[%broadcast_in_dim3A_609, %add3A_631], %broadcast_in_dim3A_1 : memref<2x12800xf32, #tpu.memory_space<vmem>>[vector<16xi32>, vector<16xi32>], vector<16xf32>,
        %mul3A_632 = arith.constant 2 : i32
        %mul3A_633 = arith.muli %sub3A_607, %mul3A_632 : i32
        %add3A_634 = arith.constant 0 : i32
        %add3A_635 = arith.addi %mul3A_633, %add3A_634 : i32
        %get3A_636 = arith.index_cast %add3A_635 : i32 to index
        %get3A_637 = arith.constant 32 : index
        %get3A_638 = tpu.vector_load %arg4[%get3A_636, %get3A_637] {strides = array<i32>} : memref<128x100xi32, #tpu.memory_space<vmem>>, vector<16xi32>,
        %add3A_639 = arith.addi %get3A_638, %mul3A_6 : vector<16xi32>
        %add3A_640 = arith.constant 4096 : i32
        %add3A_641 = vector.broadcast %add3A_640 : i32 to vector<16xi32>
        %add3A_642 = arith.addi %add3A_639, %add3A_641 : vector<16xi32>
        tpu.vector_store_idx %arg5[%broadcast_in_dim3A_609, %add3A_642], %broadcast_in_dim3A_1 : memref<2x12800xf32, #tpu.memory_space<vmem>>[vector<16xi32>, vector<16xi32>], vector<16xf32>,
        %mul3A_643 = arith.constant 2 : i32
        %mul3A_644 = arith.muli %sub3A_607, %mul3A_643 : i32
        %add3A_645 = arith.constant 0 : i32
        %add3A_646 = arith.addi %mul3A_644, %add3A_645 : i32
        %get3A_647 = arith.index_cast %add3A_646 : i32 to index
        %get3A_648 = arith.constant 48 : index
        %get3A_649 = tpu.vector_load %arg4[%get3A_647, %get3A_648] {strides = array<i32>} : memref<128x100xi32, #tpu.memory_space<vmem>>, vector<16xi32>,
        %add3A_650 = arith.addi %get3A_649, %mul3A_6 : vector<16xi32>
        %add3A_651 = arith.constant 6144 : i32
        %add3A_652 = vector.broadcast %add3A_651 : i32 to vector<16xi32>
        %add3A_653 = arith.addi %add3A_650, %add3A_652 : vector<16xi32>
        tpu.vector_store_idx %arg5[%broadcast_in_dim3A_609, %add3A_653], %broadcast_in_dim3A_1 : memref<2x12800xf32, #tpu.memory_space<vmem>>[vector<16xi32>, vector<16xi32>], vector<16xf32>,
        %mul3A_654 = arith.constant 2 : i32
        %mul3A_655 = arith.muli %sub3A_607, %mul3A_654 : i32
        %add3A_656 = arith.constant 0 : i32
        %add3A_657 = arith.addi %mul3A_655, %add3A_656 : i32
        %get3A_658 = arith.index_cast %add3A_657 : i32 to index
        %get3A_659 = arith.constant 64 : index
        %get3A_660 = tpu.vector_load %arg4[%get3A_658, %get3A_659] {strides = array<i32>} : memref<128x100xi32, #tpu.memory_space<vmem>>, vector<16xi32>,
        %add3A_661 = arith.addi %get3A_660, %mul3A_6 : vector<16xi32>
        %add3A_662 = arith.constant 8192 : i32
        %add3A_663 = vector.broadcast %add3A_662 : i32 to vector<16xi32>
        %add3A_664 = arith.addi %add3A_661, %add3A_663 : vector<16xi32>
        tpu.vector_store_idx %arg5[%broadcast_in_dim3A_609, %add3A_664], %broadcast_in_dim3A_1 : memref<2x12800xf32, #tpu.memory_space<vmem>>[vector<16xi32>, vector<16xi32>], vector<16xf32>,
        %mul3A_665 = arith.constant 2 : i32
        %mul3A_666 = arith.muli %sub3A_607, %mul3A_665 : i32
        %add3A_667 = arith.constant 0 : i32
        %add3A_668 = arith.addi %mul3A_666, %add3A_667 : i32
        %get3A_669 = arith.index_cast %add3A_668 : i32 to index
        %get3A_670 = arith.constant 80 : index
        %get3A_671 = tpu.vector_load %arg4[%get3A_669, %get3A_670] {strides = array<i32>} : memref<128x100xi32, #tpu.memory_space<vmem>>, vector<16xi32>,
        %add3A_672 = arith.addi %get3A_671, %mul3A_6 : vector<16xi32>
        %add3A_673 = arith.constant 10240 : i32
        %add3A_674 = vector.broadcast %add3A_673 : i32 to vector<16xi32>
        %add3A_675 = arith.addi %add3A_672, %add3A_674 : vector<16xi32>
        tpu.vector_store_idx %arg5[%broadcast_in_dim3A_609, %add3A_675], %broadcast_in_dim3A_1 : memref<2x12800xf32, #tpu.memory_space<vmem>>[vector<16xi32>, vector<16xi32>], vector<16xf32>,
        %mul3A_676 = arith.constant 2 : i32
        %mul3A_677 = arith.muli %sub3A_607, %mul3A_676 : i32
        %add3A_678 = arith.constant 0 : i32
        %add3A_679 = arith.addi %mul3A_677, %add3A_678 : i32
        %get3A_680 = arith.index_cast %add3A_679 : i32 to index
        %get3A_681 = arith.constant 84 : index
        %get3A_682 = tpu.vector_load %arg4[%get3A_680, %get3A_681] {strides = array<i32>} : memref<128x100xi32, #tpu.memory_space<vmem>>, vector<16xi32>,
        %add3A_683 = arith.addi %get3A_682, %mul3A_6 : vector<16xi32>
        %add3A_684 = arith.constant 10752 : i32
        %add3A_685 = vector.broadcast %add3A_684 : i32 to vector<16xi32>
        %add3A_686 = arith.addi %add3A_683, %add3A_685 : vector<16xi32>
        tpu.vector_store_idx %arg5[%broadcast_in_dim3A_609, %add3A_686], %broadcast_in_dim3A_1 : memref<2x12800xf32, #tpu.memory_space<vmem>>[vector<16xi32>, vector<16xi32>], vector<16xf32>,
        %broadcast_in_dim3A_687 = arith.constant 1 : i32
        %broadcast_in_dim3A_688 = vector.broadcast %broadcast_in_dim3A_687 : i32 to vector<16xi32>
        %mul3A_689 = arith.constant 2 : i32
        %mul3A_690 = arith.muli %sub3A_607, %mul3A_689 : i32
        %add3A_691 = arith.constant 1 : i32
        %add3A_692 = arith.addi %mul3A_690, %add3A_691 : i32
        %get3A_693 = arith.index_cast %add3A_692 : i32 to index
        %get3A_694 = arith.constant 0 : index
        %get3A_695 = tpu.vector_load %arg4[%get3A_693, %get3A_694] {strides = array<i32>} : memref<128x100xi32, #tpu.memory_space<vmem>>, vector<16xi32>,
        %add3A_696 = arith.addi %get3A_695, %mul3A_6 : vector<16xi32>
        %add3A_697 = arith.constant 0 : i32
        %add3A_698 = vector.broadcast %add3A_697 : i32 to vector<16xi32>
        %add3A_699 = arith.addi %add3A_696, %add3A_698 : vector<16xi32>
        tpu.vector_store_idx %arg5[%broadcast_in_dim3A_688, %add3A_699], %broadcast_in_dim3A_1 : memref<2x12800xf32, #tpu.memory_space<vmem>>[vector<16xi32>, vector<16xi32>], vector<16xf32>,
        %mul3A_700 = arith.constant 2 : i32
        %mul3A_701 = arith.muli %sub3A_607, %mul3A_700 : i32
        %add3A_702 = arith.constant 1 : i32
        %add3A_703 = arith.addi %mul3A_701, %add3A_702 : i32
        %get3A_704 = arith.index_cast %add3A_703 : i32 to index
        %get3A_705 = arith.constant 16 : index
        %get3A_706 = tpu.vector_load %arg4[%get3A_704, %get3A_705] {strides = array<i32>} : memref<128x100xi32, #tpu.memory_space<vmem>>, vector<16xi32>,
        %add3A_707 = arith.addi %get3A_706, %mul3A_6 : vector<16xi32>
        %add3A_708 = arith.constant 2048 : i32
        %add3A_709 = vector.broadcast %add3A_708 : i32 to vector<16xi32>
        %add3A_710 = arith.addi %add3A_707, %add3A_709 : vector<16xi32>
        tpu.vector_store_idx %arg5[%broadcast_in_dim3A_688, %add3A_710], %broadcast_in_dim3A_1 : memref<2x12800xf32, #tpu.memory_space<vmem>>[vector<16xi32>, vector<16xi32>], vector<16xf32>,
        %mul3A_711 = arith.constant 2 : i32
        %mul3A_712 = arith.muli %sub3A_607, %mul3A_711 : i32
        %add3A_713 = arith.constant 1 : i32
        %add3A_714 = arith.addi %mul3A_712, %add3A_713 : i32
        %get3A_715 = arith.index_cast %add3A_714 : i32 to index
        %get3A_716 = arith.constant 32 : index
        %get3A_717 = tpu.vector_load %arg4[%get3A_715, %get3A_716] {strides = array<i32>} : memref<128x100xi32, #tpu.memory_space<vmem>>, vector<16xi32>,
        %add3A_718 = arith.addi %get3A_717, %mul3A_6 : vector<16xi32>
        %add3A_719 = arith.constant 4096 : i32
        %add3A_720 = vector.broadcast %add3A_719 : i32 to vector<16xi32>
        %add3A_721 = arith.addi %add3A_718, %add3A_720 : vector<16xi32>
        tpu.vector_store_idx %arg5[%broadcast_in_dim3A_688, %add3A_721], %broadcast_in_dim3A_1 : memref<2x12800xf32, #tpu.memory_space<vmem>>[vector<16xi32>, vector<16xi32>], vector<16xf32>,
        %mul3A_722 = arith.constant 2 : i32
        %mul3A_723 = arith.muli %sub3A_607, %mul3A_722 : i32
        %add3A_724 = arith.constant 1 : i32
        %add3A_725 = arith.addi %mul3A_723, %add3A_724 : i32
        %get3A_726 = arith.index_cast %add3A_725 : i32 to index
        %get3A_727 = arith.constant 48 : index
        %get3A_728 = tpu.vector_load %arg4[%get3A_726, %get3A_727] {strides = array<i32>} : memref<128x100xi32, #tpu.memory_space<vmem>>, vector<16xi32>,
        %add3A_729 = arith.addi %get3A_728, %mul3A_6 : vector<16xi32>
        %add3A_730 = arith.constant 6144 : i32
        %add3A_731 = vector.broadcast %add3A_730 : i32 to vector<16xi32>
        %add3A_732 = arith.addi %add3A_729, %add3A_731 : vector<16xi32>
        tpu.vector_store_idx %arg5[%broadcast_in_dim3A_688, %add3A_732], %broadcast_in_dim3A_1 : memref<2x12800xf32, #tpu.memory_space<vmem>>[vector<16xi32>, vector<16xi32>], vector<16xf32>,
        %mul3A_733 = arith.constant 2 : i32
        %mul3A_734 = arith.muli %sub3A_607, %mul3A_733 : i32
        %add3A_735 = arith.constant 1 : i32
        %add3A_736 = arith.addi %mul3A_734, %add3A_735 : i32
        %get3A_737 = arith.index_cast %add3A_736 : i32 to index
        %get3A_738 = arith.constant 64 : index
        %get3A_739 = tpu.vector_load %arg4[%get3A_737, %get3A_738] {strides = array<i32>} : memref<128x100xi32, #tpu.memory_space<vmem>>, vector<16xi32>,
        %add3A_740 = arith.addi %get3A_739, %mul3A_6 : vector<16xi32>
        %add3A_741 = arith.constant 8192 : i32
        %add3A_742 = vector.broadcast %add3A_741 : i32 to vector<16xi32>
        %add3A_743 = arith.addi %add3A_740, %add3A_742 : vector<16xi32>
        tpu.vector_store_idx %arg5[%broadcast_in_dim3A_688, %add3A_743], %broadcast_in_dim3A_1 : memref<2x12800xf32, #tpu.memory_space<vmem>>[vector<16xi32>, vector<16xi32>], vector<16xf32>,
        %mul3A_744 = arith.constant 2 : i32
        %mul3A_745 = arith.muli %sub3A_607, %mul3A_744 : i32
        %add3A_746 = arith.constant 1 : i32
        %add3A_747 = arith.addi %mul3A_745, %add3A_746 : i32
        %get3A_748 = arith.index_cast %add3A_747 : i32 to index
        %get3A_749 = arith.constant 80 : index
        %get3A_750 = tpu.vector_load %arg4[%get3A_748, %get3A_749] {strides = array<i32>} : memref<128x100xi32, #tpu.memory_space<vmem>>, vector<16xi32>,
        %add3A_751 = arith.addi %get3A_750, %mul3A_6 : vector<16xi32>
        %add3A_752 = arith.constant 10240 : i32
        %add3A_753 = vector.broadcast %add3A_752 : i32 to vector<16xi32>
        %add3A_754 = arith.addi %add3A_751, %add3A_753 : vector<16xi32>
        tpu.vector_store_idx %arg5[%broadcast_in_dim3A_688, %add3A_754], %broadcast_in_dim3A_1 : memref<2x12800xf32, #tpu.memory_space<vmem>>[vector<16xi32>, vector<16xi32>], vector<16xf32>,
        %mul3A_755 = arith.constant 2 : i32
        %mul3A_756 = arith.muli %sub3A_607, %mul3A_755 : i32
        %add3A_757 = arith.constant 1 : i32
        %add3A_758 = arith.addi %mul3A_756, %add3A_757 : i32
        %get3A_759 = arith.index_cast %add3A_758 : i32 to index
        %get3A_760 = arith.constant 84 : index
        %get3A_761 = tpu.vector_load %arg4[%get3A_759, %get3A_760] {strides = array<i32>} : memref<128x100xi32, #tpu.memory_space<vmem>>, vector<16xi32>,
        %add3A_762 = arith.addi %get3A_761, %mul3A_6 : vector<16xi32>
        %add3A_763 = arith.constant 10752 : i32
        %add3A_764 = vector.broadcast %add3A_763 : i32 to vector<16xi32>
        %add3A_765 = arith.addi %add3A_762, %add3A_764 : vector<16xi32>
        tpu.vector_store_idx %arg5[%broadcast_in_dim3A_688, %add3A_765], %broadcast_in_dim3A_1 : memref<2x12800xf32, #tpu.memory_space<vmem>>[vector<16xi32>, vector<16xi32>], vector<16xf32>,
        %broadcast_in_dim3A_766 = arith.constant 0 : i32
        %broadcast_in_dim3A_767 = vector.broadcast %broadcast_in_dim3A_766 : i32 to vector<16xi32>
        %mul3A_768 = arith.constant 2 : i32
        %mul3A_769 = arith.muli %scan3A_571, %mul3A_768 : i32
        %add3A_770 = arith.constant 0 : i32
        %add3A_771 = arith.addi %mul3A_769, %add3A_770 : i32
        %get3A_772 = arith.index_cast %add3A_771 : i32 to index
        %get3A_773 = arith.constant 0 : index
        %get3A_774 = tpu.vector_load %arg4[%get3A_772, %get3A_773] {strides = array<i32>} : memref<128x100xi32, #tpu.memory_space<vmem>>, vector<16xi32>,
        %add3A_775 = arith.addi %get3A_774, %mul3A_6 : vector<16xi32>
        %add3A_776 = arith.constant 0 : i32
        %add3A_777 = vector.broadcast %add3A_776 : i32 to vector<16xi32>
        %add3A_778 = arith.addi %add3A_775, %add3A_777 : vector<16xi32>
        tpu.vector_store_idx %arg5[%broadcast_in_dim3A_767, %add3A_778], %broadcast_in_dim3A_3 : memref<2x12800xf32, #tpu.memory_space<vmem>>[vector<16xi32>, vector<16xi32>], vector<16xf32>,
        %mul3A_779 = arith.constant 2 : i32
        %mul3A_780 = arith.muli %scan3A_571, %mul3A_779 : i32
        %add3A_781 = arith.constant 0 : i32
        %add3A_782 = arith.addi %mul3A_780, %add3A_781 : i32
        %get3A_783 = arith.index_cast %add3A_782 : i32 to index
        %get3A_784 = arith.constant 16 : index
        %get3A_785 = tpu.vector_load %arg4[%get3A_783, %get3A_784] {strides = array<i32>} : memref<128x100xi32, #tpu.memory_space<vmem>>, vector<16xi32>,
        %add3A_786 = arith.addi %get3A_785, %mul3A_6 : vector<16xi32>
        %add3A_787 = arith.constant 2048 : i32
        %add3A_788 = vector.broadcast %add3A_787 : i32 to vector<16xi32>
        %add3A_789 = arith.addi %add3A_786, %add3A_788 : vector<16xi32>
        tpu.vector_store_idx %arg5[%broadcast_in_dim3A_767, %add3A_789], %broadcast_in_dim3A_3 : memref<2x12800xf32, #tpu.memory_space<vmem>>[vector<16xi32>, vector<16xi32>], vector<16xf32>,
        %mul3A_790 = arith.constant 2 : i32
        %mul3A_791 = arith.muli %scan3A_571, %mul3A_790 : i32
        %add3A_792 = arith.constant 0 : i32
        %add3A_793 = arith.addi %mul3A_791, %add3A_792 : i32
        %get3A_794 = arith.index_cast %add3A_793 : i32 to index
        %get3A_795 = arith.constant 32 : index
        %get3A_796 = tpu.vector_load %arg4[%get3A_794, %get3A_795] {strides = array<i32>} : memref<128x100xi32, #tpu.memory_space<vmem>>, vector<16xi32>,
        %add3A_797 = arith.addi %get3A_796, %mul3A_6 : vector<16xi32>
        %add3A_798 = arith.constant 4096 : i32
        %add3A_799 = vector.broadcast %add3A_798 : i32 to vector<16xi32>
        %add3A_800 = arith.addi %add3A_797, %add3A_799 : vector<16xi32>
        tpu.vector_store_idx %arg5[%broadcast_in_dim3A_767, %add3A_800], %broadcast_in_dim3A_3 : memref<2x12800xf32, #tpu.memory_space<vmem>>[vector<16xi32>, vector<16xi32>], vector<16xf32>,
        %mul3A_801 = arith.constant 2 : i32
        %mul3A_802 = arith.muli %scan3A_571, %mul3A_801 : i32
        %add3A_803 = arith.constant 0 : i32
        %add3A_804 = arith.addi %mul3A_802, %add3A_803 : i32
        %get3A_805 = arith.index_cast %add3A_804 : i32 to index
        %get3A_806 = arith.constant 48 : index
        %get3A_807 = tpu.vector_load %arg4[%get3A_805, %get3A_806] {strides = array<i32>} : memref<128x100xi32, #tpu.memory_space<vmem>>, vector<16xi32>,
        %add3A_808 = arith.addi %get3A_807, %mul3A_6 : vector<16xi32>
        %add3A_809 = arith.constant 6144 : i32
        %add3A_810 = vector.broadcast %add3A_809 : i32 to vector<16xi32>
        %add3A_811 = arith.addi %add3A_808, %add3A_810 : vector<16xi32>
        tpu.vector_store_idx %arg5[%broadcast_in_dim3A_767, %add3A_811], %broadcast_in_dim3A_3 : memref<2x12800xf32, #tpu.memory_space<vmem>>[vector<16xi32>, vector<16xi32>], vector<16xf32>,
        %mul3A_812 = arith.constant 2 : i32
        %mul3A_813 = arith.muli %scan3A_571, %mul3A_812 : i32
        %add3A_814 = arith.constant 0 : i32
        %add3A_815 = arith.addi %mul3A_813, %add3A_814 : i32
        %get3A_816 = arith.index_cast %add3A_815 : i32 to index
        %get3A_817 = arith.constant 64 : index
        %get3A_818 = tpu.vector_load %arg4[%get3A_816, %get3A_817] {strides = array<i32>} : memref<128x100xi32, #tpu.memory_space<vmem>>, vector<16xi32>,
        %add3A_819 = arith.addi %get3A_818, %mul3A_6 : vector<16xi32>
        %add3A_820 = arith.constant 8192 : i32
        %add3A_821 = vector.broadcast %add3A_820 : i32 to vector<16xi32>
        %add3A_822 = arith.addi %add3A_819, %add3A_821 : vector<16xi32>
        tpu.vector_store_idx %arg5[%broadcast_in_dim3A_767, %add3A_822], %broadcast_in_dim3A_3 : memref<2x12800xf32, #tpu.memory_space<vmem>>[vector<16xi32>, vector<16xi32>], vector<16xf32>,
        %mul3A_823 = arith.constant 2 : i32
        %mul3A_824 = arith.muli %scan3A_571, %mul3A_823 : i32
        %add3A_825 = arith.constant 0 : i32
        %add3A_826 = arith.addi %mul3A_824, %add3A_825 : i32
        %get3A_827 = arith.index_cast %add3A_826 : i32 to index
        %get3A_828 = arith.constant 80 : index
        %get3A_829 = tpu.vector_load %arg4[%get3A_827, %get3A_828] {strides = array<i32>} : memref<128x100xi32, #tpu.memory_space<vmem>>, vector<16xi32>,
        %add3A_830 = arith.addi %get3A_829, %mul3A_6 : vector<16xi32>
        %add3A_831 = arith.constant 10240 : i32
        %add3A_832 = vector.broadcast %add3A_831 : i32 to vector<16xi32>
        %add3A_833 = arith.addi %add3A_830, %add3A_832 : vector<16xi32>
        tpu.vector_store_idx %arg5[%broadcast_in_dim3A_767, %add3A_833], %broadcast_in_dim3A_3 : memref<2x12800xf32, #tpu.memory_space<vmem>>[vector<16xi32>, vector<16xi32>], vector<16xf32>,
        %mul3A_834 = arith.constant 2 : i32
        %mul3A_835 = arith.muli %scan3A_571, %mul3A_834 : i32
        %add3A_836 = arith.constant 0 : i32
        %add3A_837 = arith.addi %mul3A_835, %add3A_836 : i32
        %get3A_838 = arith.index_cast %add3A_837 : i32 to index
        %get3A_839 = arith.constant 84 : index
        %get3A_840 = tpu.vector_load %arg4[%get3A_838, %get3A_839] {strides = array<i32>} : memref<128x100xi32, #tpu.memory_space<vmem>>, vector<16xi32>,
        %add3A_841 = arith.addi %get3A_840, %mul3A_6 : vector<16xi32>
        %add3A_842 = arith.constant 10752 : i32
        %add3A_843 = vector.broadcast %add3A_842 : i32 to vector<16xi32>
        %add3A_844 = arith.addi %add3A_841, %add3A_843 : vector<16xi32>
        tpu.vector_store_idx %arg5[%broadcast_in_dim3A_767, %add3A_844], %broadcast_in_dim3A_3 : memref<2x12800xf32, #tpu.memory_space<vmem>>[vector<16xi32>, vector<16xi32>], vector<16xf32>,
        %broadcast_in_dim3A_845 = arith.constant 1 : i32
        %broadcast_in_dim3A_846 = vector.broadcast %broadcast_in_dim3A_845 : i32 to vector<16xi32>
        %mul3A_847 = arith.constant 2 : i32
        %mul3A_848 = arith.muli %scan3A_571, %mul3A_847 : i32
        %add3A_849 = arith.constant 1 : i32
        %add3A_850 = arith.addi %mul3A_848, %add3A_849 : i32
        %get3A_851 = arith.index_cast %add3A_850 : i32 to index
        %get3A_852 = arith.constant 0 : index
        %get3A_853 = tpu.vector_load %arg4[%get3A_851, %get3A_852] {strides = array<i32>} : memref<128x100xi32, #tpu.memory_space<vmem>>, vector<16xi32>,
        %add3A_854 = arith.addi %get3A_853, %mul3A_6 : vector<16xi32>
        %add3A_855 = arith.constant 0 : i32
        %add3A_856 = vector.broadcast %add3A_855 : i32 to vector<16xi32>
        %add3A_857 = arith.addi %add3A_854, %add3A_856 : vector<16xi32>
        tpu.vector_store_idx %arg5[%broadcast_in_dim3A_846, %add3A_857], %broadcast_in_dim3A_3 : memref<2x12800xf32, #tpu.memory_space<vmem>>[vector<16xi32>, vector<16xi32>], vector<16xf32>,
        %mul3A_858 = arith.constant 2 : i32
        %mul3A_859 = arith.muli %scan3A_571, %mul3A_858 : i32
        %add3A_860 = arith.constant 1 : i32
        %add3A_861 = arith.addi %mul3A_859, %add3A_860 : i32
        %get3A_862 = arith.index_cast %add3A_861 : i32 to index
        %get3A_863 = arith.constant 16 : index
        %get3A_864 = tpu.vector_load %arg4[%get3A_862, %get3A_863] {strides = array<i32>} : memref<128x100xi32, #tpu.memory_space<vmem>>, vector<16xi32>,
        %add3A_865 = arith.addi %get3A_864, %mul3A_6 : vector<16xi32>
        %add3A_866 = arith.constant 2048 : i32
        %add3A_867 = vector.broadcast %add3A_866 : i32 to vector<16xi32>
        %add3A_868 = arith.addi %add3A_865, %add3A_867 : vector<16xi32>
        tpu.vector_store_idx %arg5[%broadcast_in_dim3A_846, %add3A_868], %broadcast_in_dim3A_3 : memref<2x12800xf32, #tpu.memory_space<vmem>>[vector<16xi32>, vector<16xi32>], vector<16xf32>,
        %mul3A_869 = arith.constant 2 : i32
        %mul3A_870 = arith.muli %scan3A_571, %mul3A_869 : i32
        %add3A_871 = arith.constant 1 : i32
        %add3A_872 = arith.addi %mul3A_870, %add3A_871 : i32
        %get3A_873 = arith.index_cast %add3A_872 : i32 to index
        %get3A_874 = arith.constant 32 : index
        %get3A_875 = tpu.vector_load %arg4[%get3A_873, %get3A_874] {strides = array<i32>} : memref<128x100xi32, #tpu.memory_space<vmem>>, vector<16xi32>,
        %add3A_876 = arith.addi %get3A_875, %mul3A_6 : vector<16xi32>
        %add3A_877 = arith.constant 4096 : i32
        %add3A_878 = vector.broadcast %add3A_877 : i32 to vector<16xi32>
        %add3A_879 = arith.addi %add3A_876, %add3A_878 : vector<16xi32>
        tpu.vector_store_idx %arg5[%broadcast_in_dim3A_846, %add3A_879], %broadcast_in_dim3A_3 : memref<2x12800xf32, #tpu.memory_space<vmem>>[vector<16xi32>, vector<16xi32>], vector<16xf32>,
        %mul3A_880 = arith.constant 2 : i32
        %mul3A_881 = arith.muli %scan3A_571, %mul3A_880 : i32
        %add3A_882 = arith.constant 1 : i32
        %add3A_883 = arith.addi %mul3A_881, %add3A_882 : i32
        %get3A_884 = arith.index_cast %add3A_883 : i32 to index
        %get3A_885 = arith.constant 48 : index
        %get3A_886 = tpu.vector_load %arg4[%get3A_884, %get3A_885] {strides = array<i32>} : memref<128x100xi32, #tpu.memory_space<vmem>>, vector<16xi32>,
        %add3A_887 = arith.addi %get3A_886, %mul3A_6 : vector<16xi32>
        %add3A_888 = arith.constant 6144 : i32
        %add3A_889 = vector.broadcast %add3A_888 : i32 to vector<16xi32>
        %add3A_890 = arith.addi %add3A_887, %add3A_889 : vector<16xi32>
        tpu.vector_store_idx %arg5[%broadcast_in_dim3A_846, %add3A_890], %broadcast_in_dim3A_3 : memref<2x12800xf32, #tpu.memory_space<vmem>>[vector<16xi32>, vector<16xi32>], vector<16xf32>,
        %mul3A_891 = arith.constant 2 : i32
        %mul3A_892 = arith.muli %scan3A_571, %mul3A_891 : i32
        %add3A_893 = arith.constant 1 : i32
        %add3A_894 = arith.addi %mul3A_892, %add3A_893 : i32
        %get3A_895 = arith.index_cast %add3A_894 : i32 to index
        %get3A_896 = arith.constant 64 : index
        %get3A_897 = tpu.vector_load %arg4[%get3A_895, %get3A_896] {strides = array<i32>} : memref<128x100xi32, #tpu.memory_space<vmem>>, vector<16xi32>,
        %add3A_898 = arith.addi %get3A_897, %mul3A_6 : vector<16xi32>
        %add3A_899 = arith.constant 8192 : i32
        %add3A_900 = vector.broadcast %add3A_899 : i32 to vector<16xi32>
        %add3A_901 = arith.addi %add3A_898, %add3A_900 : vector<16xi32>
        tpu.vector_store_idx %arg5[%broadcast_in_dim3A_846, %add3A_901], %broadcast_in_dim3A_3 : memref<2x12800xf32, #tpu.memory_space<vmem>>[vector<16xi32>, vector<16xi32>], vector<16xf32>,
        %mul3A_902 = arith.constant 2 : i32
        %mul3A_903 = arith.muli %scan3A_571, %mul3A_902 : i32
        %add3A_904 = arith.constant 1 : i32
        %add3A_905 = arith.addi %mul3A_903, %add3A_904 : i32
        %get3A_906 = arith.index_cast %add3A_905 : i32 to index
        %get3A_907 = arith.constant 80 : index
        %get3A_908 = tpu.vector_load %arg4[%get3A_906, %get3A_907] {strides = array<i32>} : memref<128x100xi32, #tpu.memory_space<vmem>>, vector<16xi32>,
        %add3A_909 = arith.addi %get3A_908, %mul3A_6 : vector<16xi32>
        %add3A_910 = arith.constant 10240 : i32
        %add3A_911 = vector.broadcast %add3A_910 : i32 to vector<16xi32>
        %add3A_912 = arith.addi %add3A_909, %add3A_911 : vector<16xi32>
        tpu.vector_store_idx %arg5[%broadcast_in_dim3A_846, %add3A_912], %broadcast_in_dim3A_3 : memref<2x12800xf32, #tpu.memory_space<vmem>>[vector<16xi32>, vector<16xi32>], vector<16xf32>,
        %mul3A_913 = arith.constant 2 : i32
        %mul3A_914 = arith.muli %scan3A_571, %mul3A_913 : i32
        %add3A_915 = arith.constant 1 : i32
        %add3A_916 = arith.addi %mul3A_914, %add3A_915 : i32
        %get3A_917 = arith.index_cast %add3A_916 : i32 to index
        %get3A_918 = arith.constant 84 : index
        %get3A_919 = tpu.vector_load %arg4[%get3A_917, %get3A_918] {strides = array<i32>} : memref<128x100xi32, #tpu.memory_space<vmem>>, vector<16xi32>,
        %add3A_920 = arith.addi %get3A_919, %mul3A_6 : vector<16xi32>
        %add3A_921 = arith.constant 10752 : i32
        %add3A_922 = vector.broadcast %add3A_921 : i32 to vector<16xi32>
        %add3A_923 = arith.addi %add3A_920, %add3A_922 : vector<16xi32>
        tpu.vector_store_idx %arg5[%broadcast_in_dim3A_846, %add3A_923], %broadcast_in_dim3A_3 : memref<2x12800xf32, #tpu.memory_space<vmem>>[vector<16xi32>, vector<16xi32>], vector<16xf32>,
        %mul3A_924 = arith.constant 128 : i32
        %mul3A_925 = arith.muli %add3A, %mul3A_924 : i32
        %mul3A_926 = arith.constant 2 : i32
        %mul3A_927 = arith.muli %scan3A_571, %mul3A_926 : i32
        %add3A_928 = arith.addi %mul3A_925, %mul3A_927 : i32
        %dma_start3A_929 = arith.constant 0 : i32
        %dma_start3A_930 = tpu.memref_slice %arg3[%add3A_928, %dma_start3A_929] : memref<4096x12800xf32, #tpu.memory_space<hbm>> -> memref<2x12800xf32, #tpu.memory_space<hbm>>
        %dma_start3A_931 = arith.constant 0 : i32
        %dma_start3A_932 = tpu.memref_slice %arg3[%add3A_928, %dma_start3A_931] : memref<4096x12800xf32, #tpu.memory_space<hbm>> -> memref<2x12800xf32, #tpu.memory_space<hbm>>
        tpu.enqueue_dma source(%arg5 : memref<2x12800xf32, #tpu.memory_space<vmem>>) target(%dma_start3A_932 : memref<2x12800xf32, #tpu.memory_space<hbm>>) target_semaphore(%arg9 : memref<!tpu.dma_semaphore, #tpu.memory_space<semaphore_mem>>)
      } else {
      }
      %rem3A_575 = arith.constant 4 : i32
      %rem3A_576 = arith.remsi %scan3A_571, %rem3A_575 : i32
      %eq3A_577 = arith.constant 1 : i32
      %eq3A_578 = arith.cmpi eq, %rem3A_576, %eq3A_577 : i32
      %convert_element_type3A_579 = arith.extui %eq3A_578 : i1 to i32
      %cond3A_580 = arith.constant 0 : i32
      %cond3A_581 = arith.cmpi ne, %convert_element_type3A_579, %cond3A_580 : i32
      scf.if %cond3A_581 {
        %sub3A = arith.constant 4 : i32
        %sub3A_596 = arith.subi %scan3A_571, %sub3A : i32
        %mul3A_597 = arith.constant 128 : i32
        %mul3A_598 = arith.muli %add3A, %mul3A_597 : i32
        %mul3A_599 = arith.constant 2 : i32
        %mul3A_600 = arith.muli %sub3A_596, %mul3A_599 : i32
        %add3A_601 = arith.addi %mul3A_598, %mul3A_600 : i32
        %dma_wait3A_602 = arith.constant 0 : i32
        %dma_wait3A_603 = tpu.memref_slice %arg3[%add3A_601, %dma_wait3A_602] : memref<4096x12800xf32, #tpu.memory_space<hbm>> -> memref<2x12800xf32, #tpu.memory_space<hbm>>
        %dma_wait3A_604 = arith.constant 0 : i32
        %dma_wait3A_605 = tpu.memref_slice %arg3[%add3A_601, %dma_wait3A_604] : memref<4096x12800xf32, #tpu.memory_space<hbm>> -> memref<2x12800xf32, #tpu.memory_space<hbm>>
        tpu.wait_dma2 semaphore(%arg10 : memref<!tpu.dma_semaphore, #tpu.memory_space<semaphore_mem>>) src(%arg6 : memref<2x12800xf32, #tpu.memory_space<vmem>>) dst(%dma_wait3A_605 : memref<2x12800xf32, #tpu.memory_space<hbm>>)
        %sub3A_606 = arith.constant 4 : i32
        %sub3A_607 = arith.subi %scan3A_571, %sub3A_606 : i32
        %broadcast_in_dim3A_608 = arith.constant 0 : i32
        %broadcast_in_dim3A_609 = vector.broadcast %broadcast_in_dim3A_608 : i32 to vector<16xi32>
        %mul3A_610 = arith.constant 2 : i32
        %mul3A_611 = arith.muli %sub3A_607, %mul3A_610 : i32
        %add3A_612 = arith.constant 0 : i32
        %add3A_613 = arith.addi %mul3A_611, %add3A_612 : i32
        %get3A_614 = arith.index_cast %add3A_613 : i32 to index
        %get3A_615 = arith.constant 0 : index
        %get3A_616 = tpu.vector_load %arg4[%get3A_614, %get3A_615] {strides = array<i32>} : memref<128x100xi32, #tpu.memory_space<vmem>>, vector<16xi32>,
        %add3A_617 = arith.addi %get3A_616, %mul3A_6 : vector<16xi32>
        %add3A_618 = arith.constant 0 : i32
        %add3A_619 = vector.broadcast %add3A_618 : i32 to vector<16xi32>
        %add3A_620 = arith.addi %add3A_617, %add3A_619 : vector<16xi32>
        tpu.vector_store_idx %arg6[%broadcast_in_dim3A_609, %add3A_620], %broadcast_in_dim3A_1 : memref<2x12800xf32, #tpu.memory_space<vmem>>[vector<16xi32>, vector<16xi32>], vector<16xf32>,
        %mul3A_621 = arith.constant 2 : i32
        %mul3A_622 = arith.muli %sub3A_607, %mul3A_621 : i32
        %add3A_623 = arith.constant 0 : i32
        %add3A_624 = arith.addi %mul3A_622, %add3A_623 : i32
        %get3A_625 = arith.index_cast %add3A_624 : i32 to index
        %get3A_626 = arith.constant 16 : index
        %get3A_627 = tpu.vector_load %arg4[%get3A_625, %get3A_626] {strides = array<i32>} : memref<128x100xi32, #tpu.memory_space<vmem>>, vector<16xi32>,
        %add3A_628 = arith.addi %get3A_627, %mul3A_6 : vector<16xi32>
        %add3A_629 = arith.constant 2048 : i32
        %add3A_630 = vector.broadcast %add3A_629 : i32 to vector<16xi32>
        %add3A_631 = arith.addi %add3A_628, %add3A_630 : vector<16xi32>
        tpu.vector_store_idx %arg6[%broadcast_in_dim3A_609, %add3A_631], %broadcast_in_dim3A_1 : memref<2x12800xf32, #tpu.memory_space<vmem>>[vector<16xi32>, vector<16xi32>], vector<16xf32>,
        %mul3A_632 = arith.constant 2 : i32
        %mul3A_633 = arith.muli %sub3A_607, %mul3A_632 : i32
        %add3A_634 = arith.constant 0 : i32
        %add3A_635 = arith.addi %mul3A_633, %add3A_634 : i32
        %get3A_636 = arith.index_cast %add3A_635 : i32 to index
        %get3A_637 = arith.constant 32 : index
        %get3A_638 = tpu.vector_load %arg4[%get3A_636, %get3A_637] {strides = array<i32>} : memref<128x100xi32, #tpu.memory_space<vmem>>, vector<16xi32>,
        %add3A_639 = arith.addi %get3A_638, %mul3A_6 : vector<16xi32>
        %add3A_640 = arith.constant 4096 : i32
        %add3A_641 = vector.broadcast %add3A_640 : i32 to vector<16xi32>
        %add3A_642 = arith.addi %add3A_639, %add3A_641 : vector<16xi32>
        tpu.vector_store_idx %arg6[%broadcast_in_dim3A_609, %add3A_642], %broadcast_in_dim3A_1 : memref<2x12800xf32, #tpu.memory_space<vmem>>[vector<16xi32>, vector<16xi32>], vector<16xf32>,
        %mul3A_643 = arith.constant 2 : i32
        %mul3A_644 = arith.muli %sub3A_607, %mul3A_643 : i32
        %add3A_645 = arith.constant 0 : i32
        %add3A_646 = arith.addi %mul3A_644, %add3A_645 : i32
        %get3A_647 = arith.index_cast %add3A_646 : i32 to index
        %get3A_648 = arith.constant 48 : index
        %get3A_649 = tpu.vector_load %arg4[%get3A_647, %get3A_648] {strides = array<i32>} : memref<128x100xi32, #tpu.memory_space<vmem>>, vector<16xi32>,
        %add3A_650 = arith.addi %get3A_649, %mul3A_6 : vector<16xi32>
        %add3A_651 = arith.constant 6144 : i32
        %add3A_652 = vector.broadcast %add3A_651 : i32 to vector<16xi32>
        %add3A_653 = arith.addi %add3A_650, %add3A_652 : vector<16xi32>
        tpu.vector_store_idx %arg6[%broadcast_in_dim3A_609, %add3A_653], %broadcast_in_dim3A_1 : memref<2x12800xf32, #tpu.memory_space<vmem>>[vector<16xi32>, vector<16xi32>], vector<16xf32>,
        %mul3A_654 = arith.constant 2 : i32
        %mul3A_655 = arith.muli %sub3A_607, %mul3A_654 : i32
        %add3A_656 = arith.constant 0 : i32
        %add3A_657 = arith.addi %mul3A_655, %add3A_656 : i32
        %get3A_658 = arith.index_cast %add3A_657 : i32 to index
        %get3A_659 = arith.constant 64 : index
        %get3A_660 = tpu.vector_load %arg4[%get3A_658, %get3A_659] {strides = array<i32>} : memref<128x100xi32, #tpu.memory_space<vmem>>, vector<16xi32>,
        %add3A_661 = arith.addi %get3A_660, %mul3A_6 : vector<16xi32>
        %add3A_662 = arith.constant 8192 : i32
        %add3A_663 = vector.broadcast %add3A_662 : i32 to vector<16xi32>
        %add3A_664 = arith.addi %add3A_661, %add3A_663 : vector<16xi32>
        tpu.vector_store_idx %arg6[%broadcast_in_dim3A_609, %add3A_664], %broadcast_in_dim3A_1 : memref<2x12800xf32, #tpu.memory_space<vmem>>[vector<16xi32>, vector<16xi32>], vector<16xf32>,
        %mul3A_665 = arith.constant 2 : i32
        %mul3A_666 = arith.muli %sub3A_607, %mul3A_665 : i32
        %add3A_667 = arith.constant 0 : i32
        %add3A_668 = arith.addi %mul3A_666, %add3A_667 : i32
        %get3A_669 = arith.index_cast %add3A_668 : i32 to index
        %get3A_670 = arith.constant 80 : index
        %get3A_671 = tpu.vector_load %arg4[%get3A_669, %get3A_670] {strides = array<i32>} : memref<128x100xi32, #tpu.memory_space<vmem>>, vector<16xi32>,
        %add3A_672 = arith.addi %get3A_671, %mul3A_6 : vector<16xi32>
        %add3A_673 = arith.constant 10240 : i32
        %add3A_674 = vector.broadcast %add3A_673 : i32 to vector<16xi32>
        %add3A_675 = arith.addi %add3A_672, %add3A_674 : vector<16xi32>
        tpu.vector_store_idx %arg6[%broadcast_in_dim3A_609, %add3A_675], %broadcast_in_dim3A_1 : memref<2x12800xf32, #tpu.memory_space<vmem>>[vector<16xi32>, vector<16xi32>], vector<16xf32>,
        %mul3A_676 = arith.constant 2 : i32
        %mul3A_677 = arith.muli %sub3A_607, %mul3A_676 : i32
        %add3A_678 = arith.constant 0 : i32
        %add3A_679 = arith.addi %mul3A_677, %add3A_678 : i32
        %get3A_680 = arith.index_cast %add3A_679 : i32 to index
        %get3A_681 = arith.constant 84 : index
        %get3A_682 = tpu.vector_load %arg4[%get3A_680, %get3A_681] {strides = array<i32>} : memref<128x100xi32, #tpu.memory_space<vmem>>, vector<16xi32>,
        %add3A_683 = arith.addi %get3A_682, %mul3A_6 : vector<16xi32>
        %add3A_684 = arith.constant 10752 : i32
        %add3A_685 = vector.broadcast %add3A_684 : i32 to vector<16xi32>
        %add3A_686 = arith.addi %add3A_683, %add3A_685 : vector<16xi32>
        tpu.vector_store_idx %arg6[%broadcast_in_dim3A_609, %add3A_686], %broadcast_in_dim3A_1 : memref<2x12800xf32, #tpu.memory_space<vmem>>[vector<16xi32>, vector<16xi32>], vector<16xf32>,
        %broadcast_in_dim3A_687 = arith.constant 1 : i32
        %broadcast_in_dim3A_688 = vector.broadcast %broadcast_in_dim3A_687 : i32 to vector<16xi32>
        %mul3A_689 = arith.constant 2 : i32
        %mul3A_690 = arith.muli %sub3A_607, %mul3A_689 : i32
        %add3A_691 = arith.constant 1 : i32
        %add3A_692 = arith.addi %mul3A_690, %add3A_691 : i32
        %get3A_693 = arith.index_cast %add3A_692 : i32 to index
        %get3A_694 = arith.constant 0 : index
        %get3A_695 = tpu.vector_load %arg4[%get3A_693, %get3A_694] {strides = array<i32>} : memref<128x100xi32, #tpu.memory_space<vmem>>, vector<16xi32>,
        %add3A_696 = arith.addi %get3A_695, %mul3A_6 : vector<16xi32>
        %add3A_697 = arith.constant 0 : i32
        %add3A_698 = vector.broadcast %add3A_697 : i32 to vector<16xi32>
        %add3A_699 = arith.addi %add3A_696, %add3A_698 : vector<16xi32>
        tpu.vector_store_idx %arg6[%broadcast_in_dim3A_688, %add3A_699], %broadcast_in_dim3A_1 : memref<2x12800xf32, #tpu.memory_space<vmem>>[vector<16xi32>, vector<16xi32>], vector<16xf32>,
        %mul3A_700 = arith.constant 2 : i32
        %mul3A_701 = arith.muli %sub3A_607, %mul3A_700 : i32
        %add3A_702 = arith.constant 1 : i32
        %add3A_703 = arith.addi %mul3A_701, %add3A_702 : i32
        %get3A_704 = arith.index_cast %add3A_703 : i32 to index
        %get3A_705 = arith.constant 16 : index
        %get3A_706 = tpu.vector_load %arg4[%get3A_704, %get3A_705] {strides = array<i32>} : memref<128x100xi32, #tpu.memory_space<vmem>>, vector<16xi32>,
        %add3A_707 = arith.addi %get3A_706, %mul3A_6 : vector<16xi32>
        %add3A_708 = arith.constant 2048 : i32
        %add3A_709 = vector.broadcast %add3A_708 : i32 to vector<16xi32>
        %add3A_710 = arith.addi %add3A_707, %add3A_709 : vector<16xi32>
        tpu.vector_store_idx %arg6[%broadcast_in_dim3A_688, %add3A_710], %broadcast_in_dim3A_1 : memref<2x12800xf32, #tpu.memory_space<vmem>>[vector<16xi32>, vector<16xi32>], vector<16xf32>,
        %mul3A_711 = arith.constant 2 : i32
        %mul3A_712 = arith.muli %sub3A_607, %mul3A_711 : i32
        %add3A_713 = arith.constant 1 : i32
        %add3A_714 = arith.addi %mul3A_712, %add3A_713 : i32
        %get3A_715 = arith.index_cast %add3A_714 : i32 to index
        %get3A_716 = arith.constant 32 : index
        %get3A_717 = tpu.vector_load %arg4[%get3A_715, %get3A_716] {strides = array<i32>} : memref<128x100xi32, #tpu.memory_space<vmem>>, vector<16xi32>,
        %add3A_718 = arith.addi %get3A_717, %mul3A_6 : vector<16xi32>
        %add3A_719 = arith.constant 4096 : i32
        %add3A_720 = vector.broadcast %add3A_719 : i32 to vector<16xi32>
        %add3A_721 = arith.addi %add3A_718, %add3A_720 : vector<16xi32>
        tpu.vector_store_idx %arg6[%broadcast_in_dim3A_688, %add3A_721], %broadcast_in_dim3A_1 : memref<2x12800xf32, #tpu.memory_space<vmem>>[vector<16xi32>, vector<16xi32>], vector<16xf32>,
        %mul3A_722 = arith.constant 2 : i32
        %mul3A_723 = arith.muli %sub3A_607, %mul3A_722 : i32
        %add3A_724 = arith.constant 1 : i32
        %add3A_725 = arith.addi %mul3A_723, %add3A_724 : i32
        %get3A_726 = arith.index_cast %add3A_725 : i32 to index
        %get3A_727 = arith.constant 48 : index
        %get3A_728 = tpu.vector_load %arg4[%get3A_726, %get3A_727] {strides = array<i32>} : memref<128x100xi32, #tpu.memory_space<vmem>>, vector<16xi32>,
        %add3A_729 = arith.addi %get3A_728, %mul3A_6 : vector<16xi32>
        %add3A_730 = arith.constant 6144 : i32
        %add3A_731 = vector.broadcast %add3A_730 : i32 to vector<16xi32>
        %add3A_732 = arith.addi %add3A_729, %add3A_731 : vector<16xi32>
        tpu.vector_store_idx %arg6[%broadcast_in_dim3A_688, %add3A_732], %broadcast_in_dim3A_1 : memref<2x12800xf32, #tpu.memory_space<vmem>>[vector<16xi32>, vector<16xi32>], vector<16xf32>,
        %mul3A_733 = arith.constant 2 : i32
        %mul3A_734 = arith.muli %sub3A_607, %mul3A_733 : i32
        %add3A_735 = arith.constant 1 : i32
        %add3A_736 = arith.addi %mul3A_734, %add3A_735 : i32
        %get3A_737 = arith.index_cast %add3A_736 : i32 to index
        %get3A_738 = arith.constant 64 : index
        %get3A_739 = tpu.vector_load %arg4[%get3A_737, %get3A_738] {strides = array<i32>} : memref<128x100xi32, #tpu.memory_space<vmem>>, vector<16xi32>,
        %add3A_740 = arith.addi %get3A_739, %mul3A_6 : vector<16xi32>
        %add3A_741 = arith.constant 8192 : i32
        %add3A_742 = vector.broadcast %add3A_741 : i32 to vector<16xi32>
        %add3A_743 = arith.addi %add3A_740, %add3A_742 : vector<16xi32>
        tpu.vector_store_idx %arg6[%broadcast_in_dim3A_688, %add3A_743], %broadcast_in_dim3A_1 : memref<2x12800xf32, #tpu.memory_space<vmem>>[vector<16xi32>, vector<16xi32>], vector<16xf32>,
        %mul3A_744 = arith.constant 2 : i32
        %mul3A_745 = arith.muli %sub3A_607, %mul3A_744 : i32
        %add3A_746 = arith.constant 1 : i32
        %add3A_747 = arith.addi %mul3A_745, %add3A_746 : i32
        %get3A_748 = arith.index_cast %add3A_747 : i32 to index
        %get3A_749 = arith.constant 80 : index
        %get3A_750 = tpu.vector_load %arg4[%get3A_748, %get3A_749] {strides = array<i32>} : memref<128x100xi32, #tpu.memory_space<vmem>>, vector<16xi32>,
        %add3A_751 = arith.addi %get3A_750, %mul3A_6 : vector<16xi32>
        %add3A_752 = arith.constant 10240 : i32
        %add3A_753 = vector.broadcast %add3A_752 : i32 to vector<16xi32>
        %add3A_754 = arith.addi %add3A_751, %add3A_753 : vector<16xi32>
        tpu.vector_store_idx %arg6[%broadcast_in_dim3A_688, %add3A_754], %broadcast_in_dim3A_1 : memref<2x12800xf32, #tpu.memory_space<vmem>>[vector<16xi32>, vector<16xi32>], vector<16xf32>,
        %mul3A_755 = arith.constant 2 : i32
        %mul3A_756 = arith.muli %sub3A_607, %mul3A_755 : i32
        %add3A_757 = arith.constant 1 : i32
        %add3A_758 = arith.addi %mul3A_756, %add3A_757 : i32
        %get3A_759 = arith.index_cast %add3A_758 : i32 to index
        %get3A_760 = arith.constant 84 : index
        %get3A_761 = tpu.vector_load %arg4[%get3A_759, %get3A_760] {strides = array<i32>} : memref<128x100xi32, #tpu.memory_space<vmem>>, vector<16xi32>,
        %add3A_762 = arith.addi %get3A_761, %mul3A_6 : vector<16xi32>
        %add3A_763 = arith.constant 10752 : i32
        %add3A_764 = vector.broadcast %add3A_763 : i32 to vector<16xi32>
        %add3A_765 = arith.addi %add3A_762, %add3A_764 : vector<16xi32>
        tpu.vector_store_idx %arg6[%broadcast_in_dim3A_688, %add3A_765], %broadcast_in_dim3A_1 : memref<2x12800xf32, #tpu.memory_space<vmem>>[vector<16xi32>, vector<16xi32>], vector<16xf32>,
        %broadcast_in_dim3A_766 = arith.constant 0 : i32
        %broadcast_in_dim3A_767 = vector.broadcast %broadcast_in_dim3A_766 : i32 to vector<16xi32>
        %mul3A_768 = arith.constant 2 : i32
        %mul3A_769 = arith.muli %scan3A_571, %mul3A_768 : i32
        %add3A_770 = arith.constant 0 : i32
        %add3A_771 = arith.addi %mul3A_769, %add3A_770 : i32
        %get3A_772 = arith.index_cast %add3A_771 : i32 to index
        %get3A_773 = arith.constant 0 : index
        %get3A_774 = tpu.vector_load %arg4[%get3A_772, %get3A_773] {strides = array<i32>} : memref<128x100xi32, #tpu.memory_space<vmem>>, vector<16xi32>,
        %add3A_775 = arith.addi %get3A_774, %mul3A_6 : vector<16xi32>
        %add3A_776 = arith.constant 0 : i32
        %add3A_777 = vector.broadcast %add3A_776 : i32 to vector<16xi32>
        %add3A_778 = arith.addi %add3A_775, %add3A_777 : vector<16xi32>
        tpu.vector_store_idx %arg6[%broadcast_in_dim3A_767, %add3A_778], %broadcast_in_dim3A_3 : memref<2x12800xf32, #tpu.memory_space<vmem>>[vector<16xi32>, vector<16xi32>], vector<16xf32>,
        %mul3A_779 = arith.constant 2 : i32
        %mul3A_780 = arith.muli %scan3A_571, %mul3A_779 : i32
        %add3A_781 = arith.constant 0 : i32
        %add3A_782 = arith.addi %mul3A_780, %add3A_781 : i32
        %get3A_783 = arith.index_cast %add3A_782 : i32 to index
        %get3A_784 = arith.constant 16 : index
        %get3A_785 = tpu.vector_load %arg4[%get3A_783, %get3A_784] {strides = array<i32>} : memref<128x100xi32, #tpu.memory_space<vmem>>, vector<16xi32>,
        %add3A_786 = arith.addi %get3A_785, %mul3A_6 : vector<16xi32>
        %add3A_787 = arith.constant 2048 : i32
        %add3A_788 = vector.broadcast %add3A_787 : i32 to vector<16xi32>
        %add3A_789 = arith.addi %add3A_786, %add3A_788 : vector<16xi32>
        tpu.vector_store_idx %arg6[%broadcast_in_dim3A_767, %add3A_789], %broadcast_in_dim3A_3 : memref<2x12800xf32, #tpu.memory_space<vmem>>[vector<16xi32>, vector<16xi32>], vector<16xf32>,
        %mul3A_790 = arith.constant 2 : i32
        %mul3A_791 = arith.muli %scan3A_571, %mul3A_790 : i32
        %add3A_792 = arith.constant 0 : i32
        %add3A_793 = arith.addi %mul3A_791, %add3A_792 : i32
        %get3A_794 = arith.index_cast %add3A_793 : i32 to index
        %get3A_795 = arith.constant 32 : index
        %get3A_796 = tpu.vector_load %arg4[%get3A_794, %get3A_795] {strides = array<i32>} : memref<128x100xi32, #tpu.memory_space<vmem>>, vector<16xi32>,
        %add3A_797 = arith.addi %get3A_796, %mul3A_6 : vector<16xi32>
        %add3A_798 = arith.constant 4096 : i32
        %add3A_799 = vector.broadcast %add3A_798 : i32 to vector<16xi32>
        %add3A_800 = arith.addi %add3A_797, %add3A_799 : vector<16xi32>
        tpu.vector_store_idx %arg6[%broadcast_in_dim3A_767, %add3A_800], %broadcast_in_dim3A_3 : memref<2x12800xf32, #tpu.memory_space<vmem>>[vector<16xi32>, vector<16xi32>], vector<16xf32>,
        %mul3A_801 = arith.constant 2 : i32
        %mul3A_802 = arith.muli %scan3A_571, %mul3A_801 : i32
        %add3A_803 = arith.constant 0 : i32
        %add3A_804 = arith.addi %mul3A_802, %add3A_803 : i32
        %get3A_805 = arith.index_cast %add3A_804 : i32 to index
        %get3A_806 = arith.constant 48 : index
        %get3A_807 = tpu.vector_load %arg4[%get3A_805, %get3A_806] {strides = array<i32>} : memref<128x100xi32, #tpu.memory_space<vmem>>, vector<16xi32>,
        %add3A_808 = arith.addi %get3A_807, %mul3A_6 : vector<16xi32>
        %add3A_809 = arith.constant 6144 : i32
        %add3A_810 = vector.broadcast %add3A_809 : i32 to vector<16xi32>
        %add3A_811 = arith.addi %add3A_808, %add3A_810 : vector<16xi32>
        tpu.vector_store_idx %arg6[%broadcast_in_dim3A_767, %add3A_811], %broadcast_in_dim3A_3 : memref<2x12800xf32, #tpu.memory_space<vmem>>[vector<16xi32>, vector<16xi32>], vector<16xf32>,
        %mul3A_812 = arith.constant 2 : i32
        %mul3A_813 = arith.muli %scan3A_571, %mul3A_812 : i32
        %add3A_814 = arith.constant 0 : i32
        %add3A_815 = arith.addi %mul3A_813, %add3A_814 : i32
        %get3A_816 = arith.index_cast %add3A_815 : i32 to index
        %get3A_817 = arith.constant 64 : index
        %get3A_818 = tpu.vector_load %arg4[%get3A_816, %get3A_817] {strides = array<i32>} : memref<128x100xi32, #tpu.memory_space<vmem>>, vector<16xi32>,
        %add3A_819 = arith.addi %get3A_818, %mul3A_6 : vector<16xi32>
        %add3A_820 = arith.constant 8192 : i32
        %add3A_821 = vector.broadcast %add3A_820 : i32 to vector<16xi32>
        %add3A_822 = arith.addi %add3A_819, %add3A_821 : vector<16xi32>
        tpu.vector_store_idx %arg6[%broadcast_in_dim3A_767, %add3A_822], %broadcast_in_dim3A_3 : memref<2x12800xf32, #tpu.memory_space<vmem>>[vector<16xi32>, vector<16xi32>], vector<16xf32>,
        %mul3A_823 = arith.constant 2 : i32
        %mul3A_824 = arith.muli %scan3A_571, %mul3A_823 : i32
        %add3A_825 = arith.constant 0 : i32
        %add3A_826 = arith.addi %mul3A_824, %add3A_825 : i32
        %get3A_827 = arith.index_cast %add3A_826 : i32 to index
        %get3A_828 = arith.constant 80 : index
        %get3A_829 = tpu.vector_load %arg4[%get3A_827, %get3A_828] {strides = array<i32>} : memref<128x100xi32, #tpu.memory_space<vmem>>, vector<16xi32>,
        %add3A_830 = arith.addi %get3A_829, %mul3A_6 : vector<16xi32>
        %add3A_831 = arith.constant 10240 : i32
        %add3A_832 = vector.broadcast %add3A_831 : i32 to vector<16xi32>
        %add3A_833 = arith.addi %add3A_830, %add3A_832 : vector<16xi32>
        tpu.vector_store_idx %arg6[%broadcast_in_dim3A_767, %add3A_833], %broadcast_in_dim3A_3 : memref<2x12800xf32, #tpu.memory_space<vmem>>[vector<16xi32>, vector<16xi32>], vector<16xf32>,
        %mul3A_834 = arith.constant 2 : i32
        %mul3A_835 = arith.muli %scan3A_571, %mul3A_834 : i32
        %add3A_836 = arith.constant 0 : i32
        %add3A_837 = arith.addi %mul3A_835, %add3A_836 : i32
        %get3A_838 = arith.index_cast %add3A_837 : i32 to index
        %get3A_839 = arith.constant 84 : index
        %get3A_840 = tpu.vector_load %arg4[%get3A_838, %get3A_839] {strides = array<i32>} : memref<128x100xi32, #tpu.memory_space<vmem>>, vector<16xi32>,
        %add3A_841 = arith.addi %get3A_840, %mul3A_6 : vector<16xi32>
        %add3A_842 = arith.constant 10752 : i32
        %add3A_843 = vector.broadcast %add3A_842 : i32 to vector<16xi32>
        %add3A_844 = arith.addi %add3A_841, %add3A_843 : vector<16xi32>
        tpu.vector_store_idx %arg6[%broadcast_in_dim3A_767, %add3A_844], %broadcast_in_dim3A_3 : memref<2x12800xf32, #tpu.memory_space<vmem>>[vector<16xi32>, vector<16xi32>], vector<16xf32>,
        %broadcast_in_dim3A_845 = arith.constant 1 : i32
        %broadcast_in_dim3A_846 = vector.broadcast %broadcast_in_dim3A_845 : i32 to vector<16xi32>
        %mul3A_847 = arith.constant 2 : i32
        %mul3A_848 = arith.muli %scan3A_571, %mul3A_847 : i32
        %add3A_849 = arith.constant 1 : i32
        %add3A_850 = arith.addi %mul3A_848, %add3A_849 : i32
        %get3A_851 = arith.index_cast %add3A_850 : i32 to index
        %get3A_852 = arith.constant 0 : index
        %get3A_853 = tpu.vector_load %arg4[%get3A_851, %get3A_852] {strides = array<i32>} : memref<128x100xi32, #tpu.memory_space<vmem>>, vector<16xi32>,
        %add3A_854 = arith.addi %get3A_853, %mul3A_6 : vector<16xi32>
        %add3A_855 = arith.constant 0 : i32
        %add3A_856 = vector.broadcast %add3A_855 : i32 to vector<16xi32>
        %add3A_857 = arith.addi %add3A_854, %add3A_856 : vector<16xi32>
        tpu.vector_store_idx %arg6[%broadcast_in_dim3A_846, %add3A_857], %broadcast_in_dim3A_3 : memref<2x12800xf32, #tpu.memory_space<vmem>>[vector<16xi32>, vector<16xi32>], vector<16xf32>,
        %mul3A_858 = arith.constant 2 : i32
        %mul3A_859 = arith.muli %scan3A_571, %mul3A_858 : i32
        %add3A_860 = arith.constant 1 : i32
        %add3A_861 = arith.addi %mul3A_859, %add3A_860 : i32
        %get3A_862 = arith.index_cast %add3A_861 : i32 to index
        %get3A_863 = arith.constant 16 : index
        %get3A_864 = tpu.vector_load %arg4[%get3A_862, %get3A_863] {strides = array<i32>} : memref<128x100xi32, #tpu.memory_space<vmem>>, vector<16xi32>,
        %add3A_865 = arith.addi %get3A_864, %mul3A_6 : vector<16xi32>
        %add3A_866 = arith.constant 2048 : i32
        %add3A_867 = vector.broadcast %add3A_866 : i32 to vector<16xi32>
        %add3A_868 = arith.addi %add3A_865, %add3A_867 : vector<16xi32>
        tpu.vector_store_idx %arg6[%broadcast_in_dim3A_846, %add3A_868], %broadcast_in_dim3A_3 : memref<2x12800xf32, #tpu.memory_space<vmem>>[vector<16xi32>, vector<16xi32>], vector<16xf32>,
        %mul3A_869 = arith.constant 2 : i32
        %mul3A_870 = arith.muli %scan3A_571, %mul3A_869 : i32
        %add3A_871 = arith.constant 1 : i32
        %add3A_872 = arith.addi %mul3A_870, %add3A_871 : i32
        %get3A_873 = arith.index_cast %add3A_872 : i32 to index
        %get3A_874 = arith.constant 32 : index
        %get3A_875 = tpu.vector_load %arg4[%get3A_873, %get3A_874] {strides = array<i32>} : memref<128x100xi32, #tpu.memory_space<vmem>>, vector<16xi32>,
        %add3A_876 = arith.addi %get3A_875, %mul3A_6 : vector<16xi32>
        %add3A_877 = arith.constant 4096 : i32
        %add3A_878 = vector.broadcast %add3A_877 : i32 to vector<16xi32>
        %add3A_879 = arith.addi %add3A_876, %add3A_878 : vector<16xi32>
        tpu.vector_store_idx %arg6[%broadcast_in_dim3A_846, %add3A_879], %broadcast_in_dim3A_3 : memref<2x12800xf32, #tpu.memory_space<vmem>>[vector<16xi32>, vector<16xi32>], vector<16xf32>,
        %mul3A_880 = arith.constant 2 : i32
        %mul3A_881 = arith.muli %scan3A_571, %mul3A_880 : i32
        %add3A_882 = arith.constant 1 : i32
        %add3A_883 = arith.addi %mul3A_881, %add3A_882 : i32
        %get3A_884 = arith.index_cast %add3A_883 : i32 to index
        %get3A_885 = arith.constant 48 : index
        %get3A_886 = tpu.vector_load %arg4[%get3A_884, %get3A_885] {strides = array<i32>} : memref<128x100xi32, #tpu.memory_space<vmem>>, vector<16xi32>,
        %add3A_887 = arith.addi %get3A_886, %mul3A_6 : vector<16xi32>
        %add3A_888 = arith.constant 6144 : i32
        %add3A_889 = vector.broadcast %add3A_888 : i32 to vector<16xi32>
        %add3A_890 = arith.addi %add3A_887, %add3A_889 : vector<16xi32>
        tpu.vector_store_idx %arg6[%broadcast_in_dim3A_846, %add3A_890], %broadcast_in_dim3A_3 : memref<2x12800xf32, #tpu.memory_space<vmem>>[vector<16xi32>, vector<16xi32>], vector<16xf32>,
        %mul3A_891 = arith.constant 2 : i32
        %mul3A_892 = arith.muli %scan3A_571, %mul3A_891 : i32
        %add3A_893 = arith.constant 1 : i32
        %add3A_894 = arith.addi %mul3A_892, %add3A_893 : i32
        %get3A_895 = arith.index_cast %add3A_894 : i32 to index
        %get3A_896 = arith.constant 64 : index
        %get3A_897 = tpu.vector_load %arg4[%get3A_895, %get3A_896] {strides = array<i32>} : memref<128x100xi32, #tpu.memory_space<vmem>>, vector<16xi32>,
        %add3A_898 = arith.addi %get3A_897, %mul3A_6 : vector<16xi32>
        %add3A_899 = arith.constant 8192 : i32
        %add3A_900 = vector.broadcast %add3A_899 : i32 to vector<16xi32>
        %add3A_901 = arith.addi %add3A_898, %add3A_900 : vector<16xi32>
        tpu.vector_store_idx %arg6[%broadcast_in_dim3A_846, %add3A_901], %broadcast_in_dim3A_3 : memref<2x12800xf32, #tpu.memory_space<vmem>>[vector<16xi32>, vector<16xi32>], vector<16xf32>,
        %mul3A_902 = arith.constant 2 : i32
        %mul3A_903 = arith.muli %scan3A_571, %mul3A_902 : i32
        %add3A_904 = arith.constant 1 : i32
        %add3A_905 = arith.addi %mul3A_903, %add3A_904 : i32
        %get3A_906 = arith.index_cast %add3A_905 : i32 to index
        %get3A_907 = arith.constant 80 : index
        %get3A_908 = tpu.vector_load %arg4[%get3A_906, %get3A_907] {strides = array<i32>} : memref<128x100xi32, #tpu.memory_space<vmem>>, vector<16xi32>,
        %add3A_909 = arith.addi %get3A_908, %mul3A_6 : vector<16xi32>
        %add3A_910 = arith.constant 10240 : i32
        %add3A_911 = vector.broadcast %add3A_910 : i32 to vector<16xi32>
        %add3A_912 = arith.addi %add3A_909, %add3A_911 : vector<16xi32>
        tpu.vector_store_idx %arg6[%broadcast_in_dim3A_846, %add3A_912], %broadcast_in_dim3A_3 : memref<2x12800xf32, #tpu.memory_space<vmem>>[vector<16xi32>, vector<16xi32>], vector<16xf32>,
        %mul3A_913 = arith.constant 2 : i32
        %mul3A_914 = arith.muli %scan3A_571, %mul3A_913 : i32
        %add3A_915 = arith.constant 1 : i32
        %add3A_916 = arith.addi %mul3A_914, %add3A_915 : i32
        %get3A_917 = arith.index_cast %add3A_916 : i32 to index
        %get3A_918 = arith.constant 84 : index
        %get3A_919 = tpu.vector_load %arg4[%get3A_917, %get3A_918] {strides = array<i32>} : memref<128x100xi32, #tpu.memory_space<vmem>>, vector<16xi32>,
        %add3A_920 = arith.addi %get3A_919, %mul3A_6 : vector<16xi32>
        %add3A_921 = arith.constant 10752 : i32
        %add3A_922 = vector.broadcast %add3A_921 : i32 to vector<16xi32>
        %add3A_923 = arith.addi %add3A_920, %add3A_922 : vector<16xi32>
        tpu.vector_store_idx %arg6[%broadcast_in_dim3A_846, %add3A_923], %broadcast_in_dim3A_3 : memref<2x12800xf32, #tpu.memory_space<vmem>>[vector<16xi32>, vector<16xi32>], vector<16xf32>,
        %mul3A_924 = arith.constant 128 : i32
        %mul3A_925 = arith.muli %add3A, %mul3A_924 : i32
        %mul3A_926 = arith.constant 2 : i32
        %mul3A_927 = arith.muli %scan3A_571, %mul3A_926 : i32
        %add3A_928 = arith.addi %mul3A_925, %mul3A_927 : i32
        %dma_start3A_929 = arith.constant 0 : i32
        %dma_start3A_930 = tpu.memref_slice %arg3[%add3A_928, %dma_start3A_929] : memref<4096x12800xf32, #tpu.memory_space<hbm>> -> memref<2x12800xf32, #tpu.memory_space<hbm>>
        %dma_start3A_931 = arith.constant 0 : i32
        %dma_start3A_932 = tpu.memref_slice %arg3[%add3A_928, %dma_start3A_931] : memref<4096x12800xf32, #tpu.memory_space<hbm>> -> memref<2x12800xf32, #tpu.memory_space<hbm>>
        tpu.enqueue_dma source(%arg6 : memref<2x12800xf32, #tpu.memory_space<vmem>>) target(%dma_start3A_932 : memref<2x12800xf32, #tpu.memory_space<hbm>>) target_semaphore(%arg10 : memref<!tpu.dma_semaphore, #tpu.memory_space<semaphore_mem>>)
      } else {
      }
      %rem3A_582 = arith.constant 4 : i32
      %rem3A_583 = arith.remsi %scan3A_571, %rem3A_582 : i32
      %eq3A_584 = arith.constant 2 : i32
      %eq3A_585 = arith.cmpi eq, %rem3A_583, %eq3A_584 : i32
      %convert_element_type3A_586 = arith.extui %eq3A_585 : i1 to i32
      %cond3A_587 = arith.constant 0 : i32
      %cond3A_588 = arith.cmpi ne, %convert_element_type3A_586, %cond3A_587 : i32
      scf.if %cond3A_588 {
        %sub3A = arith.constant 4 : i32
        %sub3A_596 = arith.subi %scan3A_571, %sub3A : i32
        %mul3A_597 = arith.constant 128 : i32
        %mul3A_598 = arith.muli %add3A, %mul3A_597 : i32
        %mul3A_599 = arith.constant 2 : i32
        %mul3A_600 = arith.muli %sub3A_596, %mul3A_599 : i32
        %add3A_601 = arith.addi %mul3A_598, %mul3A_600 : i32
        %dma_wait3A_602 = arith.constant 0 : i32
        %dma_wait3A_603 = tpu.memref_slice %arg3[%add3A_601, %dma_wait3A_602] : memref<4096x12800xf32, #tpu.memory_space<hbm>> -> memref<2x12800xf32, #tpu.memory_space<hbm>>
        %dma_wait3A_604 = arith.constant 0 : i32
        %dma_wait3A_605 = tpu.memref_slice %arg3[%add3A_601, %dma_wait3A_604] : memref<4096x12800xf32, #tpu.memory_space<hbm>> -> memref<2x12800xf32, #tpu.memory_space<hbm>>
        tpu.wait_dma2 semaphore(%arg11 : memref<!tpu.dma_semaphore, #tpu.memory_space<semaphore_mem>>) src(%arg7 : memref<2x12800xf32, #tpu.memory_space<vmem>>) dst(%dma_wait3A_605 : memref<2x12800xf32, #tpu.memory_space<hbm>>)
        %sub3A_606 = arith.constant 4 : i32
        %sub3A_607 = arith.subi %scan3A_571, %sub3A_606 : i32
        %broadcast_in_dim3A_608 = arith.constant 0 : i32
        %broadcast_in_dim3A_609 = vector.broadcast %broadcast_in_dim3A_608 : i32 to vector<16xi32>
        %mul3A_610 = arith.constant 2 : i32
        %mul3A_611 = arith.muli %sub3A_607, %mul3A_610 : i32
        %add3A_612 = arith.constant 0 : i32
        %add3A_613 = arith.addi %mul3A_611, %add3A_612 : i32
        %get3A_614 = arith.index_cast %add3A_613 : i32 to index
        %get3A_615 = arith.constant 0 : index
        %get3A_616 = tpu.vector_load %arg4[%get3A_614, %get3A_615] {strides = array<i32>} : memref<128x100xi32, #tpu.memory_space<vmem>>, vector<16xi32>,
        %add3A_617 = arith.addi %get3A_616, %mul3A_6 : vector<16xi32>
        %add3A_618 = arith.constant 0 : i32
        %add3A_619 = vector.broadcast %add3A_618 : i32 to vector<16xi32>
        %add3A_620 = arith.addi %add3A_617, %add3A_619 : vector<16xi32>
        tpu.vector_store_idx %arg7[%broadcast_in_dim3A_609, %add3A_620], %broadcast_in_dim3A_1 : memref<2x12800xf32, #tpu.memory_space<vmem>>[vector<16xi32>, vector<16xi32>], vector<16xf32>,
        %mul3A_621 = arith.constant 2 : i32
        %mul3A_622 = arith.muli %sub3A_607, %mul3A_621 : i32
        %add3A_623 = arith.constant 0 : i32
        %add3A_624 = arith.addi %mul3A_622, %add3A_623 : i32
        %get3A_625 = arith.index_cast %add3A_624 : i32 to index
        %get3A_626 = arith.constant 16 : index
        %get3A_627 = tpu.vector_load %arg4[%get3A_625, %get3A_626] {strides = array<i32>} : memref<128x100xi32, #tpu.memory_space<vmem>>, vector<16xi32>,
        %add3A_628 = arith.addi %get3A_627, %mul3A_6 : vector<16xi32>
        %add3A_629 = arith.constant 2048 : i32
        %add3A_630 = vector.broadcast %add3A_629 : i32 to vector<16xi32>
        %add3A_631 = arith.addi %add3A_628, %add3A_630 : vector<16xi32>
        tpu.vector_store_idx %arg7[%broadcast_in_dim3A_609, %add3A_631], %broadcast_in_dim3A_1 : memref<2x12800xf32, #tpu.memory_space<vmem>>[vector<16xi32>, vector<16xi32>], vector<16xf32>,
        %mul3A_632 = arith.constant 2 : i32
        %mul3A_633 = arith.muli %sub3A_607, %mul3A_632 : i32
        %add3A_634 = arith.constant 0 : i32
        %add3A_635 = arith.addi %mul3A_633, %add3A_634 : i32
        %get3A_636 = arith.index_cast %add3A_635 : i32 to index
        %get3A_637 = arith.constant 32 : index
        %get3A_638 = tpu.vector_load %arg4[%get3A_636, %get3A_637] {strides = array<i32>} : memref<128x100xi32, #tpu.memory_space<vmem>>, vector<16xi32>,
        %add3A_639 = arith.addi %get3A_638, %mul3A_6 : vector<16xi32>
        %add3A_640 = arith.constant 4096 : i32
        %add3A_641 = vector.broadcast %add3A_640 : i32 to vector<16xi32>
        %add3A_642 = arith.addi %add3A_639, %add3A_641 : vector<16xi32>
        tpu.vector_store_idx %arg7[%broadcast_in_dim3A_609, %add3A_642], %broadcast_in_dim3A_1 : memref<2x12800xf32, #tpu.memory_space<vmem>>[vector<16xi32>, vector<16xi32>], vector<16xf32>,
        %mul3A_643 = arith.constant 2 : i32
        %mul3A_644 = arith.muli %sub3A_607, %mul3A_643 : i32
        %add3A_645 = arith.constant 0 : i32
        %add3A_646 = arith.addi %mul3A_644, %add3A_645 : i32
        %get3A_647 = arith.index_cast %add3A_646 : i32 to index
        %get3A_648 = arith.constant 48 : index
        %get3A_649 = tpu.vector_load %arg4[%get3A_647, %get3A_648] {strides = array<i32>} : memref<128x100xi32, #tpu.memory_space<vmem>>, vector<16xi32>,
        %add3A_650 = arith.addi %get3A_649, %mul3A_6 : vector<16xi32>
        %add3A_651 = arith.constant 6144 : i32
        %add3A_652 = vector.broadcast %add3A_651 : i32 to vector<16xi32>
        %add3A_653 = arith.addi %add3A_650, %add3A_652 : vector<16xi32>
        tpu.vector_store_idx %arg7[%broadcast_in_dim3A_609, %add3A_653], %broadcast_in_dim3A_1 : memref<2x12800xf32, #tpu.memory_space<vmem>>[vector<16xi32>, vector<16xi32>], vector<16xf32>,
        %mul3A_654 = arith.constant 2 : i32
        %mul3A_655 = arith.muli %sub3A_607, %mul3A_654 : i32
        %add3A_656 = arith.constant 0 : i32
        %add3A_657 = arith.addi %mul3A_655, %add3A_656 : i32
        %get3A_658 = arith.index_cast %add3A_657 : i32 to index
        %get3A_659 = arith.constant 64 : index
        %get3A_660 = tpu.vector_load %arg4[%get3A_658, %get3A_659] {strides = array<i32>} : memref<128x100xi32, #tpu.memory_space<vmem>>, vector<16xi32>,
        %add3A_661 = arith.addi %get3A_660, %mul3A_6 : vector<16xi32>
        %add3A_662 = arith.constant 8192 : i32
        %add3A_663 = vector.broadcast %add3A_662 : i32 to vector<16xi32>
        %add3A_664 = arith.addi %add3A_661, %add3A_663 : vector<16xi32>
        tpu.vector_store_idx %arg7[%broadcast_in_dim3A_609, %add3A_664], %broadcast_in_dim3A_1 : memref<2x12800xf32, #tpu.memory_space<vmem>>[vector<16xi32>, vector<16xi32>], vector<16xf32>,
        %mul3A_665 = arith.constant 2 : i32
        %mul3A_666 = arith.muli %sub3A_607, %mul3A_665 : i32
        %add3A_667 = arith.constant 0 : i32
        %add3A_668 = arith.addi %mul3A_666, %add3A_667 : i32
        %get3A_669 = arith.index_cast %add3A_668 : i32 to index
        %get3A_670 = arith.constant 80 : index
        %get3A_671 = tpu.vector_load %arg4[%get3A_669, %get3A_670] {strides = array<i32>} : memref<128x100xi32, #tpu.memory_space<vmem>>, vector<16xi32>,
        %add3A_672 = arith.addi %get3A_671, %mul3A_6 : vector<16xi32>
        %add3A_673 = arith.constant 10240 : i32
        %add3A_674 = vector.broadcast %add3A_673 : i32 to vector<16xi32>
        %add3A_675 = arith.addi %add3A_672, %add3A_674 : vector<16xi32>
        tpu.vector_store_idx %arg7[%broadcast_in_dim3A_609, %add3A_675], %broadcast_in_dim3A_1 : memref<2x12800xf32, #tpu.memory_space<vmem>>[vector<16xi32>, vector<16xi32>], vector<16xf32>,
        %mul3A_676 = arith.constant 2 : i32
        %mul3A_677 = arith.muli %sub3A_607, %mul3A_676 : i32
        %add3A_678 = arith.constant 0 : i32
        %add3A_679 = arith.addi %mul3A_677, %add3A_678 : i32
        %get3A_680 = arith.index_cast %add3A_679 : i32 to index
        %get3A_681 = arith.constant 84 : index
        %get3A_682 = tpu.vector_load %arg4[%get3A_680, %get3A_681] {strides = array<i32>} : memref<128x100xi32, #tpu.memory_space<vmem>>, vector<16xi32>,
        %add3A_683 = arith.addi %get3A_682, %mul3A_6 : vector<16xi32>
        %add3A_684 = arith.constant 10752 : i32
        %add3A_685 = vector.broadcast %add3A_684 : i32 to vector<16xi32>
        %add3A_686 = arith.addi %add3A_683, %add3A_685 : vector<16xi32>
        tpu.vector_store_idx %arg7[%broadcast_in_dim3A_609, %add3A_686], %broadcast_in_dim3A_1 : memref<2x12800xf32, #tpu.memory_space<vmem>>[vector<16xi32>, vector<16xi32>], vector<16xf32>,
        %broadcast_in_dim3A_687 = arith.constant 1 : i32
        %broadcast_in_dim3A_688 = vector.broadcast %broadcast_in_dim3A_687 : i32 to vector<16xi32>
        %mul3A_689 = arith.constant 2 : i32
        %mul3A_690 = arith.muli %sub3A_607, %mul3A_689 : i32
        %add3A_691 = arith.constant 1 : i32
        %add3A_692 = arith.addi %mul3A_690, %add3A_691 : i32
        %get3A_693 = arith.index_cast %add3A_692 : i32 to index
        %get3A_694 = arith.constant 0 : index
        %get3A_695 = tpu.vector_load %arg4[%get3A_693, %get3A_694] {strides = array<i32>} : memref<128x100xi32, #tpu.memory_space<vmem>>, vector<16xi32>,
        %add3A_696 = arith.addi %get3A_695, %mul3A_6 : vector<16xi32>
        %add3A_697 = arith.constant 0 : i32
        %add3A_698 = vector.broadcast %add3A_697 : i32 to vector<16xi32>
        %add3A_699 = arith.addi %add3A_696, %add3A_698 : vector<16xi32>
        tpu.vector_store_idx %arg7[%broadcast_in_dim3A_688, %add3A_699], %broadcast_in_dim3A_1 : memref<2x12800xf32, #tpu.memory_space<vmem>>[vector<16xi32>, vector<16xi32>], vector<16xf32>,
        %mul3A_700 = arith.constant 2 : i32
        %mul3A_701 = arith.muli %sub3A_607, %mul3A_700 : i32
        %add3A_702 = arith.constant 1 : i32
        %add3A_703 = arith.addi %mul3A_701, %add3A_702 : i32
        %get3A_704 = arith.index_cast %add3A_703 : i32 to index
        %get3A_705 = arith.constant 16 : index
        %get3A_706 = tpu.vector_load %arg4[%get3A_704, %get3A_705] {strides = array<i32>} : memref<128x100xi32, #tpu.memory_space<vmem>>, vector<16xi32>,
        %add3A_707 = arith.addi %get3A_706, %mul3A_6 : vector<16xi32>
        %add3A_708 = arith.constant 2048 : i32
        %add3A_709 = vector.broadcast %add3A_708 : i32 to vector<16xi32>
        %add3A_710 = arith.addi %add3A_707, %add3A_709 : vector<16xi32>
        tpu.vector_store_idx %arg7[%broadcast_in_dim3A_688, %add3A_710], %broadcast_in_dim3A_1 : memref<2x12800xf32, #tpu.memory_space<vmem>>[vector<16xi32>, vector<16xi32>], vector<16xf32>,
        %mul3A_711 = arith.constant 2 : i32
        %mul3A_712 = arith.muli %sub3A_607, %mul3A_711 : i32
        %add3A_713 = arith.constant 1 : i32
        %add3A_714 = arith.addi %mul3A_712, %add3A_713 : i32
        %get3A_715 = arith.index_cast %add3A_714 : i32 to index
        %get3A_716 = arith.constant 32 : index
        %get3A_717 = tpu.vector_load %arg4[%get3A_715, %get3A_716] {strides = array<i32>} : memref<128x100xi32, #tpu.memory_space<vmem>>, vector<16xi32>,
        %add3A_718 = arith.addi %get3A_717, %mul3A_6 : vector<16xi32>
        %add3A_719 = arith.constant 4096 : i32
        %add3A_720 = vector.broadcast %add3A_719 : i32 to vector<16xi32>
        %add3A_721 = arith.addi %add3A_718, %add3A_720 : vector<16xi32>
        tpu.vector_store_idx %arg7[%broadcast_in_dim3A_688, %add3A_721], %broadcast_in_dim3A_1 : memref<2x12800xf32, #tpu.memory_space<vmem>>[vector<16xi32>, vector<16xi32>], vector<16xf32>,
        %mul3A_722 = arith.constant 2 : i32
        %mul3A_723 = arith.muli %sub3A_607, %mul3A_722 : i32
        %add3A_724 = arith.constant 1 : i32
        %add3A_725 = arith.addi %mul3A_723, %add3A_724 : i32
        %get3A_726 = arith.index_cast %add3A_725 : i32 to index
        %get3A_727 = arith.constant 48 : index
        %get3A_728 = tpu.vector_load %arg4[%get3A_726, %get3A_727] {strides = array<i32>} : memref<128x100xi32, #tpu.memory_space<vmem>>, vector<16xi32>,
        %add3A_729 = arith.addi %get3A_728, %mul3A_6 : vector<16xi32>
        %add3A_730 = arith.constant 6144 : i32
        %add3A_731 = vector.broadcast %add3A_730 : i32 to vector<16xi32>
        %add3A_732 = arith.addi %add3A_729, %add3A_731 : vector<16xi32>
        tpu.vector_store_idx %arg7[%broadcast_in_dim3A_688, %add3A_732], %broadcast_in_dim3A_1 : memref<2x12800xf32, #tpu.memory_space<vmem>>[vector<16xi32>, vector<16xi32>], vector<16xf32>,
        %mul3A_733 = arith.constant 2 : i32
        %mul3A_734 = arith.muli %sub3A_607, %mul3A_733 : i32
        %add3A_735 = arith.constant 1 : i32
        %add3A_736 = arith.addi %mul3A_734, %add3A_735 : i32
        %get3A_737 = arith.index_cast %add3A_736 : i32 to index
        %get3A_738 = arith.constant 64 : index
        %get3A_739 = tpu.vector_load %arg4[%get3A_737, %get3A_738] {strides = array<i32>} : memref<128x100xi32, #tpu.memory_space<vmem>>, vector<16xi32>,
        %add3A_740 = arith.addi %get3A_739, %mul3A_6 : vector<16xi32>
        %add3A_741 = arith.constant 8192 : i32
        %add3A_742 = vector.broadcast %add3A_741 : i32 to vector<16xi32>
        %add3A_743 = arith.addi %add3A_740, %add3A_742 : vector<16xi32>
        tpu.vector_store_idx %arg7[%broadcast_in_dim3A_688, %add3A_743], %broadcast_in_dim3A_1 : memref<2x12800xf32, #tpu.memory_space<vmem>>[vector<16xi32>, vector<16xi32>], vector<16xf32>,
        %mul3A_744 = arith.constant 2 : i32
        %mul3A_745 = arith.muli %sub3A_607, %mul3A_744 : i32
        %add3A_746 = arith.constant 1 : i32
        %add3A_747 = arith.addi %mul3A_745, %add3A_746 : i32
        %get3A_748 = arith.index_cast %add3A_747 : i32 to index
        %get3A_749 = arith.constant 80 : index
        %get3A_750 = tpu.vector_load %arg4[%get3A_748, %get3A_749] {strides = array<i32>} : memref<128x100xi32, #tpu.memory_space<vmem>>, vector<16xi32>,
        %add3A_751 = arith.addi %get3A_750, %mul3A_6 : vector<16xi32>
        %add3A_752 = arith.constant 10240 : i32
        %add3A_753 = vector.broadcast %add3A_752 : i32 to vector<16xi32>
        %add3A_754 = arith.addi %add3A_751, %add3A_753 : vector<16xi32>
        tpu.vector_store_idx %arg7[%broadcast_in_dim3A_688, %add3A_754], %broadcast_in_dim3A_1 : memref<2x12800xf32, #tpu.memory_space<vmem>>[vector<16xi32>, vector<16xi32>], vector<16xf32>,
        %mul3A_755 = arith.constant 2 : i32
        %mul3A_756 = arith.muli %sub3A_607, %mul3A_755 : i32
        %add3A_757 = arith.constant 1 : i32
        %add3A_758 = arith.addi %mul3A_756, %add3A_757 : i32
        %get3A_759 = arith.index_cast %add3A_758 : i32 to index
        %get3A_760 = arith.constant 84 : index
        %get3A_761 = tpu.vector_load %arg4[%get3A_759, %get3A_760] {strides = array<i32>} : memref<128x100xi32, #tpu.memory_space<vmem>>, vector<16xi32>,
        %add3A_762 = arith.addi %get3A_761, %mul3A_6 : vector<16xi32>
        %add3A_763 = arith.constant 10752 : i32
        %add3A_764 = vector.broadcast %add3A_763 : i32 to vector<16xi32>
        %add3A_765 = arith.addi %add3A_762, %add3A_764 : vector<16xi32>
        tpu.vector_store_idx %arg7[%broadcast_in_dim3A_688, %add3A_765], %broadcast_in_dim3A_1 : memref<2x12800xf32, #tpu.memory_space<vmem>>[vector<16xi32>, vector<16xi32>], vector<16xf32>,
        %broadcast_in_dim3A_766 = arith.constant 0 : i32
        %broadcast_in_dim3A_767 = vector.broadcast %broadcast_in_dim3A_766 : i32 to vector<16xi32>
        %mul3A_768 = arith.constant 2 : i32
        %mul3A_769 = arith.muli %scan3A_571, %mul3A_768 : i32
        %add3A_770 = arith.constant 0 : i32
        %add3A_771 = arith.addi %mul3A_769, %add3A_770 : i32
        %get3A_772 = arith.index_cast %add3A_771 : i32 to index
        %get3A_773 = arith.constant 0 : index
        %get3A_774 = tpu.vector_load %arg4[%get3A_772, %get3A_773] {strides = array<i32>} : memref<128x100xi32, #tpu.memory_space<vmem>>, vector<16xi32>,
        %add3A_775 = arith.addi %get3A_774, %mul3A_6 : vector<16xi32>
        %add3A_776 = arith.constant 0 : i32
        %add3A_777 = vector.broadcast %add3A_776 : i32 to vector<16xi32>
        %add3A_778 = arith.addi %add3A_775, %add3A_777 : vector<16xi32>
        tpu.vector_store_idx %arg7[%broadcast_in_dim3A_767, %add3A_778], %broadcast_in_dim3A_3 : memref<2x12800xf32, #tpu.memory_space<vmem>>[vector<16xi32>, vector<16xi32>], vector<16xf32>,
        %mul3A_779 = arith.constant 2 : i32
        %mul3A_780 = arith.muli %scan3A_571, %mul3A_779 : i32
        %add3A_781 = arith.constant 0 : i32
        %add3A_782 = arith.addi %mul3A_780, %add3A_781 : i32
        %get3A_783 = arith.index_cast %add3A_782 : i32 to index
        %get3A_784 = arith.constant 16 : index
        %get3A_785 = tpu.vector_load %arg4[%get3A_783, %get3A_784] {strides = array<i32>} : memref<128x100xi32, #tpu.memory_space<vmem>>, vector<16xi32>,
        %add3A_786 = arith.addi %get3A_785, %mul3A_6 : vector<16xi32>
        %add3A_787 = arith.constant 2048 : i32
        %add3A_788 = vector.broadcast %add3A_787 : i32 to vector<16xi32>
        %add3A_789 = arith.addi %add3A_786, %add3A_788 : vector<16xi32>
        tpu.vector_store_idx %arg7[%broadcast_in_dim3A_767, %add3A_789], %broadcast_in_dim3A_3 : memref<2x12800xf32, #tpu.memory_space<vmem>>[vector<16xi32>, vector<16xi32>], vector<16xf32>,
        %mul3A_790 = arith.constant 2 : i32
        %mul3A_791 = arith.muli %scan3A_571, %mul3A_790 : i32
        %add3A_792 = arith.constant 0 : i32
        %add3A_793 = arith.addi %mul3A_791, %add3A_792 : i32
        %get3A_794 = arith.index_cast %add3A_793 : i32 to index
        %get3A_795 = arith.constant 32 : index
        %get3A_796 = tpu.vector_load %arg4[%get3A_794, %get3A_795] {strides = array<i32>} : memref<128x100xi32, #tpu.memory_space<vmem>>, vector<16xi32>,
        %add3A_797 = arith.addi %get3A_796, %mul3A_6 : vector<16xi32>
        %add3A_798 = arith.constant 4096 : i32
        %add3A_799 = vector.broadcast %add3A_798 : i32 to vector<16xi32>
        %add3A_800 = arith.addi %add3A_797, %add3A_799 : vector<16xi32>
        tpu.vector_store_idx %arg7[%broadcast_in_dim3A_767, %add3A_800], %broadcast_in_dim3A_3 : memref<2x12800xf32, #tpu.memory_space<vmem>>[vector<16xi32>, vector<16xi32>], vector<16xf32>,
        %mul3A_801 = arith.constant 2 : i32
        %mul3A_802 = arith.muli %scan3A_571, %mul3A_801 : i32
        %add3A_803 = arith.constant 0 : i32
        %add3A_804 = arith.addi %mul3A_802, %add3A_803 : i32
        %get3A_805 = arith.index_cast %add3A_804 : i32 to index
        %get3A_806 = arith.constant 48 : index
        %get3A_807 = tpu.vector_load %arg4[%get3A_805, %get3A_806] {strides = array<i32>} : memref<128x100xi32, #tpu.memory_space<vmem>>, vector<16xi32>,
        %add3A_808 = arith.addi %get3A_807, %mul3A_6 : vector<16xi32>
        %add3A_809 = arith.constant 6144 : i32
        %add3A_810 = vector.broadcast %add3A_809 : i32 to vector<16xi32>
        %add3A_811 = arith.addi %add3A_808, %add3A_810 : vector<16xi32>
        tpu.vector_store_idx %arg7[%broadcast_in_dim3A_767, %add3A_811], %broadcast_in_dim3A_3 : memref<2x12800xf32, #tpu.memory_space<vmem>>[vector<16xi32>, vector<16xi32>], vector<16xf32>,
        %mul3A_812 = arith.constant 2 : i32
        %mul3A_813 = arith.muli %scan3A_571, %mul3A_812 : i32
        %add3A_814 = arith.constant 0 : i32
        %add3A_815 = arith.addi %mul3A_813, %add3A_814 : i32
        %get3A_816 = arith.index_cast %add3A_815 : i32 to index
        %get3A_817 = arith.constant 64 : index
        %get3A_818 = tpu.vector_load %arg4[%get3A_816, %get3A_817] {strides = array<i32>} : memref<128x100xi32, #tpu.memory_space<vmem>>, vector<16xi32>,
        %add3A_819 = arith.addi %get3A_818, %mul3A_6 : vector<16xi32>
        %add3A_820 = arith.constant 8192 : i32
        %add3A_821 = vector.broadcast %add3A_820 : i32 to vector<16xi32>
        %add3A_822 = arith.addi %add3A_819, %add3A_821 : vector<16xi32>
        tpu.vector_store_idx %arg7[%broadcast_in_dim3A_767, %add3A_822], %broadcast_in_dim3A_3 : memref<2x12800xf32, #tpu.memory_space<vmem>>[vector<16xi32>, vector<16xi32>], vector<16xf32>,
        %mul3A_823 = arith.constant 2 : i32
        %mul3A_824 = arith.muli %scan3A_571, %mul3A_823 : i32
        %add3A_825 = arith.constant 0 : i32
        %add3A_826 = arith.addi %mul3A_824, %add3A_825 : i32
        %get3A_827 = arith.index_cast %add3A_826 : i32 to index
        %get3A_828 = arith.constant 80 : index
        %get3A_829 = tpu.vector_load %arg4[%get3A_827, %get3A_828] {strides = array<i32>} : memref<128x100xi32, #tpu.memory_space<vmem>>, vector<16xi32>,
        %add3A_830 = arith.addi %get3A_829, %mul3A_6 : vector<16xi32>
        %add3A_831 = arith.constant 10240 : i32
        %add3A_832 = vector.broadcast %add3A_831 : i32 to vector<16xi32>
        %add3A_833 = arith.addi %add3A_830, %add3A_832 : vector<16xi32>
        tpu.vector_store_idx %arg7[%broadcast_in_dim3A_767, %add3A_833], %broadcast_in_dim3A_3 : memref<2x12800xf32, #tpu.memory_space<vmem>>[vector<16xi32>, vector<16xi32>], vector<16xf32>,
        %mul3A_834 = arith.constant 2 : i32
        %mul3A_835 = arith.muli %scan3A_571, %mul3A_834 : i32
        %add3A_836 = arith.constant 0 : i32
        %add3A_837 = arith.addi %mul3A_835, %add3A_836 : i32
        %get3A_838 = arith.index_cast %add3A_837 : i32 to index
        %get3A_839 = arith.constant 84 : index
        %get3A_840 = tpu.vector_load %arg4[%get3A_838, %get3A_839] {strides = array<i32>} : memref<128x100xi32, #tpu.memory_space<vmem>>, vector<16xi32>,
        %add3A_841 = arith.addi %get3A_840, %mul3A_6 : vector<16xi32>
        %add3A_842 = arith.constant 10752 : i32
        %add3A_843 = vector.broadcast %add3A_842 : i32 to vector<16xi32>
        %add3A_844 = arith.addi %add3A_841, %add3A_843 : vector<16xi32>
        tpu.vector_store_idx %arg7[%broadcast_in_dim3A_767, %add3A_844], %broadcast_in_dim3A_3 : memref<2x12800xf32, #tpu.memory_space<vmem>>[vector<16xi32>, vector<16xi32>], vector<16xf32>,
        %broadcast_in_dim3A_845 = arith.constant 1 : i32
        %broadcast_in_dim3A_846 = vector.broadcast %broadcast_in_dim3A_845 : i32 to vector<16xi32>
        %mul3A_847 = arith.constant 2 : i32
        %mul3A_848 = arith.muli %scan3A_571, %mul3A_847 : i32
        %add3A_849 = arith.constant 1 : i32
        %add3A_850 = arith.addi %mul3A_848, %add3A_849 : i32
        %get3A_851 = arith.index_cast %add3A_850 : i32 to index
        %get3A_852 = arith.constant 0 : index
        %get3A_853 = tpu.vector_load %arg4[%get3A_851, %get3A_852] {strides = array<i32>} : memref<128x100xi32, #tpu.memory_space<vmem>>, vector<16xi32>,
        %add3A_854 = arith.addi %get3A_853, %mul3A_6 : vector<16xi32>
        %add3A_855 = arith.constant 0 : i32
        %add3A_856 = vector.broadcast %add3A_855 : i32 to vector<16xi32>
        %add3A_857 = arith.addi %add3A_854, %add3A_856 : vector<16xi32>
        tpu.vector_store_idx %arg7[%broadcast_in_dim3A_846, %add3A_857], %broadcast_in_dim3A_3 : memref<2x12800xf32, #tpu.memory_space<vmem>>[vector<16xi32>, vector<16xi32>], vector<16xf32>,
        %mul3A_858 = arith.constant 2 : i32
        %mul3A_859 = arith.muli %scan3A_571, %mul3A_858 : i32
        %add3A_860 = arith.constant 1 : i32
        %add3A_861 = arith.addi %mul3A_859, %add3A_860 : i32
        %get3A_862 = arith.index_cast %add3A_861 : i32 to index
        %get3A_863 = arith.constant 16 : index
        %get3A_864 = tpu.vector_load %arg4[%get3A_862, %get3A_863] {strides = array<i32>} : memref<128x100xi32, #tpu.memory_space<vmem>>, vector<16xi32>,
        %add3A_865 = arith.addi %get3A_864, %mul3A_6 : vector<16xi32>
        %add3A_866 = arith.constant 2048 : i32
        %add3A_867 = vector.broadcast %add3A_866 : i32 to vector<16xi32>
        %add3A_868 = arith.addi %add3A_865, %add3A_867 : vector<16xi32>
        tpu.vector_store_idx %arg7[%broadcast_in_dim3A_846, %add3A_868], %broadcast_in_dim3A_3 : memref<2x12800xf32, #tpu.memory_space<vmem>>[vector<16xi32>, vector<16xi32>], vector<16xf32>,
        %mul3A_869 = arith.constant 2 : i32
        %mul3A_870 = arith.muli %scan3A_571, %mul3A_869 : i32
        %add3A_871 = arith.constant 1 : i32
        %add3A_872 = arith.addi %mul3A_870, %add3A_871 : i32
        %get3A_873 = arith.index_cast %add3A_872 : i32 to index
        %get3A_874 = arith.constant 32 : index
        %get3A_875 = tpu.vector_load %arg4[%get3A_873, %get3A_874] {strides = array<i32>} : memref<128x100xi32, #tpu.memory_space<vmem>>, vector<16xi32>,
        %add3A_876 = arith.addi %get3A_875, %mul3A_6 : vector<16xi32>
        %add3A_877 = arith.constant 4096 : i32
        %add3A_878 = vector.broadcast %add3A_877 : i32 to vector<16xi32>
        %add3A_879 = arith.addi %add3A_876, %add3A_878 : vector<16xi32>
        tpu.vector_store_idx %arg7[%broadcast_in_dim3A_846, %add3A_879], %broadcast_in_dim3A_3 : memref<2x12800xf32, #tpu.memory_space<vmem>>[vector<16xi32>, vector<16xi32>], vector<16xf32>,
        %mul3A_880 = arith.constant 2 : i32
        %mul3A_881 = arith.muli %scan3A_571, %mul3A_880 : i32
        %add3A_882 = arith.constant 1 : i32
        %add3A_883 = arith.addi %mul3A_881, %add3A_882 : i32
        %get3A_884 = arith.index_cast %add3A_883 : i32 to index
        %get3A_885 = arith.constant 48 : index
        %get3A_886 = tpu.vector_load %arg4[%get3A_884, %get3A_885] {strides = array<i32>} : memref<128x100xi32, #tpu.memory_space<vmem>>, vector<16xi32>,
        %add3A_887 = arith.addi %get3A_886, %mul3A_6 : vector<16xi32>
        %add3A_888 = arith.constant 6144 : i32
        %add3A_889 = vector.broadcast %add3A_888 : i32 to vector<16xi32>
        %add3A_890 = arith.addi %add3A_887, %add3A_889 : vector<16xi32>
        tpu.vector_store_idx %arg7[%broadcast_in_dim3A_846, %add3A_890], %broadcast_in_dim3A_3 : memref<2x12800xf32, #tpu.memory_space<vmem>>[vector<16xi32>, vector<16xi32>], vector<16xf32>,
        %mul3A_891 = arith.constant 2 : i32
        %mul3A_892 = arith.muli %scan3A_571, %mul3A_891 : i32
        %add3A_893 = arith.constant 1 : i32
        %add3A_894 = arith.addi %mul3A_892, %add3A_893 : i32
        %get3A_895 = arith.index_cast %add3A_894 : i32 to index
        %get3A_896 = arith.constant 64 : index
        %get3A_897 = tpu.vector_load %arg4[%get3A_895, %get3A_896] {strides = array<i32>} : memref<128x100xi32, #tpu.memory_space<vmem>>, vector<16xi32>,
        %add3A_898 = arith.addi %get3A_897, %mul3A_6 : vector<16xi32>
        %add3A_899 = arith.constant 8192 : i32
        %add3A_900 = vector.broadcast %add3A_899 : i32 to vector<16xi32>
        %add3A_901 = arith.addi %add3A_898, %add3A_900 : vector<16xi32>
        tpu.vector_store_idx %arg7[%broadcast_in_dim3A_846, %add3A_901], %broadcast_in_dim3A_3 : memref<2x12800xf32, #tpu.memory_space<vmem>>[vector<16xi32>, vector<16xi32>], vector<16xf32>,
        %mul3A_902 = arith.constant 2 : i32
        %mul3A_903 = arith.muli %scan3A_571, %mul3A_902 : i32
        %add3A_904 = arith.constant 1 : i32
        %add3A_905 = arith.addi %mul3A_903, %add3A_904 : i32
        %get3A_906 = arith.index_cast %add3A_905 : i32 to index
        %get3A_907 = arith.constant 80 : index
        %get3A_908 = tpu.vector_load %arg4[%get3A_906, %get3A_907] {strides = array<i32>} : memref<128x100xi32, #tpu.memory_space<vmem>>, vector<16xi32>,
        %add3A_909 = arith.addi %get3A_908, %mul3A_6 : vector<16xi32>
        %add3A_910 = arith.constant 10240 : i32
        %add3A_911 = vector.broadcast %add3A_910 : i32 to vector<16xi32>
        %add3A_912 = arith.addi %add3A_909, %add3A_911 : vector<16xi32>
        tpu.vector_store_idx %arg7[%broadcast_in_dim3A_846, %add3A_912], %broadcast_in_dim3A_3 : memref<2x12800xf32, #tpu.memory_space<vmem>>[vector<16xi32>, vector<16xi32>], vector<16xf32>,
        %mul3A_913 = arith.constant 2 : i32
        %mul3A_914 = arith.muli %scan3A_571, %mul3A_913 : i32
        %add3A_915 = arith.constant 1 : i32
        %add3A_916 = arith.addi %mul3A_914, %add3A_915 : i32
        %get3A_917 = arith.index_cast %add3A_916 : i32 to index
        %get3A_918 = arith.constant 84 : index
        %get3A_919 = tpu.vector_load %arg4[%get3A_917, %get3A_918] {strides = array<i32>} : memref<128x100xi32, #tpu.memory_space<vmem>>, vector<16xi32>,
        %add3A_920 = arith.addi %get3A_919, %mul3A_6 : vector<16xi32>
        %add3A_921 = arith.constant 10752 : i32
        %add3A_922 = vector.broadcast %add3A_921 : i32 to vector<16xi32>
        %add3A_923 = arith.addi %add3A_920, %add3A_922 : vector<16xi32>
        tpu.vector_store_idx %arg7[%broadcast_in_dim3A_846, %add3A_923], %broadcast_in_dim3A_3 : memref<2x12800xf32, #tpu.memory_space<vmem>>[vector<16xi32>, vector<16xi32>], vector<16xf32>,
        %mul3A_924 = arith.constant 128 : i32
        %mul3A_925 = arith.muli %add3A, %mul3A_924 : i32
        %mul3A_926 = arith.constant 2 : i32
        %mul3A_927 = arith.muli %scan3A_571, %mul3A_926 : i32
        %add3A_928 = arith.addi %mul3A_925, %mul3A_927 : i32
        %dma_start3A_929 = arith.constant 0 : i32
        %dma_start3A_930 = tpu.memref_slice %arg3[%add3A_928, %dma_start3A_929] : memref<4096x12800xf32, #tpu.memory_space<hbm>> -> memref<2x12800xf32, #tpu.memory_space<hbm>>
        %dma_start3A_931 = arith.constant 0 : i32
        %dma_start3A_932 = tpu.memref_slice %arg3[%add3A_928, %dma_start3A_931] : memref<4096x12800xf32, #tpu.memory_space<hbm>> -> memref<2x12800xf32, #tpu.memory_space<hbm>>
        tpu.enqueue_dma source(%arg7 : memref<2x12800xf32, #tpu.memory_space<vmem>>) target(%dma_start3A_932 : memref<2x12800xf32, #tpu.memory_space<hbm>>) target_semaphore(%arg11 : memref<!tpu.dma_semaphore, #tpu.memory_space<semaphore_mem>>)
      } else {
      }
      %rem3A_589 = arith.constant 4 : i32
      %rem3A_590 = arith.remsi %scan3A_571, %rem3A_589 : i32
      %eq3A_591 = arith.constant 3 : i32
      %eq3A_592 = arith.cmpi eq, %rem3A_590, %eq3A_591 : i32
      %convert_element_type3A_593 = arith.extui %eq3A_592 : i1 to i32
      %cond3A_594 = arith.constant 0 : i32
      %cond3A_595 = arith.cmpi ne, %convert_element_type3A_593, %cond3A_594 : i32
      scf.if %cond3A_595 {
        %sub3A = arith.constant 4 : i32
        %sub3A_596 = arith.subi %scan3A_571, %sub3A : i32
        %mul3A_597 = arith.constant 128 : i32
        %mul3A_598 = arith.muli %add3A, %mul3A_597 : i32
        %mul3A_599 = arith.constant 2 : i32
        %mul3A_600 = arith.muli %sub3A_596, %mul3A_599 : i32
        %add3A_601 = arith.addi %mul3A_598, %mul3A_600 : i32
        %dma_wait3A_602 = arith.constant 0 : i32
        %dma_wait3A_603 = tpu.memref_slice %arg3[%add3A_601, %dma_wait3A_602] : memref<4096x12800xf32, #tpu.memory_space<hbm>> -> memref<2x12800xf32, #tpu.memory_space<hbm>>
        %dma_wait3A_604 = arith.constant 0 : i32
        %dma_wait3A_605 = tpu.memref_slice %arg3[%add3A_601, %dma_wait3A_604] : memref<4096x12800xf32, #tpu.memory_space<hbm>> -> memref<2x12800xf32, #tpu.memory_space<hbm>>
        tpu.wait_dma2 semaphore(%arg12 : memref<!tpu.dma_semaphore, #tpu.memory_space<semaphore_mem>>) src(%arg8 : memref<2x12800xf32, #tpu.memory_space<vmem>>) dst(%dma_wait3A_605 : memref<2x12800xf32, #tpu.memory_space<hbm>>)
        %sub3A_606 = arith.constant 4 : i32
        %sub3A_607 = arith.subi %scan3A_571, %sub3A_606 : i32
        %broadcast_in_dim3A_608 = arith.constant 0 : i32
        %broadcast_in_dim3A_609 = vector.broadcast %broadcast_in_dim3A_608 : i32 to vector<16xi32>
        %mul3A_610 = arith.constant 2 : i32
        %mul3A_611 = arith.muli %sub3A_607, %mul3A_610 : i32
        %add3A_612 = arith.constant 0 : i32
        %add3A_613 = arith.addi %mul3A_611, %add3A_612 : i32
        %get3A_614 = arith.index_cast %add3A_613 : i32 to index
        %get3A_615 = arith.constant 0 : index
        %get3A_616 = tpu.vector_load %arg4[%get3A_614, %get3A_615] {strides = array<i32>} : memref<128x100xi32, #tpu.memory_space<vmem>>, vector<16xi32>,
        %add3A_617 = arith.addi %get3A_616, %mul3A_6 : vector<16xi32>
        %add3A_618 = arith.constant 0 : i32
        %add3A_619 = vector.broadcast %add3A_618 : i32 to vector<16xi32>
        %add3A_620 = arith.addi %add3A_617, %add3A_619 : vector<16xi32>
        tpu.vector_store_idx %arg8[%broadcast_in_dim3A_609, %add3A_620], %broadcast_in_dim3A_1 : memref<2x12800xf32, #tpu.memory_space<vmem>>[vector<16xi32>, vector<16xi32>], vector<16xf32>,
        %mul3A_621 = arith.constant 2 : i32
        %mul3A_622 = arith.muli %sub3A_607, %mul3A_621 : i32
        %add3A_623 = arith.constant 0 : i32
        %add3A_624 = arith.addi %mul3A_622, %add3A_623 : i32
        %get3A_625 = arith.index_cast %add3A_624 : i32 to index
        %get3A_626 = arith.constant 16 : index
        %get3A_627 = tpu.vector_load %arg4[%get3A_625, %get3A_626] {strides = array<i32>} : memref<128x100xi32, #tpu.memory_space<vmem>>, vector<16xi32>,
        %add3A_628 = arith.addi %get3A_627, %mul3A_6 : vector<16xi32>
        %add3A_629 = arith.constant 2048 : i32
        %add3A_630 = vector.broadcast %add3A_629 : i32 to vector<16xi32>
        %add3A_631 = arith.addi %add3A_628, %add3A_630 : vector<16xi32>
        tpu.vector_store_idx %arg8[%broadcast_in_dim3A_609, %add3A_631], %broadcast_in_dim3A_1 : memref<2x12800xf32, #tpu.memory_space<vmem>>[vector<16xi32>, vector<16xi32>], vector<16xf32>,
        %mul3A_632 = arith.constant 2 : i32
        %mul3A_633 = arith.muli %sub3A_607, %mul3A_632 : i32
        %add3A_634 = arith.constant 0 : i32
        %add3A_635 = arith.addi %mul3A_633, %add3A_634 : i32
        %get3A_636 = arith.index_cast %add3A_635 : i32 to index
        %get3A_637 = arith.constant 32 : index
        %get3A_638 = tpu.vector_load %arg4[%get3A_636, %get3A_637] {strides = array<i32>} : memref<128x100xi32, #tpu.memory_space<vmem>>, vector<16xi32>,
        %add3A_639 = arith.addi %get3A_638, %mul3A_6 : vector<16xi32>
        %add3A_640 = arith.constant 4096 : i32
        %add3A_641 = vector.broadcast %add3A_640 : i32 to vector<16xi32>
        %add3A_642 = arith.addi %add3A_639, %add3A_641 : vector<16xi32>
        tpu.vector_store_idx %arg8[%broadcast_in_dim3A_609, %add3A_642], %broadcast_in_dim3A_1 : memref<2x12800xf32, #tpu.memory_space<vmem>>[vector<16xi32>, vector<16xi32>], vector<16xf32>,
        %mul3A_643 = arith.constant 2 : i32
        %mul3A_644 = arith.muli %sub3A_607, %mul3A_643 : i32
        %add3A_645 = arith.constant 0 : i32
        %add3A_646 = arith.addi %mul3A_644, %add3A_645 : i32
        %get3A_647 = arith.index_cast %add3A_646 : i32 to index
        %get3A_648 = arith.constant 48 : index
        %get3A_649 = tpu.vector_load %arg4[%get3A_647, %get3A_648] {strides = array<i32>} : memref<128x100xi32, #tpu.memory_space<vmem>>, vector<16xi32>,
        %add3A_650 = arith.addi %get3A_649, %mul3A_6 : vector<16xi32>
        %add3A_651 = arith.constant 6144 : i32
        %add3A_652 = vector.broadcast %add3A_651 : i32 to vector<16xi32>
        %add3A_653 = arith.addi %add3A_650, %add3A_652 : vector<16xi32>
        tpu.vector_store_idx %arg8[%broadcast_in_dim3A_609, %add3A_653], %broadcast_in_dim3A_1 : memref<2x12800xf32, #tpu.memory_space<vmem>>[vector<16xi32>, vector<16xi32>], vector<16xf32>,
        %mul3A_654 = arith.constant 2 : i32
        %mul3A_655 = arith.muli %sub3A_607, %mul3A_654 : i32
        %add3A_656 = arith.constant 0 : i32
        %add3A_657 = arith.addi %mul3A_655, %add3A_656 : i32
        %get3A_658 = arith.index_cast %add3A_657 : i32 to index
        %get3A_659 = arith.constant 64 : index
        %get3A_660 = tpu.vector_load %arg4[%get3A_658, %get3A_659] {strides = array<i32>} : memref<128x100xi32, #tpu.memory_space<vmem>>, vector<16xi32>,
        %add3A_661 = arith.addi %get3A_660, %mul3A_6 : vector<16xi32>
        %add3A_662 = arith.constant 8192 : i32
        %add3A_663 = vector.broadcast %add3A_662 : i32 to vector<16xi32>
        %add3A_664 = arith.addi %add3A_661, %add3A_663 : vector<16xi32>
        tpu.vector_store_idx %arg8[%broadcast_in_dim3A_609, %add3A_664], %broadcast_in_dim3A_1 : memref<2x12800xf32, #tpu.memory_space<vmem>>[vector<16xi32>, vector<16xi32>], vector<16xf32>,
        %mul3A_665 = arith.constant 2 : i32
        %mul3A_666 = arith.muli %sub3A_607, %mul3A_665 : i32
        %add3A_667 = arith.constant 0 : i32
        %add3A_668 = arith.addi %mul3A_666, %add3A_667 : i32
        %get3A_669 = arith.index_cast %add3A_668 : i32 to index
        %get3A_670 = arith.constant 80 : index
        %get3A_671 = tpu.vector_load %arg4[%get3A_669, %get3A_670] {strides = array<i32>} : memref<128x100xi32, #tpu.memory_space<vmem>>, vector<16xi32>,
        %add3A_672 = arith.addi %get3A_671, %mul3A_6 : vector<16xi32>
        %add3A_673 = arith.constant 10240 : i32
        %add3A_674 = vector.broadcast %add3A_673 : i32 to vector<16xi32>
        %add3A_675 = arith.addi %add3A_672, %add3A_674 : vector<16xi32>
        tpu.vector_store_idx %arg8[%broadcast_in_dim3A_609, %add3A_675], %broadcast_in_dim3A_1 : memref<2x12800xf32, #tpu.memory_space<vmem>>[vector<16xi32>, vector<16xi32>], vector<16xf32>,
        %mul3A_676 = arith.constant 2 : i32
        %mul3A_677 = arith.muli %sub3A_607, %mul3A_676 : i32
        %add3A_678 = arith.constant 0 : i32
        %add3A_679 = arith.addi %mul3A_677, %add3A_678 : i32
        %get3A_680 = arith.index_cast %add3A_679 : i32 to index
        %get3A_681 = arith.constant 84 : index
        %get3A_682 = tpu.vector_load %arg4[%get3A_680, %get3A_681] {strides = array<i32>} : memref<128x100xi32, #tpu.memory_space<vmem>>, vector<16xi32>,
        %add3A_683 = arith.addi %get3A_682, %mul3A_6 : vector<16xi32>
        %add3A_684 = arith.constant 10752 : i32
        %add3A_685 = vector.broadcast %add3A_684 : i32 to vector<16xi32>
        %add3A_686 = arith.addi %add3A_683, %add3A_685 : vector<16xi32>
        tpu.vector_store_idx %arg8[%broadcast_in_dim3A_609, %add3A_686], %broadcast_in_dim3A_1 : memref<2x12800xf32, #tpu.memory_space<vmem>>[vector<16xi32>, vector<16xi32>], vector<16xf32>,
        %broadcast_in_dim3A_687 = arith.constant 1 : i32
        %broadcast_in_dim3A_688 = vector.broadcast %broadcast_in_dim3A_687 : i32 to vector<16xi32>
        %mul3A_689 = arith.constant 2 : i32
        %mul3A_690 = arith.muli %sub3A_607, %mul3A_689 : i32
        %add3A_691 = arith.constant 1 : i32
        %add3A_692 = arith.addi %mul3A_690, %add3A_691 : i32
        %get3A_693 = arith.index_cast %add3A_692 : i32 to index
        %get3A_694 = arith.constant 0 : index
        %get3A_695 = tpu.vector_load %arg4[%get3A_693, %get3A_694] {strides = array<i32>} : memref<128x100xi32, #tpu.memory_space<vmem>>, vector<16xi32>,
        %add3A_696 = arith.addi %get3A_695, %mul3A_6 : vector<16xi32>
        %add3A_697 = arith.constant 0 : i32
        %add3A_698 = vector.broadcast %add3A_697 : i32 to vector<16xi32>
        %add3A_699 = arith.addi %add3A_696, %add3A_698 : vector<16xi32>
        tpu.vector_store_idx %arg8[%broadcast_in_dim3A_688, %add3A_699], %broadcast_in_dim3A_1 : memref<2x12800xf32, #tpu.memory_space<vmem>>[vector<16xi32>, vector<16xi32>], vector<16xf32>,
        %mul3A_700 = arith.constant 2 : i32
        %mul3A_701 = arith.muli %sub3A_607, %mul3A_700 : i32
        %add3A_702 = arith.constant 1 : i32
        %add3A_703 = arith.addi %mul3A_701, %add3A_702 : i32
        %get3A_704 = arith.index_cast %add3A_703 : i32 to index
        %get3A_705 = arith.constant 16 : index
        %get3A_706 = tpu.vector_load %arg4[%get3A_704, %get3A_705] {strides = array<i32>} : memref<128x100xi32, #tpu.memory_space<vmem>>, vector<16xi32>,
        %add3A_707 = arith.addi %get3A_706, %mul3A_6 : vector<16xi32>
        %add3A_708 = arith.constant 2048 : i32
        %add3A_709 = vector.broadcast %add3A_708 : i32 to vector<16xi32>
        %add3A_710 = arith.addi %add3A_707, %add3A_709 : vector<16xi32>
        tpu.vector_store_idx %arg8[%broadcast_in_dim3A_688, %add3A_710], %broadcast_in_dim3A_1 : memref<2x12800xf32, #tpu.memory_space<vmem>>[vector<16xi32>, vector<16xi32>], vector<16xf32>,
        %mul3A_711 = arith.constant 2 : i32
        %mul3A_712 = arith.muli %sub3A_607, %mul3A_711 : i32
        %add3A_713 = arith.constant 1 : i32
        %add3A_714 = arith.addi %mul3A_712, %add3A_713 : i32
        %get3A_715 = arith.index_cast %add3A_714 : i32 to index
        %get3A_716 = arith.constant 32 : index
        %get3A_717 = tpu.vector_load %arg4[%get3A_715, %get3A_716] {strides = array<i32>} : memref<128x100xi32, #tpu.memory_space<vmem>>, vector<16xi32>,
        %add3A_718 = arith.addi %get3A_717, %mul3A_6 : vector<16xi32>
        %add3A_719 = arith.constant 4096 : i32
        %add3A_720 = vector.broadcast %add3A_719 : i32 to vector<16xi32>
        %add3A_721 = arith.addi %add3A_718, %add3A_720 : vector<16xi32>
        tpu.vector_store_idx %arg8[%broadcast_in_dim3A_688, %add3A_721], %broadcast_in_dim3A_1 : memref<2x12800xf32, #tpu.memory_space<vmem>>[vector<16xi32>, vector<16xi32>], vector<16xf32>,
        %mul3A_722 = arith.constant 2 : i32
        %mul3A_723 = arith.muli %sub3A_607, %mul3A_722 : i32
        %add3A_724 = arith.constant 1 : i32
        %add3A_725 = arith.addi %mul3A_723, %add3A_724 : i32
        %get3A_726 = arith.index_cast %add3A_725 : i32 to index
        %get3A_727 = arith.constant 48 : index
        %get3A_728 = tpu.vector_load %arg4[%get3A_726, %get3A_727] {strides = array<i32>} : memref<128x100xi32, #tpu.memory_space<vmem>>, vector<16xi32>,
        %add3A_729 = arith.addi %get3A_728, %mul3A_6 : vector<16xi32>
        %add3A_730 = arith.constant 6144 : i32
        %add3A_731 = vector.broadcast %add3A_730 : i32 to vector<16xi32>
        %add3A_732 = arith.addi %add3A_729, %add3A_731 : vector<16xi32>
        tpu.vector_store_idx %arg8[%broadcast_in_dim3A_688, %add3A_732], %broadcast_in_dim3A_1 : memref<2x12800xf32, #tpu.memory_space<vmem>>[vector<16xi32>, vector<16xi32>], vector<16xf32>,
        %mul3A_733 = arith.constant 2 : i32
        %mul3A_734 = arith.muli %sub3A_607, %mul3A_733 : i32
        %add3A_735 = arith.constant 1 : i32
        %add3A_736 = arith.addi %mul3A_734, %add3A_735 : i32
        %get3A_737 = arith.index_cast %add3A_736 : i32 to index
        %get3A_738 = arith.constant 64 : index
        %get3A_739 = tpu.vector_load %arg4[%get3A_737, %get3A_738] {strides = array<i32>} : memref<128x100xi32, #tpu.memory_space<vmem>>, vector<16xi32>,
        %add3A_740 = arith.addi %get3A_739, %mul3A_6 : vector<16xi32>
        %add3A_741 = arith.constant 8192 : i32
        %add3A_742 = vector.broadcast %add3A_741 : i32 to vector<16xi32>
        %add3A_743 = arith.addi %add3A_740, %add3A_742 : vector<16xi32>
        tpu.vector_store_idx %arg8[%broadcast_in_dim3A_688, %add3A_743], %broadcast_in_dim3A_1 : memref<2x12800xf32, #tpu.memory_space<vmem>>[vector<16xi32>, vector<16xi32>], vector<16xf32>,
        %mul3A_744 = arith.constant 2 : i32
        %mul3A_745 = arith.muli %sub3A_607, %mul3A_744 : i32
        %add3A_746 = arith.constant 1 : i32
        %add3A_747 = arith.addi %mul3A_745, %add3A_746 : i32
        %get3A_748 = arith.index_cast %add3A_747 : i32 to index
        %get3A_749 = arith.constant 80 : index
        %get3A_750 = tpu.vector_load %arg4[%get3A_748, %get3A_749] {strides = array<i32>} : memref<128x100xi32, #tpu.memory_space<vmem>>, vector<16xi32>,
        %add3A_751 = arith.addi %get3A_750, %mul3A_6 : vector<16xi32>
        %add3A_752 = arith.constant 10240 : i32
        %add3A_753 = vector.broadcast %add3A_752 : i32 to vector<16xi32>
        %add3A_754 = arith.addi %add3A_751, %add3A_753 : vector<16xi32>
        tpu.vector_store_idx %arg8[%broadcast_in_dim3A_688, %add3A_754], %broadcast_in_dim3A_1 : memref<2x12800xf32, #tpu.memory_space<vmem>>[vector<16xi32>, vector<16xi32>], vector<16xf32>,
        %mul3A_755 = arith.constant 2 : i32
        %mul3A_756 = arith.muli %sub3A_607, %mul3A_755 : i32
        %add3A_757 = arith.constant 1 : i32
        %add3A_758 = arith.addi %mul3A_756, %add3A_757 : i32
        %get3A_759 = arith.index_cast %add3A_758 : i32 to index
        %get3A_760 = arith.constant 84 : index
        %get3A_761 = tpu.vector_load %arg4[%get3A_759, %get3A_760] {strides = array<i32>} : memref<128x100xi32, #tpu.memory_space<vmem>>, vector<16xi32>,
        %add3A_762 = arith.addi %get3A_761, %mul3A_6 : vector<16xi32>
        %add3A_763 = arith.constant 10752 : i32
        %add3A_764 = vector.broadcast %add3A_763 : i32 to vector<16xi32>
        %add3A_765 = arith.addi %add3A_762, %add3A_764 : vector<16xi32>
        tpu.vector_store_idx %arg8[%broadcast_in_dim3A_688, %add3A_765], %broadcast_in_dim3A_1 : memref<2x12800xf32, #tpu.memory_space<vmem>>[vector<16xi32>, vector<16xi32>], vector<16xf32>,
        %broadcast_in_dim3A_766 = arith.constant 0 : i32
        %broadcast_in_dim3A_767 = vector.broadcast %broadcast_in_dim3A_766 : i32 to vector<16xi32>
        %mul3A_768 = arith.constant 2 : i32
        %mul3A_769 = arith.muli %scan3A_571, %mul3A_768 : i32
        %add3A_770 = arith.constant 0 : i32
        %add3A_771 = arith.addi %mul3A_769, %add3A_770 : i32
        %get3A_772 = arith.index_cast %add3A_771 : i32 to index
        %get3A_773 = arith.constant 0 : index
        %get3A_774 = tpu.vector_load %arg4[%get3A_772, %get3A_773] {strides = array<i32>} : memref<128x100xi32, #tpu.memory_space<vmem>>, vector<16xi32>,
        %add3A_775 = arith.addi %get3A_774, %mul3A_6 : vector<16xi32>
        %add3A_776 = arith.constant 0 : i32
        %add3A_777 = vector.broadcast %add3A_776 : i32 to vector<16xi32>
        %add3A_778 = arith.addi %add3A_775, %add3A_777 : vector<16xi32>
        tpu.vector_store_idx %arg8[%broadcast_in_dim3A_767, %add3A_778], %broadcast_in_dim3A_3 : memref<2x12800xf32, #tpu.memory_space<vmem>>[vector<16xi32>, vector<16xi32>], vector<16xf32>,
        %mul3A_779 = arith.constant 2 : i32
        %mul3A_780 = arith.muli %scan3A_571, %mul3A_779 : i32
        %add3A_781 = arith.constant 0 : i32
        %add3A_782 = arith.addi %mul3A_780, %add3A_781 : i32
        %get3A_783 = arith.index_cast %add3A_782 : i32 to index
        %get3A_784 = arith.constant 16 : index
        %get3A_785 = tpu.vector_load %arg4[%get3A_783, %get3A_784] {strides = array<i32>} : memref<128x100xi32, #tpu.memory_space<vmem>>, vector<16xi32>,
        %add3A_786 = arith.addi %get3A_785, %mul3A_6 : vector<16xi32>
        %add3A_787 = arith.constant 2048 : i32
        %add3A_788 = vector.broadcast %add3A_787 : i32 to vector<16xi32>
        %add3A_789 = arith.addi %add3A_786, %add3A_788 : vector<16xi32>
        tpu.vector_store_idx %arg8[%broadcast_in_dim3A_767, %add3A_789], %broadcast_in_dim3A_3 : memref<2x12800xf32, #tpu.memory_space<vmem>>[vector<16xi32>, vector<16xi32>], vector<16xf32>,
        %mul3A_790 = arith.constant 2 : i32
        %mul3A_791 = arith.muli %scan3A_571, %mul3A_790 : i32
        %add3A_792 = arith.constant 0 : i32
        %add3A_793 = arith.addi %mul3A_791, %add3A_792 : i32
        %get3A_794 = arith.index_cast %add3A_793 : i32 to index
        %get3A_795 = arith.constant 32 : index
        %get3A_796 = tpu.vector_load %arg4[%get3A_794, %get3A_795] {strides = array<i32>} : memref<128x100xi32, #tpu.memory_space<vmem>>, vector<16xi32>,
        %add3A_797 = arith.addi %get3A_796, %mul3A_6 : vector<16xi32>
        %add3A_798 = arith.constant 4096 : i32
        %add3A_799 = vector.broadcast %add3A_798 : i32 to vector<16xi32>
        %add3A_800 = arith.addi %add3A_797, %add3A_799 : vector<16xi32>
        tpu.vector_store_idx %arg8[%broadcast_in_dim3A_767, %add3A_800], %broadcast_in_dim3A_3 : memref<2x12800xf32, #tpu.memory_space<vmem>>[vector<16xi32>, vector<16xi32>], vector<16xf32>,
        %mul3A_801 = arith.constant 2 : i32
        %mul3A_802 = arith.muli %scan3A_571, %mul3A_801 : i32
        %add3A_803 = arith.constant 0 : i32
        %add3A_804 = arith.addi %mul3A_802, %add3A_803 : i32
        %get3A_805 = arith.index_cast %add3A_804 : i32 to index
        %get3A_806 = arith.constant 48 : index
        %get3A_807 = tpu.vector_load %arg4[%get3A_805, %get3A_806] {strides = array<i32>} : memref<128x100xi32, #tpu.memory_space<vmem>>, vector<16xi32>,
        %add3A_808 = arith.addi %get3A_807, %mul3A_6 : vector<16xi32>
        %add3A_809 = arith.constant 6144 : i32
        %add3A_810 = vector.broadcast %add3A_809 : i32 to vector<16xi32>
        %add3A_811 = arith.addi %add3A_808, %add3A_810 : vector<16xi32>
        tpu.vector_store_idx %arg8[%broadcast_in_dim3A_767, %add3A_811], %broadcast_in_dim3A_3 : memref<2x12800xf32, #tpu.memory_space<vmem>>[vector<16xi32>, vector<16xi32>], vector<16xf32>,
        %mul3A_812 = arith.constant 2 : i32
        %mul3A_813 = arith.muli %scan3A_571, %mul3A_812 : i32
        %add3A_814 = arith.constant 0 : i32
        %add3A_815 = arith.addi %mul3A_813, %add3A_814 : i32
        %get3A_816 = arith.index_cast %add3A_815 : i32 to index
        %get3A_817 = arith.constant 64 : index
        %get3A_818 = tpu.vector_load %arg4[%get3A_816, %get3A_817] {strides = array<i32>} : memref<128x100xi32, #tpu.memory_space<vmem>>, vector<16xi32>,
        %add3A_819 = arith.addi %get3A_818, %mul3A_6 : vector<16xi32>
        %add3A_820 = arith.constant 8192 : i32
        %add3A_821 = vector.broadcast %add3A_820 : i32 to vector<16xi32>
        %add3A_822 = arith.addi %add3A_819, %add3A_821 : vector<16xi32>
        tpu.vector_store_idx %arg8[%broadcast_in_dim3A_767, %add3A_822], %broadcast_in_dim3A_3 : memref<2x12800xf32, #tpu.memory_space<vmem>>[vector<16xi32>, vector<16xi32>], vector<16xf32>,
        %mul3A_823 = arith.constant 2 : i32
        %mul3A_824 = arith.muli %scan3A_571, %mul3A_823 : i32
        %add3A_825 = arith.constant 0 : i32
        %add3A_826 = arith.addi %mul3A_824, %add3A_825 : i32
        %get3A_827 = arith.index_cast %add3A_826 : i32 to index
        %get3A_828 = arith.constant 80 : index
        %get3A_829 = tpu.vector_load %arg4[%get3A_827, %get3A_828] {strides = array<i32>} : memref<128x100xi32, #tpu.memory_space<vmem>>, vector<16xi32>,
        %add3A_830 = arith.addi %get3A_829, %mul3A_6 : vector<16xi32>
        %add3A_831 = arith.constant 10240 : i32
        %add3A_832 = vector.broadcast %add3A_831 : i32 to vector<16xi32>
        %add3A_833 = arith.addi %add3A_830, %add3A_832 : vector<16xi32>
        tpu.vector_store_idx %arg8[%broadcast_in_dim3A_767, %add3A_833], %broadcast_in_dim3A_3 : memref<2x12800xf32, #tpu.memory_space<vmem>>[vector<16xi32>, vector<16xi32>], vector<16xf32>,
        %mul3A_834 = arith.constant 2 : i32
        %mul3A_835 = arith.muli %scan3A_571, %mul3A_834 : i32
        %add3A_836 = arith.constant 0 : i32
        %add3A_837 = arith.addi %mul3A_835, %add3A_836 : i32
        %get3A_838 = arith.index_cast %add3A_837 : i32 to index
        %get3A_839 = arith.constant 84 : index
        %get3A_840 = tpu.vector_load %arg4[%get3A_838, %get3A_839] {strides = array<i32>} : memref<128x100xi32, #tpu.memory_space<vmem>>, vector<16xi32>,
        %add3A_841 = arith.addi %get3A_840, %mul3A_6 : vector<16xi32>
        %add3A_842 = arith.constant 10752 : i32
        %add3A_843 = vector.broadcast %add3A_842 : i32 to vector<16xi32>
        %add3A_844 = arith.addi %add3A_841, %add3A_843 : vector<16xi32>
        tpu.vector_store_idx %arg8[%broadcast_in_dim3A_767, %add3A_844], %broadcast_in_dim3A_3 : memref<2x12800xf32, #tpu.memory_space<vmem>>[vector<16xi32>, vector<16xi32>], vector<16xf32>,
        %broadcast_in_dim3A_845 = arith.constant 1 : i32
        %broadcast_in_dim3A_846 = vector.broadcast %broadcast_in_dim3A_845 : i32 to vector<16xi32>
        %mul3A_847 = arith.constant 2 : i32
        %mul3A_848 = arith.muli %scan3A_571, %mul3A_847 : i32
        %add3A_849 = arith.constant 1 : i32
        %add3A_850 = arith.addi %mul3A_848, %add3A_849 : i32
        %get3A_851 = arith.index_cast %add3A_850 : i32 to index
        %get3A_852 = arith.constant 0 : index
        %get3A_853 = tpu.vector_load %arg4[%get3A_851, %get3A_852] {strides = array<i32>} : memref<128x100xi32, #tpu.memory_space<vmem>>, vector<16xi32>,
        %add3A_854 = arith.addi %get3A_853, %mul3A_6 : vector<16xi32>
        %add3A_855 = arith.constant 0 : i32
        %add3A_856 = vector.broadcast %add3A_855 : i32 to vector<16xi32>
        %add3A_857 = arith.addi %add3A_854, %add3A_856 : vector<16xi32>
        tpu.vector_store_idx %arg8[%broadcast_in_dim3A_846, %add3A_857], %broadcast_in_dim3A_3 : memref<2x12800xf32, #tpu.memory_space<vmem>>[vector<16xi32>, vector<16xi32>], vector<16xf32>,
        %mul3A_858 = arith.constant 2 : i32
        %mul3A_859 = arith.muli %scan3A_571, %mul3A_858 : i32
        %add3A_860 = arith.constant 1 : i32
        %add3A_861 = arith.addi %mul3A_859, %add3A_860 : i32
        %get3A_862 = arith.index_cast %add3A_861 : i32 to index
        %get3A_863 = arith.constant 16 : index
        %get3A_864 = tpu.vector_load %arg4[%get3A_862, %get3A_863] {strides = array<i32>} : memref<128x100xi32, #tpu.memory_space<vmem>>, vector<16xi32>,
        %add3A_865 = arith.addi %get3A_864, %mul3A_6 : vector<16xi32>
        %add3A_866 = arith.constant 2048 : i32
        %add3A_867 = vector.broadcast %add3A_866 : i32 to vector<16xi32>
        %add3A_868 = arith.addi %add3A_865, %add3A_867 : vector<16xi32>
        tpu.vector_store_idx %arg8[%broadcast_in_dim3A_846, %add3A_868], %broadcast_in_dim3A_3 : memref<2x12800xf32, #tpu.memory_space<vmem>>[vector<16xi32>, vector<16xi32>], vector<16xf32>,
        %mul3A_869 = arith.constant 2 : i32
        %mul3A_870 = arith.muli %scan3A_571, %mul3A_869 : i32
        %add3A_871 = arith.constant 1 : i32
        %add3A_872 = arith.addi %mul3A_870, %add3A_871 : i32
        %get3A_873 = arith.index_cast %add3A_872 : i32 to index
        %get3A_874 = arith.constant 32 : index
        %get3A_875 = tpu.vector_load %arg4[%get3A_873, %get3A_874] {strides = array<i32>} : memref<128x100xi32, #tpu.memory_space<vmem>>, vector<16xi32>,
        %add3A_876 = arith.addi %get3A_875, %mul3A_6 : vector<16xi32>
        %add3A_877 = arith.constant 4096 : i32
        %add3A_878 = vector.broadcast %add3A_877 : i32 to vector<16xi32>
        %add3A_879 = arith.addi %add3A_876, %add3A_878 : vector<16xi32>
        tpu.vector_store_idx %arg8[%broadcast_in_dim3A_846, %add3A_879], %broadcast_in_dim3A_3 : memref<2x12800xf32, #tpu.memory_space<vmem>>[vector<16xi32>, vector<16xi32>], vector<16xf32>,
        %mul3A_880 = arith.constant 2 : i32
        %mul3A_881 = arith.muli %scan3A_571, %mul3A_880 : i32
        %add3A_882 = arith.constant 1 : i32
        %add3A_883 = arith.addi %mul3A_881, %add3A_882 : i32
        %get3A_884 = arith.index_cast %add3A_883 : i32 to index
        %get3A_885 = arith.constant 48 : index
        %get3A_886 = tpu.vector_load %arg4[%get3A_884, %get3A_885] {strides = array<i32>} : memref<128x100xi32, #tpu.memory_space<vmem>>, vector<16xi32>,
        %add3A_887 = arith.addi %get3A_886, %mul3A_6 : vector<16xi32>
        %add3A_888 = arith.constant 6144 : i32
        %add3A_889 = vector.broadcast %add3A_888 : i32 to vector<16xi32>
        %add3A_890 = arith.addi %add3A_887, %add3A_889 : vector<16xi32>
        tpu.vector_store_idx %arg8[%broadcast_in_dim3A_846, %add3A_890], %broadcast_in_dim3A_3 : memref<2x12800xf32, #tpu.memory_space<vmem>>[vector<16xi32>, vector<16xi32>], vector<16xf32>,
        %mul3A_891 = arith.constant 2 : i32
        %mul3A_892 = arith.muli %scan3A_571, %mul3A_891 : i32
        %add3A_893 = arith.constant 1 : i32
        %add3A_894 = arith.addi %mul3A_892, %add3A_893 : i32
        %get3A_895 = arith.index_cast %add3A_894 : i32 to index
        %get3A_896 = arith.constant 64 : index
        %get3A_897 = tpu.vector_load %arg4[%get3A_895, %get3A_896] {strides = array<i32>} : memref<128x100xi32, #tpu.memory_space<vmem>>, vector<16xi32>,
        %add3A_898 = arith.addi %get3A_897, %mul3A_6 : vector<16xi32>
        %add3A_899 = arith.constant 8192 : i32
        %add3A_900 = vector.broadcast %add3A_899 : i32 to vector<16xi32>
        %add3A_901 = arith.addi %add3A_898, %add3A_900 : vector<16xi32>
        tpu.vector_store_idx %arg8[%broadcast_in_dim3A_846, %add3A_901], %broadcast_in_dim3A_3 : memref<2x12800xf32, #tpu.memory_space<vmem>>[vector<16xi32>, vector<16xi32>], vector<16xf32>,
        %mul3A_902 = arith.constant 2 : i32
        %mul3A_903 = arith.muli %scan3A_571, %mul3A_902 : i32
        %add3A_904 = arith.constant 1 : i32
        %add3A_905 = arith.addi %mul3A_903, %add3A_904 : i32
        %get3A_906 = arith.index_cast %add3A_905 : i32 to index
        %get3A_907 = arith.constant 80 : index
        %get3A_908 = tpu.vector_load %arg4[%get3A_906, %get3A_907] {strides = array<i32>} : memref<128x100xi32, #tpu.memory_space<vmem>>, vector<16xi32>,
        %add3A_909 = arith.addi %get3A_908, %mul3A_6 : vector<16xi32>
        %add3A_910 = arith.constant 10240 : i32
        %add3A_911 = vector.broadcast %add3A_910 : i32 to vector<16xi32>
        %add3A_912 = arith.addi %add3A_909, %add3A_911 : vector<16xi32>
        tpu.vector_store_idx %arg8[%broadcast_in_dim3A_846, %add3A_912], %broadcast_in_dim3A_3 : memref<2x12800xf32, #tpu.memory_space<vmem>>[vector<16xi32>, vector<16xi32>], vector<16xf32>,
        %mul3A_913 = arith.constant 2 : i32
        %mul3A_914 = arith.muli %scan3A_571, %mul3A_913 : i32
        %add3A_915 = arith.constant 1 : i32
        %add3A_916 = arith.addi %mul3A_914, %add3A_915 : i32
        %get3A_917 = arith.index_cast %add3A_916 : i32 to index
        %get3A_918 = arith.constant 84 : index
        %get3A_919 = tpu.vector_load %arg4[%get3A_917, %get3A_918] {strides = array<i32>} : memref<128x100xi32, #tpu.memory_space<vmem>>, vector<16xi32>,
        %add3A_920 = arith.addi %get3A_919, %mul3A_6 : vector<16xi32>
        %add3A_921 = arith.constant 10752 : i32
        %add3A_922 = vector.broadcast %add3A_921 : i32 to vector<16xi32>
        %add3A_923 = arith.addi %add3A_920, %add3A_922 : vector<16xi32>
        tpu.vector_store_idx %arg8[%broadcast_in_dim3A_846, %add3A_923], %broadcast_in_dim3A_3 : memref<2x12800xf32, #tpu.memory_space<vmem>>[vector<16xi32>, vector<16xi32>], vector<16xf32>,
        %mul3A_924 = arith.constant 128 : i32
        %mul3A_925 = arith.muli %add3A, %mul3A_924 : i32
        %mul3A_926 = arith.constant 2 : i32
        %mul3A_927 = arith.muli %scan3A_571, %mul3A_926 : i32
        %add3A_928 = arith.addi %mul3A_925, %mul3A_927 : i32
        %dma_start3A_929 = arith.constant 0 : i32
        %dma_start3A_930 = tpu.memref_slice %arg3[%add3A_928, %dma_start3A_929] : memref<4096x12800xf32, #tpu.memory_space<hbm>> -> memref<2x12800xf32, #tpu.memory_space<hbm>>
        %dma_start3A_931 = arith.constant 0 : i32
        %dma_start3A_932 = tpu.memref_slice %arg3[%add3A_928, %dma_start3A_931] : memref<4096x12800xf32, #tpu.memory_space<hbm>> -> memref<2x12800xf32, #tpu.memory_space<hbm>>
        tpu.enqueue_dma source(%arg8 : memref<2x12800xf32, #tpu.memory_space<vmem>>) target(%dma_start3A_932 : memref<2x12800xf32, #tpu.memory_space<hbm>>) target_semaphore(%arg12 : memref<!tpu.dma_semaphore, #tpu.memory_space<semaphore_mem>>)
      } else {
      }
    }
    %scan3A_538 = arith.constant 60 : i32
    %mul3A_539 = arith.constant 128 : i32
    %mul3A_540 = arith.muli %add3A, %mul3A_539 : i32
    %add3A_541 = arith.constant 120 : i32
    %add3A_542 = arith.addi %mul3A_540, %add3A_541 : i32
    %dma_wait3A_543 = arith.constant 0 : i32
    %dma_wait3A_544 = tpu.memref_slice %arg3[%add3A_542, %dma_wait3A_543] : memref<4096x12800xf32, #tpu.memory_space<hbm>> -> memref<2x12800xf32, #tpu.memory_space<hbm>>
    %dma_wait3A_545 = arith.constant 0 : i32
    %dma_wait3A_546 = tpu.memref_slice %arg3[%add3A_542, %dma_wait3A_545] : memref<4096x12800xf32, #tpu.memory_space<hbm>> -> memref<2x12800xf32, #tpu.memory_space<hbm>>
    tpu.wait_dma2 semaphore(%arg9 : memref<!tpu.dma_semaphore, #tpu.memory_space<semaphore_mem>>) src(%arg5 : memref<2x12800xf32, #tpu.memory_space<vmem>>) dst(%dma_wait3A_546 : memref<2x12800xf32, #tpu.memory_space<hbm>>)
    %mul3A_547 = arith.constant 128 : i32
    %mul3A_548 = arith.muli %add3A, %mul3A_547 : i32
    %add3A_549 = arith.constant 122 : i32
    %add3A_550 = arith.addi %mul3A_548, %add3A_549 : i32
    %dma_wait3A_551 = arith.constant 0 : i32
    %dma_wait3A_552 = tpu.memref_slice %arg3[%add3A_550, %dma_wait3A_551] : memref<4096x12800xf32, #tpu.memory_space<hbm>> -> memref<2x12800xf32, #tpu.memory_space<hbm>>
    %dma_wait3A_553 = arith.constant 0 : i32
    %dma_wait3A_554 = tpu.memref_slice %arg3[%add3A_550, %dma_wait3A_553] : memref<4096x12800xf32, #tpu.memory_space<hbm>> -> memref<2x12800xf32, #tpu.memory_space<hbm>>
    tpu.wait_dma2 semaphore(%arg10 : memref<!tpu.dma_semaphore, #tpu.memory_space<semaphore_mem>>) src(%arg6 : memref<2x12800xf32, #tpu.memory_space<vmem>>) dst(%dma_wait3A_554 : memref<2x12800xf32, #tpu.memory_space<hbm>>)
    %mul3A_555 = arith.constant 128 : i32
    %mul3A_556 = arith.muli %add3A, %mul3A_555 : i32
    %add3A_557 = arith.constant 124 : i32
    %add3A_558 = arith.addi %mul3A_556, %add3A_557 : i32
    %dma_wait3A_559 = arith.constant 0 : i32
    %dma_wait3A_560 = tpu.memref_slice %arg3[%add3A_558, %dma_wait3A_559] : memref<4096x12800xf32, #tpu.memory_space<hbm>> -> memref<2x12800xf32, #tpu.memory_space<hbm>>
    %dma_wait3A_561 = arith.constant 0 : i32
    %dma_wait3A_562 = tpu.memref_slice %arg3[%add3A_558, %dma_wait3A_561] : memref<4096x12800xf32, #tpu.memory_space<hbm>> -> memref<2x12800xf32, #tpu.memory_space<hbm>>
    tpu.wait_dma2 semaphore(%arg11 : memref<!tpu.dma_semaphore, #tpu.memory_space<semaphore_mem>>) src(%arg7 : memref<2x12800xf32, #tpu.memory_space<vmem>>) dst(%dma_wait3A_562 : memref<2x12800xf32, #tpu.memory_space<hbm>>)
    %mul3A_563 = arith.constant 128 : i32
    %mul3A_564 = arith.muli %add3A, %mul3A_563 : i32
    %add3A_565 = arith.constant 126 : i32
    %add3A_566 = arith.addi %mul3A_564, %add3A_565 : i32
    %dma_wait3A_567 = arith.constant 0 : i32
    %dma_wait3A_568 = tpu.memref_slice %arg3[%add3A_566, %dma_wait3A_567] : memref<4096x12800xf32, #tpu.memory_space<hbm>> -> memref<2x12800xf32, #tpu.memory_space<hbm>>
    %dma_wait3A_569 = arith.constant 0 : i32
    %dma_wait3A_570 = tpu.memref_slice %arg3[%add3A_566, %dma_wait3A_569] : memref<4096x12800xf32, #tpu.memory_space<hbm>> -> memref<2x12800xf32, #tpu.memory_space<hbm>>
    tpu.wait_dma2 semaphore(%arg12 : memref<!tpu.dma_semaphore, #tpu.memory_space<semaphore_mem>>) src(%arg8 : memref<2x12800xf32, #tpu.memory_space<vmem>>) dst(%dma_wait3A_570 : memref<2x12800xf32, #tpu.memory_space<hbm>>)
    return
  }
}

</mosaic_0001>

<sc_bundles>
// kernel: kernel.3.cloned.1.call-start
scs
__scs_entry_jumppad:
0x0: {  	(pc) =	sbr.rel $0x88, $3  }
0x1: {  	(tag) =	ssettag $0x0;
	lr =	simm.s32 $0x1  }
0x2: {  	[smem:$0x3FA0] =	sst lr;
	_ =	strace $0xD0000000  }
0x3: {  	_ = 	snop  }
0x4: {  	_ = 	snop  }
0x5: {  	_ = 	snop  }
0x6: {  	_ = 	snop  }
0x7: {  	_ = 	snop  }
__scs_overlays_trampoline_lowered:
0x8: {  	[smem:$0x3FAF] =	sst s0  }
0x9: {  	[smem:$0x3FB0] =	sst s1  }
0xa: {  	[smem:$0x3FB1] =	sst s2  }
0xb: {  	[smem:$0x3FB2] =	sst s3  }
0xc: {  	[smem:$0x3FB3] =	sst s4  }
0xd: {  	[smem:$0x3FB4] =	sst s5  }
0xe: {  	[smem:$0x3FB5] =	sst s6  }
0xf: {  	[smem:$0x3FB6] =	sst s7  }
0x10: {  	[smem:$0x3FB7] =	sst s8  }
0x11: {  	[smem:$0x3FB8] =	sst s9;
	s0 =	simm.s32 @!p0 $0x0  }
0x12: {  	s1 =	sld [smem:$0x3F9E];
	s0 =	simm.s32 @p0 $0x1  }
0x13: {  	[smem:$0x3FB9] =	sst s0;
	s0 =	simm.s32 @!p1 $0x0  }
0x14: {  	s2 =	sld [smem:$0x3F9D];
	s0 =	simm.s32 @p1 $0x1  }
0x15: {  	[smem:$0x3FBA] =	sst s0;
	s0 =	simm.s32 @!p2 $0x0  }
0x16: {  	s3 =	sld [smem:$0x3FDB];
	s0 =	simm.s32 @p2 $0x1  }
0x17: {  	s4 =	simm.s32 $0x1BF5;
	[smem:$0x3FBC] =	sst s0  }
0x18: {  	s0 =	sld [smem:$0x3F9F];
	_ =	swait.ge [sflag:s4], $0x0  }
0x19: {  	s7 =	sld [smem:$0x3FA0]  }
0x1a: {  	s8 =	sadd.s32 $0xFFFFE003, lr  }
0x1b: {  	s9 =	sadd.s32 $0xFFFFFEF7, lr;
	s5 =	simm.s32 $0xFFFFFFFF;
	p2 =	slt.u32 s8, $0xFFFFF086  }
0x1c: {  	p1 =	slt.u32 s9, $0xF7A;
	s5 =	simm.s32 @!p2 $0x0  }
0x1d: {  	s5 =	simm.s32 @p1 $0x1;
	p0 =	seq.s32 s7, s2  }
0x1e: {  	s7 =	smul.u32 @!p0 $0xF7A, s2;
	p2 =	seq.s32 @!p0 s5, $0x0  }
0x1f: {  	s9 =	smul.u32 $0xF7A, s1;
	s8 =	simm.s32 @!p0 $0x1BF5;
	p2 =	por !p2, p0  }
0x20: {  	[sflag:s8] =	ssyncset.s32 @!p0 $0xFFFFF086;
	s6 =	sadd.s32 @!p0 s3, s7;
	s7 =	simm.s32 @!p0 $0x108  }
0x21: {  	s3 =	sadd.s32 s3, s9;
	s6 =	sadd.s32 @!p0 $0x88, s6;
	s7 =	simm.s32 @p2 $0x1082  }
0x22: {  	[simem:s7], [sflag:s8] =	dma.local @!p0 [hbm:s6], $0xF7A  }
0x23: {  	s9 =	sor.u32 $0xD0000000, s2;
	s6 =	simm.s32 $0x108;
	_ =	swait.ge @!p0 [sflag:s8], $0x0  }
0x24: {  	s3 =	sadd.s32 $0x88, s3;
	s6 =	simm.s32 @!p1 $0x1082;
	[sflag:s4] =	ssyncset.s32 $0xFFFFF086  }
0x25: {  	[simem:s6], [sflag:s4] =	dma.local [hbm:s3], $0xF7A  }
0x26: {  	[smem:$0x3FA0] =	sst s1;
	(tag) =	ssettag s2;
	_ =	strace s9  }
0x27: {  	s1 =	sld [smem:$0x3FB0]  }
0x28: {  	s2 =	sld [smem:$0x3FB1]  }
0x29: {  	s4 =	sld [smem:$0x3FB3]  }
0x2a: {  	p0 =	seq.s32 s5, $0x0;
	s5 =	sld [smem:$0x3FB4]  }
0x2b: {  	s6 =	sld [smem:$0x3FB5]  }
0x2c: {  	s7 =	sld [smem:$0x3FB6]  }
0x2d: {  	s3 =	simm.s32 $0x108;
	s8 =	sld [smem:$0x3FB7]  }
0x2e: {  	s3 =	simm.s32 @!p0 $0x1082;
	s9 =	sld [smem:$0x3FB8]  }
0x2f: {  	lr =	sadd.s32 s0, s3;
	s0 =	sld [smem:$0x3FAF]  }
0x30: {  	s3 =	sld [smem:$0x3FB2]  }
0x31: {  	[smem:$0x3FBB] =	sst s10  }
0x32: {  	s10 =	sld [smem:$0x3FB9];
	_ =	sdelay $0x3  }
0x33: {  	p0 =	seq.s32 s10, $0x1;
	s10 =	sld [smem:$0x3FBB];
	_ =	sdelay $0x3  }
0x34: {  	[smem:$0x3FBB] =	sst s10  }
0x35: {  	s10 =	sld [smem:$0x3FBA];
	_ =	sdelay $0x3  }
0x36: {  	p1 =	seq.s32 s10, $0x1;
	s10 =	sld [smem:$0x3FBB];
	_ =	sdelay $0x3  }
0x37: {  	[smem:$0x3FBB] =	sst s10  }
0x38: {  	s10 =	sld [smem:$0x3FBC]  }
0x39: {  	_ = 	snop;
	(pc) =	sbr.ind lr, $3  }
0x3a: {  	_ = 	snop  }
0x3b: {  	_ = 	snop  }
0x3c: {  	p2 =	seq.s32 s10, $0x1;
	s10 =	sld [smem:$0x3FBB]  }
0x3d: {  	_ =	shalt  }
0x3e: {  	_ =	shalt  }
0x3f: {  	_ =	shalt  }
0x40: {  	_ =	shalt  }
0x41: {  	_ =	shalt  }
0x42: {  	_ =	shalt  }
0x43: {  	_ =	shalt  }
0x44: {  	_ =	shalt  }
0x45: {  	_ =	shalt  }
0x46: {  	_ =	shalt  }
0x47: {  	_ =	shalt  }
0x48: {  	_ =	shalt  }
0x49: {  	_ =	shalt  }
0x4a: {  	_ =	shalt  }
0x4b: {  	_ =	shalt  }
0x4c: {  	_ =	shalt  }
0x4d: {  	_ =	shalt  }
0x4e: {  	_ =	shalt  }
0x4f: {  	_ =	shalt  }
0x50: {  	_ =	shalt  }
0x51: {  	_ =	shalt  }
0x52: {  	_ =	shalt  }
0x53: {  	_ =	shalt  }
0x54: {  	_ =	shalt  }
0x55: {  	_ =	shalt  }
0x56: {  	_ =	shalt  }
0x57: {  	_ =	shalt  }
0x58: {  	_ =	shalt  }
0x59: {  	_ =	shalt  }
0x5a: {  	_ =	shalt  }
0x5b: {  	_ =	shalt  }
0x5c: {  	_ =	shalt  }
0x5d: {  	_ =	shalt  }
0x5e: {  	_ =	shalt  }
0x5f: {  	_ =	shalt  }
0x60: {  	_ =	shalt  }
0x61: {  	_ =	shalt  }
0x62: {  	_ =	shalt  }
0x63: {  	_ =	shalt  }
0x64: {  	_ =	shalt  }
0x65: {  	_ =	shalt  }
0x66: {  	_ =	shalt  }
0x67: {  	_ =	shalt  }
0x68: {  	_ =	shalt  }
0x69: {  	_ =	shalt  }
0x6a: {  	_ =	shalt  }
0x6b: {  	_ =	shalt  }
0x6c: {  	_ =	shalt  }
0x6d: {  	_ =	shalt  }
0x6e: {  	_ =	shalt  }
0x6f: {  	_ =	shalt  }
0x70: {  	_ =	shalt  }
0x71: {  	_ =	shalt  }
0x72: {  	_ =	shalt  }
0x73: {  	_ =	shalt  }
0x74: {  	_ =	shalt  }
0x75: {  	_ =	shalt  }
0x76: {  	_ =	shalt  }
0x77: {  	_ =	shalt  }
0x78: {  	_ =	shalt  }
0x79: {  	_ =	shalt  }
0x7a: {  	_ =	shalt  }
0x7b: {  	_ =	shalt  }
0x7c: {  	_ =	shalt  }
0x7d: {  	_ =	shalt  }
0x7e: {  	_ =	shalt  }
0x7f: {  	_ =	shalt  }
0x80: {  	_ =	shalt  }
0x81: {  	_ =	shalt  }
0x82: {  	_ =	shalt  }
0x83: {  	_ =	shalt  }
0x84: {  	_ =	shalt  }
0x85: {  	_ =	shalt  }
0x86: {  	_ =	shalt  }
0x87: {  	_ =	shalt  }
.Lfunc_end0:
.L_simem_size_0:
called_computation_lowered:
.L_overlay_start_0:
0x88: {  	s2 =	sld [smem:$0x3FD9]  }
0x89: {  	s3 =	sld [smem:$0x3FFE];
	_ =	sdelay $0x1  }
0x8a: {  	s1 =	srdreg.scid  }
0x8b: {  	s0 =	sand.u32 $0x1, s1  }
0x8c: {  	s17 =	sshll.u32 s0, $0xA;
	s2 =	sadd.s32 s3, s2  }
0x8d: {  	s2 =	sadd.s32 s2, s17  }
0x8e: {  	[smem:$0x3FC7] =	sst s2  }
0x8f: {  	_ = 	snop  }
0x90: {  	s2 =	sld [smem:$0x3FD0];
	(tm) =	ssettm $0x1  }
0x91: {  	s18 =	sld [smem:$0x3FFB];
	_ =	sdelay $0x3  }
0x92: {  	_ =	strace s18  }
0x93: {  	s3 =	sld [smem:$0x3FFC];
	_ =	sdelay $0x3  }
0x94: {  	_ =	strace s3  }
0x95: {  	s3 =	sld [smem:$0x3FFD];
	_ =	sdelay $0x3  }
0x96: {  	_ =	strace s3  }
0x97: {  	_ =	strace $0x8FFFFFFF  }
0x98: {  	s19 =	sld [smem:$0x3FDB];
	_ =	sdelay $0x1  }
0x99: {  	s4 =	simm.s32 $_scs_section_size  }
0x9a: {  	s5 =	simm.s32 $_size__tile_overlayer_lowered;
	s6 =	simm.s32 $_tile_overlayer_lowered  }
0x9b: {  	s22 =	simm.s32 $0x1BFF;
	s21 =	sshll.u32 s6, $0x1;
	s3 =	sadd.s32 s4, s19  }
0x9c: {  	s7 =	simm.s32 $0x0;
	s20 =	sshll.u32 s5, $0x1;
	s5 =	sadd.s32 s21, s3  }
0x9d: {  	[timem:s7], [sflag:s22] =	dma.local [hbm:s5], s20  }
0x9e: {  	_ =	swait.ge [sflag:s22], s20  }
0x9f: {  	s4 =	ssub.s32 $0x0, s20;
	[sflag:s22] =	ssyncset.done $0x0  }
0xa0: {  	[sflag:s22] =	ssyncadd.s32 s4;
	_ =	sdelay $0x1  }
0xa1: {  	s23 =	simm.s32 $0x1B8B  }
0xa2: {  	_ =	swait.ge [sflag:s23], $0x1  }
0xa3: {  	[sflag:s23] =	ssyncset.done $0x0  }
0xa4: {  	s25 =	simm.s32 $0x1B8E;
	s24 =	sld [smem:$0x3FFE];
	[sflag:s23] =	ssyncadd.s32 $0xFFFFFFFF  }
0xa5: {  	s26 =	simm.s32 $execute0_lowered;
	[smem:$0x3FD2] =	sst s25  }
0xa6: {  	s5 =	sshll.u32 s26, $0x1;
	_ =	strace $0x80000046;
	[dreg:$0x1] =	wrdreg $0xFFFFFFFF  }
0xa7: {  	s28 =	simm.s32 $_size_execute0_lowered;
	s3 =	sadd.s32 s3, s5;
	[dreg:$0x0] =	wrdreg $0x0  }
0xa8: {  	s5 =	sshll.u32 s28, $0x1;
	[dreg:$0x2] =	wrdreg s3  }
0xa9: {  	[dreg:$0x3] =	wrdreg s5  }
0xaa: {  	[dreg:$0x4] =	wrdreg $0xC0  }
0xab: {  	_ =	task [dreg:s7], $0x5FFFF  }
0xac: {  	[dreg:$0x1] =	wrdreg $0xFFFFFFFF  }
0xad: {  	[dreg:$0x0] =	wrdreg $0x60  }
0xae: {  	[dreg:$0x2] =	wrdreg s24  }
0xaf: {  	[dreg:$0x3] =	wrdreg s2  }
0xb0: {  	[dreg:$0x4] =	wrdreg $0x9  }
0xb1: {  	_ =	task.clear_ibuf [dreg:s7], $0x5FFFF;
	_ =	strace $0x90000046  }
0xb2: {  	s29 =	simm.s32 $0x9;
	_ =	strace $0x80000048  }
0xb3: {  	_ =	swait.ge [sflag:s29], $0x1  }
0xb4: {  	[sflag:s29] =	ssyncadd.s32 $0xFFFFFFFF  }
0xb5: {  	_ =	strace $0x90000048  }
0xb6: {  	_ =	sfence  }
0xb7: {  	s30 =	sld [smem:$0x0];
	_ =	sdelay $0x2  }
0xb8: {  	s31 =	sshll.u32 s1, $0xD;
	s1 =	sshrl.u32 s1, $0x2  }
0xb9: {  	s3 =	sand.u32 $0x4000, s31;
	s1 =	sadd.s32 s1, s30  }
0xba: {  	s0 =	sor.u32 s3, s0;
	s1 =	sshll.u32 s1, $0x11  }
0xbb: {  	s0 =	sor.u32 s1, s0  }
0xbc: {  	s0 =	sadd.s32 $0x8F2B, s0  }
0xbd: {  	[sflag:s0] =	ssyncadd.remote.s32 $0x1  }
0xbe: {  	_ =	sfence.sel $0xFFFF  }
0xbf: {  	[dreg:$0x0] =	wrdreg $0xFFFFFFFF;
	(pc) =	sbr.abs _section_cstart, $3  }
0xc0: {  	[dreg:$0x1] =	wrdreg $0xFFFFFFFF  }
0xc1: {  	_ =	task.clear_ibuf [dreg:s7], $0x2FFFF;
	_ =	strace $0x9FFFFFFF  }
0xc2: {  	(tm) =	ssettm $0x7FFFFFFF  }
0xc3: {  	_ =	shalt  }
tec
execute0_lowered:
.L_overlay_start_1:
0x0: {  	(tag) =	ssettag $0x1  }
0x1: {  	s1 =	srdreg.scid;
	s5 =	rddreg [dreg:$0x0]  }
0x2: {  	s0 =	stileid.u32;
	s2 =	rddreg [dreg:$0x1];
	s11 =	simm.s32 $0x1  }
0x3: {  	s12 =	simm.s32 $0x4000;
	s13 =	simm.s32 $0x100;
	s14 =	simm.s32 $0x400  }
0x4: {  	s15 =	simm.s32 $0xA400;
	s16 =	simm.s32 $0x10800;
	s17 =	simm.s32 $0x16C00  }
0x5: {  	s18 =	simm.s32 $0x2;
	s19 =	simm.s32 $0x3;
	s20 =	simm.s32 $0x4  }
0x6: {  	s21 =	simm.s32 $0x0;
	s4 =	sand.u32 $0x1, s1;
	s30 =	sshll.u32 s0, $0x8  }
0x7: {  	s1 =	rddreg [dreg:$0x2];
	s3 =	sshll.u32 s4, $0x7;
	s8 =	ssub.s32 $0x2, s4  }
0x8: {  	s10 =	sor.u32 s3, s30;
	s3 =	simm.s32 $0x0;
	s31 =	sshrl.u32 s8, $0x1  }
.Ltmp0:
0x9: {  	v0 =	vlaneseq.u32;
	s6 =	sshrl.u32 s10, $0x3;
	[smem:$0x7FF] =	sst s3;
	(pc) =	sbr.rel .LBB2_1-.Ltmp0, $4  }
0xa: {  	v0 =	vmul.u32 $0x100, v0;
	s7 =	sshll.u32 s10, $0x4;
	s9 =	ssub.s32 s8, s31;
	s6 =	smul.u32 $0x3200, s6  }
0xb: {  	v1 =	vimm.f32 $0.0e+00;
	v8 =	vimm.f32 $1.000000000e+00;
	s10 =	sor.u32 $0x8, s10;
	_ =	strace $0x80000047;
	s5 =	sadd.s32 s7, s5  }
0xc: {  	v2 =	vadd.s32 $0x5400, v0;
	v3 =	vor.u32 $0x5000, v0;
	v4 =	vor.u32 $0x4000, v0;
	s9 =	smax.u32 s9, $0x1;
	s5 =	sadd.s32 $0x400, s5;
	s4 =	sadd.s32 s2, s6  }
0xd: {  	v5 =	vor.u32 $0x3000, v0;
	v6 =	vor.u32 $0x2000, v0;
	v7 =	vor.u32 $0x1000, v0;
	s6 =	sadd.s32 $0x20, s4;
	s7 =	sadd.s32 $0x40, s4;
	s8 =	sadd.s32 $0x60, s4  }
.LBB2_18:
0xe: {  	_ =	swait.ge [sflag:s11], $0x6400  }
0xf: {  	[sflag:s11] =	ssyncset.done $0x0  }
0x10: {  	[sflag:s11] =	ssyncadd.s32 $0xFFFF9C00  }
0x11: {  	_ =	swait.ge [sflag:s18], $0x6400  }
0x12: {  	[sflag:s18] =	ssyncset.done $0x0  }
0x13: {  	s21 =	sadd.s32 $0x1, s21;
	[sflag:s18] =	ssyncadd.s32 $0xFFFF9C00  }
0x14: {  	p0 =	sne.s32 s21, s9;
	_ =	swait.ge [sflag:s19], $0x6400  }
.Ltmp1:
0x15: {  	[sflag:s19] =	ssyncset.done $0x0;
	(pc) =	sbr.rel @!p0 .LBB2_19-.Ltmp1, $4  }
0x16: {  	[sflag:s19] =	ssyncadd.s32 $0xFFFF9C00  }
0x17: {  	_ =	swait.ge [sflag:s20], $0x6400  }
0x18: {  	[sflag:s20] =	ssyncset.done $0x0  }
0x19: {  	[sflag:s20] =	ssyncadd.s32 $0xFFFF9C00  }
.LBB2_1:
0x1a: {  	[tilespmem:s3], [sflag:$0x1] =	stream.linear.gather [hbm4b:s5+s3], $0x4000, $0x38;
	[tilespmem:$0x1D000] =	vst v63  }
0x1b: {  	s22 =	sand.u32 $0x40, s3;
	s23 =	sand.u32 $0x7F00, s3  }
0x1c: {  	p0 =	por $0x0, $0x0;
	s25 =	sor.u32 s22, s23;
	s22 =	simm.s32 $0x1  }
0x1d: {  	s22 =	simm.s32 @!p0 $0x0;
	[tilespmem:s25+$0x4000] =	vst v1  }
0x1e: {  	[tilespmem:s25+$0x4030] =	vst v1;
	s22 =	sshll.u32 s22, $0x6  }
0x1f: {  	s23 =	simm.s32 $0x0;
	[tilespmem:s25+$0x4020] =	vst v1;
	s24 =	sadd.s32 $0x0, s22;
	s22 =	simm.s32 $0x40  }
.LBB2_2:
0x20: {  	p1 =	sne.s32 s22, $0x31C0;
	[tilespmem:s25+$0x4010] =	vst v1;
	s25 =	sor.u32 $0x80, s24;
	s26 =	sadd.s32 $0x10, s24  }
0x21: {  	s23 =	sadd.s32 $0x80, s23;
	[tilespmem:s25+$0x4000] =	vst v1;
	s25 =	sor.u32 $0x80, s26;
	s26 =	sadd.s32 $0x20, s24  }
0x22: {  	s24 =	sadd.s32 $0x30, s24;
	s28 =	sand.u32 $0x7F00, s23;
	[tilespmem:s25+$0x4000] =	vst v1;
	s25 =	sor.u32 $0x80, s26  }
.Ltmp2:
0x23: {  	s26 =	sand.u32 $0x40, s22;
	s24 =	sor.u32 $0x80, s24;
	[tilespmem:s25+$0x4000] =	vst v1;
	(pc) =	sbr.rel @p1 .LBB2_2-.Ltmp2, $4  }
0x24: {  	p0 =	por !p0, !p0;
	s25 =	sor.u32 s26, s28;
	[tilespmem:s24+$0x4000] =	vst v1;
	s24 =	simm.s32 $0x1  }
0x25: {  	s24 =	simm.s32 @!p0 $0x0;
	[tilespmem:s25+$0x4000] =	vst v1  }
0x26: {  	s24 =	sshll.u32 s24, $0x6;
	[tilespmem:s25+$0x4030] =	vst v1  }
0x27: {  	s22 =	sadd.s32 $0x40, s22;
	s24 =	sadd.s32 s24, s23;
	[tilespmem:s25+$0x4020] =	vst v1  }
0x28: {  	[tilespmem:s25+$0x4010] =	vst v1;
	s22 =	sor.u32 $0x80, s24;
	s23 =	sadd.s32 $0x10, s24  }
0x29: {  	s25 =	sadd.s32 $0x20, s24;
	[tilespmem:s22+$0x4000] =	vst v1;
	s23 =	sor.u32 $0x80, s23  }
0x2a: {  	s28 =	sadd.s32 $0x30, s24;
	s26 =	sor.u32 $0x80, s25;
	[tilespmem:s23+$0x4000] =	vst v1  }
0x2b: {  	s29 =	sor.u32 $0x80, s28;
	[tilespmem:s26+$0x4000] =	vst v1  }
0x2c: {  	[tilespmem:s29+$0x4000] =	vst v1  }
0x2d: {  	_ =	swait.ge [sflag:s11], $0x4000  }
0x2e: {  	[sflag:s11] =	ssyncset.done $0x0  }
0x2f: {  	[sflag:s11] =	ssyncadd.s32 $0xFFFFC000  }
0x30: {  	v9 =	vld [tilespmem:$0x0];
	_ =	sdelay $0x4  }
0x31: {  	v10 =	vshll.u32 v9, $0x1  }
0x32: {  	v10 =	vadd.s32 v0, v10  }
0x33: {  	v9 =	vand.u32 $0x7F, v9;
	v10 =	vand.u32 $0xFFFFFF00, v10  }
0x34: {  	v9 =	vor.u32 v9, v10;
	_ =	sdelay $0x4  }
0x35: {  	[tilespmem:v9+s12+$0x0] =	vst.idx.msk $0xffff, v8  }
0x36: {  	v9 =	vld [tilespmem:$0x10];
	_ =	sdelay $0x4  }
0x37: {  	v10 =	vshll.u32 v9, $0x1  }
0x38: {  	v10 =	vadd.s32 v7, v10  }
0x39: {  	v9 =	vand.u32 $0x7F, v9;
	v10 =	vand.u32 $0xFFFFFF00, v10  }
0x3a: {  	v9 =	vor.u32 v9, v10;
	_ =	sdelay $0x4  }
0x3b: {  	[tilespmem:v9+s12+$0x0] =	vst.idx.msk $0xffff, v8  }
0x3c: {  	v9 =	vld [tilespmem:$0x20];
	_ =	sdelay $0x4  }
0x3d: {  	v10 =	vshll.u32 v9, $0x1  }
0x3e: {  	v10 =	vadd.s32 v6, v10  }
0x3f: {  	v9 =	vand.u32 $0x7F, v9;
	v10 =	vand.u32 $0xFFFFFF00, v10  }
0x40: {  	v9 =	vor.u32 v9, v10;
	_ =	sdelay $0x4  }
0x41: {  	[tilespmem:v9+s12+$0x0] =	vst.idx.msk $0xffff, v8  }
0x42: {  	v9 =	vld [tilespmem:$0x30];
	_ =	sdelay $0x4  }
0x43: {  	v10 =	vshll.u32 v9, $0x1  }
0x44: {  	v10 =	vadd.s32 v5, v10  }
0x45: {  	v9 =	vand.u32 $0x7F, v9;
	v10 =	vand.u32 $0xFFFFFF00, v10  }
0x46: {  	v9 =	vor.u32 v9, v10;
	_ =	sdelay $0x4  }
0x47: {  	[tilespmem:v9+s12+$0x0] =	vst.idx.msk $0xffff, v8  }
0x48: {  	v9 =	vld [tilespmem:$0x40];
	_ =	sdelay $0x4  }
0x49: {  	v10 =	vshll.u32 v9, $0x1  }
0x4a: {  	v10 =	vadd.s32 v4, v10  }
0x4b: {  	v9 =	vand.u32 $0x7F, v9;
	v10 =	vand.u32 $0xFFFFFF00, v10  }
0x4c: {  	v9 =	vor.u32 v9, v10;
	_ =	sdelay $0x4  }
0x4d: {  	[tilespmem:v9+s12+$0x0] =	vst.idx.msk $0xffff, v8  }
0x4e: {  	v9 =	vld [tilespmem:$0x50];
	_ =	sdelay $0x4  }
0x4f: {  	v10 =	vshll.u32 v9, $0x1  }
0x50: {  	v10 =	vadd.s32 v3, v10  }
0x51: {  	v9 =	vand.u32 $0x7F, v9;
	v10 =	vand.u32 $0xFFFFFF00, v10  }
0x52: {  	v9 =	vor.u32 v9, v10;
	_ =	sdelay $0x4  }
0x53: {  	[tilespmem:v9+s12+$0x0] =	vst.idx.msk $0xffff, v8  }
0x54: {  	v9 =	vld [tilespmem:$0x54];
	_ =	sdelay $0x4  }
0x55: {  	v10 =	vshll.u32 v9, $0x1  }
0x56: {  	v10 =	vadd.s32 v2, v10  }
0x57: {  	v9 =	vand.u32 $0x7F, v9;
	v10 =	vand.u32 $0xFFFFFF00, v10  }
0x58: {  	v9 =	vor.u32 v9, v10;
	_ =	sdelay $0x4  }
0x59: {  	[tilespmem:v9+s12+$0x0] =	vst.idx.msk $0xffff, v8  }
0x5a: {  	v9 =	vld [tilespmem:$0x80];
	_ =	sdelay $0x4  }
0x5b: {  	v10 =	vshll.u32 v9, $0x1  }
0x5c: {  	v10 =	vadd.s32 v0, v10  }
0x5d: {  	v9 =	vand.u32 $0x7F, v9;
	v10 =	vand.u32 $0xFFFFFF00, v10  }
0x5e: {  	v9 =	vor.u32 v10, v9  }
0x5f: {  	v9 =	vor.u32 $0x80, v9;
	_ =	sdelay $0x4  }
0x60: {  	[tilespmem:v9+s12+$0x0] =	vst.idx.msk $0xffff, v8  }
0x61: {  	v9 =	vld [tilespmem:$0x90];
	_ =	sdelay $0x4  }
0x62: {  	v10 =	vshll.u32 v9, $0x1  }
0x63: {  	v10 =	vadd.s32 v7, v10  }
0x64: {  	v9 =	vand.u32 $0x7F, v9;
	v10 =	vand.u32 $0xFFFFFF00, v10  }
0x65: {  	v9 =	vor.u32 v10, v9  }
0x66: {  	v9 =	vor.u32 $0x80, v9;
	_ =	sdelay $0x4  }
0x67: {  	[tilespmem:v9+s12+$0x0] =	vst.idx.msk $0xffff, v8  }
0x68: {  	v9 =	vld [tilespmem:$0xA0];
	_ =	sdelay $0x4  }
0x69: {  	v10 =	vshll.u32 v9, $0x1  }
0x6a: {  	v10 =	vadd.s32 v6, v10  }
0x6b: {  	v9 =	vand.u32 $0x7F, v9;
	v10 =	vand.u32 $0xFFFFFF00, v10  }
0x6c: {  	v9 =	vor.u32 v10, v9  }
0x6d: {  	v9 =	vor.u32 $0x80, v9;
	_ =	sdelay $0x4  }
0x6e: {  	[tilespmem:v9+s12+$0x0] =	vst.idx.msk $0xffff, v8  }
0x6f: {  	v9 =	vld [tilespmem:$0xB0];
	_ =	sdelay $0x4  }
0x70: {  	v10 =	vshll.u32 v9, $0x1  }
0x71: {  	v10 =	vadd.s32 v5, v10  }
0x72: {  	v9 =	vand.u32 $0x7F, v9;
	v10 =	vand.u32 $0xFFFFFF00, v10  }
0x73: {  	v9 =	vor.u32 v10, v9  }
0x74: {  	v9 =	vor.u32 $0x80, v9;
	_ =	sdelay $0x4  }
0x75: {  	[tilespmem:v9+s12+$0x0] =	vst.idx.msk $0xffff, v8  }
0x76: {  	v9 =	vld [tilespmem:$0xC0];
	_ =	sdelay $0x4  }
0x77: {  	v10 =	vshll.u32 v9, $0x1  }
0x78: {  	v10 =	vadd.s32 v4, v10  }
0x79: {  	v9 =	vand.u32 $0x7F, v9;
	v10 =	vand.u32 $0xFFFFFF00, v10  }
0x7a: {  	v9 =	vor.u32 v10, v9  }
0x7b: {  	v9 =	vor.u32 $0x80, v9;
	_ =	sdelay $0x4  }
0x7c: {  	[tilespmem:v9+s12+$0x0] =	vst.idx.msk $0xffff, v8  }
0x7d: {  	v9 =	vld [tilespmem:$0xD0];
	_ =	sdelay $0x4  }
0x7e: {  	v10 =	vshll.u32 v9, $0x1  }
0x7f: {  	v10 =	vadd.s32 v3, v10  }
0x80: {  	v9 =	vand.u32 $0x7F, v9;
	v10 =	vand.u32 $0xFFFFFF00, v10  }
0x81: {  	v9 =	vor.u32 v10, v9  }
0x82: {  	v9 =	vor.u32 $0x80, v9;
	_ =	sdelay $0x4  }
0x83: {  	[tilespmem:v9+s12+$0x0] =	vst.idx.msk $0xffff, v8  }
0x84: {  	v9 =	vld [tilespmem:$0xD4];
	_ =	sdelay $0x4  }
0x85: {  	v10 =	vshll.u32 v9, $0x1  }
0x86: {  	v10 =	vadd.s32 v2, v10  }
0x87: {  	v9 =	vand.u32 $0x7F, v9;
	v10 =	vand.u32 $0xFFFFFF00, v10  }
0x88: {  	v9 =	vor.u32 v10, v9  }
0x89: {  	v9 =	vor.u32 $0x80, v9;
	_ =	sdelay $0x2  }
0x8a: {  	s22 =	simm.s32 $0x0  }
0x8b: {  	s30 =	sand.u32 $0x40, s22;
	s31 =	sand.u32 $0x7F00, s22  }
0x8c: {  	p0 =	por $0x0, $0x0;
	s23 =	simm.s32 $0x1;
	s25 =	sor.u32 s30, s31;
	[tilespmem:v9+s12+$0x0] =	vst.idx.msk $0xffff, v8  }
0x8d: {  	[hbm4b:s4+s13] =	stream.strided.scatter [tilespmem:s12], [sflag:$0x1], $0x6400, s14, s13, $0x38;
	[tilespmem:$0x1D000] =	vst v63  }
0x8e: {  	s23 =	simm.s32 @!p0 $0x0;
	[tilespmem:s25+$0xA400] =	vst v1  }
0x8f: {  	s23 =	sshll.u32 s23, $0x6;
	[tilespmem:s25+$0xA430] =	vst v1  }
0x90: {  	s24 =	sadd.s32 $0x0, s23;
	s23 =	simm.s32 $0x40;
	[tilespmem:s25+$0xA420] =	vst v1  }
.LBB2_4:
0x91: {  	p1 =	sne.s32 s23, $0x31C0;
	[tilespmem:s25+$0xA410] =	vst v1;
	s25 =	sor.u32 $0x80, s24;
	s26 =	sadd.s32 $0x10, s24  }
0x92: {  	s22 =	sadd.s32 $0x80, s22;
	[tilespmem:s25+$0xA400] =	vst v1;
	s25 =	sor.u32 $0x80, s26;
	s26 =	sadd.s32 $0x20, s24  }
0x93: {  	s24 =	sadd.s32 $0x30, s24;
	s28 =	sand.u32 $0x7F00, s22;
	[tilespmem:s25+$0xA400] =	vst v1;
	s25 =	sor.u32 $0x80, s26  }
.Ltmp3:
0x94: {  	s26 =	sand.u32 $0x40, s23;
	s24 =	sor.u32 $0x80, s24;
	[tilespmem:s25+$0xA400] =	vst v1;
	(pc) =	sbr.rel @p1 .LBB2_4-.Ltmp3, $4  }
0x95: {  	p0 =	por !p0, !p0;
	s25 =	sor.u32 s26, s28;
	[tilespmem:s24+$0xA400] =	vst v1;
	s24 =	simm.s32 $0x1  }
0x96: {  	s24 =	simm.s32 @!p0 $0x0;
	[tilespmem:s25+$0xA400] =	vst v1  }
0x97: {  	s24 =	sshll.u32 s24, $0x6;
	[tilespmem:s25+$0xA430] =	vst v1  }
0x98: {  	s23 =	sadd.s32 $0x40, s23;
	s24 =	sadd.s32 s24, s22;
	[tilespmem:s25+$0xA420] =	vst v1  }
0x99: {  	[tilespmem:s25+$0xA410] =	vst v1;
	s22 =	sor.u32 $0x80, s24;
	s23 =	sadd.s32 $0x10, s24  }
0x9a: {  	s31 =	sadd.s32 $0x20, s24;
	[tilespmem:s22+$0xA400] =	vst v1;
	s30 =	sor.u32 $0x80, s23  }
0x9b: {  	s24 =	sadd.s32 $0x30, s24;
	s23 =	sor.u32 $0x80, s31;
	[tilespmem:s30+$0xA400] =	vst v1  }
0x9c: {  	s25 =	sor.u32 $0x80, s24;
	[tilespmem:s23+$0xA400] =	vst v1  }
0x9d: {  	[tilespmem:s25+$0xA400] =	vst v1  }
0x9e: {  	v9 =	vld [tilespmem:$0x100];
	_ =	sdelay $0x4  }
0x9f: {  	v10 =	vshll.u32 v9, $0x1  }
0xa0: {  	v10 =	vadd.s32 v0, v10  }
0xa1: {  	v9 =	vand.u32 $0x7F, v9;
	v10 =	vand.u32 $0xFFFFFF00, v10  }
0xa2: {  	v9 =	vor.u32 v9, v10;
	_ =	sdelay $0x4  }
0xa3: {  	[tilespmem:v9+s15+$0x0] =	vst.idx.msk $0xffff, v8  }
0xa4: {  	v9 =	vld [tilespmem:$0x110];
	_ =	sdelay $0x4  }
0xa5: {  	v10 =	vshll.u32 v9, $0x1  }
0xa6: {  	v10 =	vadd.s32 v7, v10  }
0xa7: {  	v9 =	vand.u32 $0x7F, v9;
	v10 =	vand.u32 $0xFFFFFF00, v10  }
0xa8: {  	v9 =	vor.u32 v9, v10;
	_ =	sdelay $0x4  }
0xa9: {  	[tilespmem:v9+s15+$0x0] =	vst.idx.msk $0xffff, v8  }
0xaa: {  	v9 =	vld [tilespmem:$0x120];
	_ =	sdelay $0x4  }
0xab: {  	v10 =	vshll.u32 v9, $0x1  }
0xac: {  	v10 =	vadd.s32 v6, v10  }
0xad: {  	v9 =	vand.u32 $0x7F, v9;
	v10 =	vand.u32 $0xFFFFFF00, v10  }
0xae: {  	v9 =	vor.u32 v9, v10;
	_ =	sdelay $0x4  }
0xaf: {  	[tilespmem:v9+s15+$0x0] =	vst.idx.msk $0xffff, v8  }
0xb0: {  	v9 =	vld [tilespmem:$0x130];
	_ =	sdelay $0x4  }
0xb1: {  	v10 =	vshll.u32 v9, $0x1  }
0xb2: {  	v10 =	vadd.s32 v5, v10  }
0xb3: {  	v9 =	vand.u32 $0x7F, v9;
	v10 =	vand.u32 $0xFFFFFF00, v10  }
0xb4: {  	v9 =	vor.u32 v9, v10;
	_ =	sdelay $0x4  }
0xb5: {  	[tilespmem:v9+s15+$0x0] =	vst.idx.msk $0xffff, v8  }
0xb6: {  	v9 =	vld [tilespmem:$0x140];
	_ =	sdelay $0x4  }
0xb7: {  	v10 =	vshll.u32 v9, $0x1  }
0xb8: {  	v10 =	vadd.s32 v4, v10  }
0xb9: {  	v9 =	vand.u32 $0x7F, v9;
	v10 =	vand.u32 $0xFFFFFF00, v10  }
0xba: {  	v9 =	vor.u32 v9, v10;
	_ =	sdelay $0x4  }
0xbb: {  	[tilespmem:v9+s15+$0x0] =	vst.idx.msk $0xffff, v8  }
0xbc: {  	v9 =	vld [tilespmem:$0x150];
	_ =	sdelay $0x4  }
0xbd: {  	v10 =	vshll.u32 v9, $0x1  }
0xbe: {  	v10 =	vadd.s32 v3, v10  }
0xbf: {  	v9 =	vand.u32 $0x7F, v9;
	v10 =	vand.u32 $0xFFFFFF00, v10  }
0xc0: {  	v9 =	vor.u32 v9, v10;
	_ =	sdelay $0x4  }
0xc1: {  	[tilespmem:v9+s15+$0x0] =	vst.idx.msk $0xffff, v8  }
0xc2: {  	v9 =	vld [tilespmem:$0x154];
	_ =	sdelay $0x4  }
0xc3: {  	v10 =	vshll.u32 v9, $0x1  }
0xc4: {  	v10 =	vadd.s32 v2, v10  }
0xc5: {  	v9 =	vand.u32 $0x7F, v9;
	v10 =	vand.u32 $0xFFFFFF00, v10  }
0xc6: {  	v9 =	vor.u32 v9, v10;
	_ =	sdelay $0x4  }
0xc7: {  	[tilespmem:v9+s15+$0x0] =	vst.idx.msk $0xffff, v8  }
0xc8: {  	v9 =	vld [tilespmem:$0x180];
	_ =	sdelay $0x4  }
0xc9: {  	v10 =	vshll.u32 v9, $0x1  }
0xca: {  	v10 =	vadd.s32 v0, v10  }
0xcb: {  	v9 =	vand.u32 $0x7F, v9;
	v10 =	vand.u32 $0xFFFFFF00, v10  }
0xcc: {  	v9 =	vor.u32 v10, v9  }
0xcd: {  	v9 =	vor.u32 $0x80, v9;
	_ =	sdelay $0x4  }
0xce: {  	[tilespmem:v9+s15+$0x0] =	vst.idx.msk $0xffff, v8  }
0xcf: {  	v9 =	vld [tilespmem:$0x190];
	_ =	sdelay $0x4  }
0xd0: {  	v10 =	vshll.u32 v9, $0x1  }
0xd1: {  	v10 =	vadd.s32 v7, v10  }
0xd2: {  	v9 =	vand.u32 $0x7F, v9;
	v10 =	vand.u32 $0xFFFFFF00, v10  }
0xd3: {  	v9 =	vor.u32 v10, v9  }
0xd4: {  	v9 =	vor.u32 $0x80, v9;
	_ =	sdelay $0x4  }
0xd5: {  	[tilespmem:v9+s15+$0x0] =	vst.idx.msk $0xffff, v8  }
0xd6: {  	v9 =	vld [tilespmem:$0x1A0];
	_ =	sdelay $0x4  }
0xd7: {  	v10 =	vshll.u32 v9, $0x1  }
0xd8: {  	v10 =	vadd.s32 v6, v10  }
0xd9: {  	v9 =	vand.u32 $0x7F, v9;
	v10 =	vand.u32 $0xFFFFFF00, v10  }
0xda: {  	v9 =	vor.u32 v10, v9  }
0xdb: {  	v9 =	vor.u32 $0x80, v9;
	_ =	sdelay $0x4  }
0xdc: {  	[tilespmem:v9+s15+$0x0] =	vst.idx.msk $0xffff, v8  }
0xdd: {  	v9 =	vld [tilespmem:$0x1B0];
	_ =	sdelay $0x4  }
0xde: {  	v10 =	vshll.u32 v9, $0x1  }
0xdf: {  	v10 =	vadd.s32 v5, v10  }
0xe0: {  	v9 =	vand.u32 $0x7F, v9;
	v10 =	vand.u32 $0xFFFFFF00, v10  }
0xe1: {  	v9 =	vor.u32 v10, v9  }
0xe2: {  	v9 =	vor.u32 $0x80, v9;
	_ =	sdelay $0x4  }
0xe3: {  	[tilespmem:v9+s15+$0x0] =	vst.idx.msk $0xffff, v8  }
0xe4: {  	v9 =	vld [tilespmem:$0x1C0];
	_ =	sdelay $0x4  }
0xe5: {  	v10 =	vshll.u32 v9, $0x1  }
0xe6: {  	v10 =	vadd.s32 v4, v10  }
0xe7: {  	v9 =	vand.u32 $0x7F, v9;
	v10 =	vand.u32 $0xFFFFFF00, v10  }
0xe8: {  	v9 =	vor.u32 v10, v9  }
0xe9: {  	v9 =	vor.u32 $0x80, v9;
	_ =	sdelay $0x4  }
0xea: {  	[tilespmem:v9+s15+$0x0] =	vst.idx.msk $0xffff, v8  }
0xeb: {  	v9 =	vld [tilespmem:$0x1D0];
	_ =	sdelay $0x4  }
0xec: {  	v10 =	vshll.u32 v9, $0x1  }
0xed: {  	v10 =	vadd.s32 v3, v10  }
0xee: {  	v9 =	vand.u32 $0x7F, v9;
	v10 =	vand.u32 $0xFFFFFF00, v10  }
0xef: {  	v9 =	vor.u32 v10, v9  }
0xf0: {  	v9 =	vor.u32 $0x80, v9;
	_ =	sdelay $0x4  }
0xf1: {  	[tilespmem:v9+s15+$0x0] =	vst.idx.msk $0xffff, v8  }
0xf2: {  	v9 =	vld [tilespmem:$0x1D4];
	_ =	sdelay $0x4  }
0xf3: {  	v10 =	vshll.u32 v9, $0x1  }
0xf4: {  	v10 =	vadd.s32 v2, v10  }
0xf5: {  	v9 =	vand.u32 $0x7F, v9;
	v10 =	vand.u32 $0xFFFFFF00, v10  }
0xf6: {  	v9 =	vor.u32 v10, v9  }
0xf7: {  	v9 =	vor.u32 $0x80, v9;
	_ =	sdelay $0x2  }
0xf8: {  	s26 =	simm.s32 $0x0  }
0xf9: {  	s28 =	sand.u32 $0x40, s26;
	s22 =	sand.u32 $0x7F00, s26  }
0xfa: {  	p0 =	por $0x0, $0x0;
	s24 =	simm.s32 $0x1;
	s22 =	sor.u32 s28, s22;
	[tilespmem:v9+s15+$0x0] =	vst.idx.msk $0xffff, v8  }
0xfb: {  	[hbm4b:s6+s13] =	stream.strided.scatter [tilespmem:s15], [sflag:$0x2], $0x6400, s14, s13, $0x38;
	[tilespmem:$0x1D000] =	vst v63  }
0xfc: {  	s24 =	simm.s32 @!p0 $0x0;
	s29 =	sadd.s32 $0x10800, s22;
	[tilespmem:s22+$0x10800] =	vst v1  }
0xfd: {  	s30 =	sshll.u32 s24, $0x6;
	[tilespmem:s29+$0x20] =	vst v1  }
0xfe: {  	p0 =	por !p0, !p0;
	s22 =	sadd.s32 $0x0, s30;
	[tilespmem:s29+$0x10] =	vst v1  }
0xff: {  	s23 =	simm.s32 $0x40;
	s31 =	sor.u32 $0x80, s22;
	s26 =	sadd.s32 $0x10, s22;
	[tilespmem:s29+$0x30] =	vst v1  }
0x100: {  	s28 =	sadd.s32 $0x20, s22;
	s22 =	sadd.s32 $0x30, s22;
	s26 =	sor.u32 $0x80, s26;
	[tilespmem:s31+$0x10800] =	vst v1  }
0x101: {  	s25 =	sor.u32 $0x80, s28;
	s24 =	sor.u32 $0x80, s22;
	s22 =	simm.s32 $0x80;
	[tilespmem:s26+$0x10800] =	vst v1  }
.LBB2_6:
0x102: {  	s26 =	sand.u32 $0x40, s23;
	[tilespmem:s25+$0x10800] =	vst v1;
	s25 =	smov.u32 s23  }
0x103: {  	s28 =	sand.u32 $0x7F00, s22;
	s29 =	sadd.s32 $0x40, s23;
	s25 =	simm.s32 $0x1  }
0x104: {  	p1 =	sne.s32 s23, $0x31C0;
	s26 =	sor.u32 s26, s28;
	[tilespmem:s24+$0x10800] =	vst v1;
	s25 =	simm.s32 @!p0 $0x0  }
0x105: {  	s24 =	sadd.s32 $0x10800, s26;
	s23 =	sshll.u32 s25, $0x6;
	[tilespmem:s26+$0x10800] =	vst v1  }
.Ltmp4:
0x106: {  	s23 =	sadd.s32 s23, s22;
	[tilespmem:s24+$0x20] =	vst v1;
	(pc) =	sbr.rel @p1 .LBB2_6-.Ltmp4, $4  }
0x107: {  	[tilespmem:s24+$0x10] =	vst v1;
	s25 =	sor.u32 $0x80, s23;
	s26 =	sadd.s32 $0x10, s23;
	s28 =	sadd.s32 $0x20, s23  }
0x108: {  	s23 =	sadd.s32 $0x30, s23;
	[tilespmem:s24+$0x30] =	vst v1;
	s24 =	sor.u32 $0x80, s26  }
0x109: {  	p0 =	por !p0, !p0;
	[tilespmem:s25+$0x10800] =	vst v1;
	s25 =	sor.u32 $0x80, s28  }
0x10a: {  	s22 =	sadd.s32 $0x80, s22;
	[tilespmem:s24+$0x10800] =	vst v1;
	s24 =	sor.u32 $0x80, s23;
	s23 =	smov.u32 s29  }
0x10b: {  	[tilespmem:s25+$0x10800] =	vst v1  }
0x10c: {  	[tilespmem:s24+$0x10800] =	vst v1  }
0x10d: {  	v9 =	vld [tilespmem:$0x200];
	_ =	sdelay $0x4  }
0x10e: {  	v10 =	vshll.u32 v9, $0x1  }
0x10f: {  	v10 =	vadd.s32 v0, v10  }
0x110: {  	v9 =	vand.u32 $0x7F, v9;
	v10 =	vand.u32 $0xFFFFFF00, v10  }
0x111: {  	v9 =	vor.u32 v9, v10;
	_ =	sdelay $0x4  }
0x112: {  	[tilespmem:v9+s16+$0x0] =	vst.idx.msk $0xffff, v8  }
0x113: {  	v9 =	vld [tilespmem:$0x210];
	_ =	sdelay $0x4  }
0x114: {  	v10 =	vshll.u32 v9, $0x1  }
0x115: {  	v10 =	vadd.s32 v7, v10  }
0x116: {  	v9 =	vand.u32 $0x7F, v9;
	v10 =	vand.u32 $0xFFFFFF00, v10  }
0x117: {  	v9 =	vor.u32 v9, v10;
	_ =	sdelay $0x4  }
0x118: {  	[tilespmem:v9+s16+$0x0] =	vst.idx.msk $0xffff, v8  }
0x119: {  	v9 =	vld [tilespmem:$0x220];
	_ =	sdelay $0x4  }
0x11a: {  	v10 =	vshll.u32 v9, $0x1  }
0x11b: {  	v10 =	vadd.s32 v6, v10  }
0x11c: {  	v9 =	vand.u32 $0x7F, v9;
	v10 =	vand.u32 $0xFFFFFF00, v10  }
0x11d: {  	v9 =	vor.u32 v9, v10;
	_ =	sdelay $0x4  }
0x11e: {  	[tilespmem:v9+s16+$0x0] =	vst.idx.msk $0xffff, v8  }
0x11f: {  	v9 =	vld [tilespmem:$0x230];
	_ =	sdelay $0x4  }
0x120: {  	v10 =	vshll.u32 v9, $0x1  }
0x121: {  	v10 =	vadd.s32 v5, v10  }
0x122: {  	v9 =	vand.u32 $0x7F, v9;
	v10 =	vand.u32 $0xFFFFFF00, v10  }
0x123: {  	v9 =	vor.u32 v9, v10;
	_ =	sdelay $0x4  }
0x124: {  	[tilespmem:v9+s16+$0x0] =	vst.idx.msk $0xffff, v8  }
0x125: {  	v9 =	vld [tilespmem:$0x240];
	_ =	sdelay $0x4  }
0x126: {  	v10 =	vshll.u32 v9, $0x1  }
0x127: {  	v10 =	vadd.s32 v4, v10  }
0x128: {  	v9 =	vand.u32 $0x7F, v9;
	v10 =	vand.u32 $0xFFFFFF00, v10  }
0x129: {  	v9 =	vor.u32 v9, v10;
	_ =	sdelay $0x4  }
0x12a: {  	[tilespmem:v9+s16+$0x0] =	vst.idx.msk $0xffff, v8  }
0x12b: {  	v9 =	vld [tilespmem:$0x250];
	_ =	sdelay $0x4  }
0x12c: {  	v10 =	vshll.u32 v9, $0x1  }
0x12d: {  	v10 =	vadd.s32 v3, v10  }
0x12e: {  	v9 =	vand.u32 $0x7F, v9;
	v10 =	vand.u32 $0xFFFFFF00, v10  }
0x12f: {  	v9 =	vor.u32 v9, v10;
	_ =	sdelay $0x4  }
0x130: {  	[tilespmem:v9+s16+$0x0] =	vst.idx.msk $0xffff, v8  }
0x131: {  	v9 =	vld [tilespmem:$0x254];
	_ =	sdelay $0x4  }
0x132: {  	v10 =	vshll.u32 v9, $0x1  }
0x133: {  	v10 =	vadd.s32 v2, v10  }
0x134: {  	v9 =	vand.u32 $0x7F, v9;
	v10 =	vand.u32 $0xFFFFFF00, v10  }
0x135: {  	v9 =	vor.u32 v9, v10;
	_ =	sdelay $0x4  }
0x136: {  	[tilespmem:v9+s16+$0x0] =	vst.idx.msk $0xffff, v8  }
0x137: {  	v9 =	vld [tilespmem:$0x280];
	_ =	sdelay $0x4  }
0x138: {  	v10 =	vshll.u32 v9, $0x1  }
0x139: {  	v10 =	vadd.s32 v0, v10  }
0x13a: {  	v9 =	vand.u32 $0x7F, v9;
	v10 =	vand.u32 $0xFFFFFF00, v10  }
0x13b: {  	v9 =	vor.u32 v10, v9  }
0x13c: {  	v9 =	vor.u32 $0x80, v9;
	_ =	sdelay $0x4  }
0x13d: {  	[tilespmem:v9+s16+$0x0] =	vst.idx.msk $0xffff, v8  }
0x13e: {  	v9 =	vld [tilespmem:$0x290];
	_ =	sdelay $0x4  }
0x13f: {  	v10 =	vshll.u32 v9, $0x1  }
0x140: {  	v10 =	vadd.s32 v7, v10  }
0x141: {  	v9 =	vand.u32 $0x7F, v9;
	v10 =	vand.u32 $0xFFFFFF00, v10  }
0x142: {  	v9 =	vor.u32 v10, v9  }
0x143: {  	v9 =	vor.u32 $0x80, v9;
	_ =	sdelay $0x4  }
0x144: {  	[tilespmem:v9+s16+$0x0] =	vst.idx.msk $0xffff, v8  }
0x145: {  	v9 =	vld [tilespmem:$0x2A0];
	_ =	sdelay $0x4  }
0x146: {  	v10 =	vshll.u32 v9, $0x1  }
0x147: {  	v10 =	vadd.s32 v6, v10  }
0x148: {  	v9 =	vand.u32 $0x7F, v9;
	v10 =	vand.u32 $0xFFFFFF00, v10  }
0x149: {  	v9 =	vor.u32 v10, v9  }
0x14a: {  	v9 =	vor.u32 $0x80, v9;
	_ =	sdelay $0x4  }
0x14b: {  	[tilespmem:v9+s16+$0x0] =	vst.idx.msk $0xffff, v8  }
0x14c: {  	v9 =	vld [tilespmem:$0x2B0];
	_ =	sdelay $0x4  }
0x14d: {  	v10 =	vshll.u32 v9, $0x1  }
0x14e: {  	v10 =	vadd.s32 v5, v10  }
0x14f: {  	v9 =	vand.u32 $0x7F, v9;
	v10 =	vand.u32 $0xFFFFFF00, v10  }
0x150: {  	v9 =	vor.u32 v10, v9  }
0x151: {  	v9 =	vor.u32 $0x80, v9;
	_ =	sdelay $0x4  }
0x152: {  	[tilespmem:v9+s16+$0x0] =	vst.idx.msk $0xffff, v8  }
0x153: {  	v9 =	vld [tilespmem:$0x2C0];
	_ =	sdelay $0x4  }
0x154: {  	v10 =	vshll.u32 v9, $0x1  }
0x155: {  	v10 =	vadd.s32 v4, v10  }
0x156: {  	v9 =	vand.u32 $0x7F, v9;
	v10 =	vand.u32 $0xFFFFFF00, v10  }
0x157: {  	v9 =	vor.u32 v10, v9  }
0x158: {  	v9 =	vor.u32 $0x80, v9;
	_ =	sdelay $0x4  }
0x159: {  	[tilespmem:v9+s16+$0x0] =	vst.idx.msk $0xffff, v8  }
0x15a: {  	v9 =	vld [tilespmem:$0x2D0];
	_ =	sdelay $0x4  }
0x15b: {  	v10 =	vshll.u32 v9, $0x1  }
0x15c: {  	v10 =	vadd.s32 v3, v10  }
0x15d: {  	v9 =	vand.u32 $0x7F, v9;
	v10 =	vand.u32 $0xFFFFFF00, v10  }
0x15e: {  	v9 =	vor.u32 v10, v9  }
0x15f: {  	v9 =	vor.u32 $0x80, v9;
	_ =	sdelay $0x4  }
0x160: {  	[tilespmem:v9+s16+$0x0] =	vst.idx.msk $0xffff, v8  }
0x161: {  	v9 =	vld [tilespmem:$0x2D4];
	_ =	sdelay $0x4  }
0x162: {  	v10 =	vshll.u32 v9, $0x1  }
0x163: {  	v10 =	vadd.s32 v2, v10  }
0x164: {  	v9 =	vand.u32 $0x7F, v9;
	v10 =	vand.u32 $0xFFFFFF00, v10  }
0x165: {  	v9 =	vor.u32 v10, v9  }
0x166: {  	v9 =	vor.u32 $0x80, v9;
	_ =	sdelay $0x2  }
0x167: {  	s22 =	simm.s32 $0x0  }
0x168: {  	s23 =	sand.u32 $0x40, s22;
	s22 =	sand.u32 $0x7F00, s22  }
0x169: {  	p0 =	por $0x0, $0x0;
	s24 =	simm.s32 $0x1;
	s22 =	sor.u32 s23, s22;
	[tilespmem:v9+s16+$0x0] =	vst.idx.msk $0xffff, v8  }
0x16a: {  	[hbm4b:s7+s13] =	stream.strided.scatter [tilespmem:s16], [sflag:$0x3], $0x6400, s14, s13, $0x38;
	[tilespmem:$0x1D000] =	vst v63  }
0x16b: {  	s24 =	simm.s32 @!p0 $0x0;
	s29 =	sadd.s32 $0x16C00, s22;
	[tilespmem:s22+$0x16C00] =	vst v1  }
0x16c: {  	s30 =	sshll.u32 s24, $0x6;
	[tilespmem:s29+$0x20] =	vst v1  }
0x16d: {  	s23 =	simm.s32 $0x40;
	s22 =	sadd.s32 $0x0, s30;
	[tilespmem:s29+$0x10] =	vst v1  }
0x16e: {  	p0 =	por !p0, !p0;
	s31 =	sor.u32 $0x80, s22;
	s26 =	sadd.s32 $0x10, s22;
	[tilespmem:s29+$0x30] =	vst v1  }
0x16f: {  	s28 =	sadd.s32 $0x20, s22;
	s22 =	sadd.s32 $0x30, s22;
	s26 =	sor.u32 $0x80, s26;
	[tilespmem:s31+$0x16C00] =	vst v1  }
0x170: {  	s25 =	sor.u32 $0x80, s28;
	s24 =	sor.u32 $0x80, s22;
	s22 =	simm.s32 $0x80;
	[tilespmem:s26+$0x16C00] =	vst v1  }
.LBB2_8:
0x171: {  	s26 =	sand.u32 $0x40, s23;
	[tilespmem:s25+$0x16C00] =	vst v1;
	s25 =	smov.u32 s23  }
0x172: {  	s28 =	sand.u32 $0x7F00, s22;
	s29 =	sadd.s32 $0x40, s23;
	s25 =	simm.s32 $0x1  }
0x173: {  	p1 =	sne.s32 s23, $0x31C0;
	s26 =	sor.u32 s26, s28;
	[tilespmem:s24+$0x16C00] =	vst v1;
	s25 =	simm.s32 @!p0 $0x0  }
0x174: {  	s24 =	sadd.s32 $0x16C00, s26;
	s23 =	sshll.u32 s25, $0x6;
	[tilespmem:s26+$0x16C00] =	vst v1  }
.Ltmp5:
0x175: {  	s23 =	sadd.s32 s23, s22;
	[tilespmem:s24+$0x20] =	vst v1;
	(pc) =	sbr.rel @p1 .LBB2_8-.Ltmp5, $4  }
0x176: {  	[tilespmem:s24+$0x10] =	vst v1;
	s25 =	sor.u32 $0x80, s23;
	s26 =	sadd.s32 $0x10, s23;
	s28 =	sadd.s32 $0x20, s23  }
0x177: {  	s23 =	sadd.s32 $0x30, s23;
	[tilespmem:s24+$0x30] =	vst v1;
	s24 =	sor.u32 $0x80, s26  }
0x178: {  	p0 =	por !p0, !p0;
	[tilespmem:s25+$0x16C00] =	vst v1;
	s25 =	sor.u32 $0x80, s28  }
0x179: {  	s22 =	sadd.s32 $0x80, s22;
	[tilespmem:s24+$0x16C00] =	vst v1;
	s24 =	sor.u32 $0x80, s23;
	s23 =	smov.u32 s29  }
0x17a: {  	[tilespmem:s25+$0x16C00] =	vst v1  }
0x17b: {  	[tilespmem:s24+$0x16C00] =	vst v1  }
0x17c: {  	v9 =	vld [tilespmem:$0x300];
	_ =	sdelay $0x4  }
0x17d: {  	v10 =	vshll.u32 v9, $0x1  }
0x17e: {  	v10 =	vadd.s32 v0, v10  }
0x17f: {  	v9 =	vand.u32 $0x7F, v9;
	v10 =	vand.u32 $0xFFFFFF00, v10  }
0x180: {  	v9 =	vor.u32 v9, v10;
	_ =	sdelay $0x4  }
0x181: {  	[tilespmem:v9+s17+$0x0] =	vst.idx.msk $0xffff, v8  }
0x182: {  	v9 =	vld [tilespmem:$0x310];
	_ =	sdelay $0x4  }
0x183: {  	v10 =	vshll.u32 v9, $0x1  }
0x184: {  	v10 =	vadd.s32 v7, v10  }
0x185: {  	v9 =	vand.u32 $0x7F, v9;
	v10 =	vand.u32 $0xFFFFFF00, v10  }
0x186: {  	v9 =	vor.u32 v9, v10;
	_ =	sdelay $0x4  }
0x187: {  	[tilespmem:v9+s17+$0x0] =	vst.idx.msk $0xffff, v8  }
0x188: {  	v9 =	vld [tilespmem:$0x320];
	_ =	sdelay $0x4  }
0x189: {  	v10 =	vshll.u32 v9, $0x1  }
0x18a: {  	v10 =	vadd.s32 v6, v10  }
0x18b: {  	v9 =	vand.u32 $0x7F, v9;
	v10 =	vand.u32 $0xFFFFFF00, v10  }
0x18c: {  	v9 =	vor.u32 v9, v10;
	_ =	sdelay $0x4  }
0x18d: {  	[tilespmem:v9+s17+$0x0] =	vst.idx.msk $0xffff, v8  }
0x18e: {  	v9 =	vld [tilespmem:$0x330];
	_ =	sdelay $0x4  }
0x18f: {  	v10 =	vshll.u32 v9, $0x1  }
0x190: {  	v10 =	vadd.s32 v5, v10  }
0x191: {  	v9 =	vand.u32 $0x7F, v9;
	v10 =	vand.u32 $0xFFFFFF00, v10  }
0x192: {  	v9 =	vor.u32 v9, v10;
	_ =	sdelay $0x4  }
0x193: {  	[tilespmem:v9+s17+$0x0] =	vst.idx.msk $0xffff, v8  }
0x194: {  	v9 =	vld [tilespmem:$0x340];
	_ =	sdelay $0x4  }
0x195: {  	v10 =	vshll.u32 v9, $0x1  }
0x196: {  	v10 =	vadd.s32 v4, v10  }
0x197: {  	v9 =	vand.u32 $0x7F, v9;
	v10 =	vand.u32 $0xFFFFFF00, v10  }
0x198: {  	v9 =	vor.u32 v9, v10;
	_ =	sdelay $0x4  }
0x199: {  	[tilespmem:v9+s17+$0x0] =	vst.idx.msk $0xffff, v8  }
0x19a: {  	v9 =	vld [tilespmem:$0x350];
	_ =	sdelay $0x4  }
0x19b: {  	v10 =	vshll.u32 v9, $0x1  }
0x19c: {  	v10 =	vadd.s32 v3, v10  }
0x19d: {  	v9 =	vand.u32 $0x7F, v9;
	v10 =	vand.u32 $0xFFFFFF00, v10  }
0x19e: {  	v9 =	vor.u32 v9, v10;
	_ =	sdelay $0x4  }
0x19f: {  	[tilespmem:v9+s17+$0x0] =	vst.idx.msk $0xffff, v8  }
0x1a0: {  	v9 =	vld [tilespmem:$0x354];
	_ =	sdelay $0x4  }
0x1a1: {  	v10 =	vshll.u32 v9, $0x1  }
0x1a2: {  	v10 =	vadd.s32 v2, v10  }
0x1a3: {  	v9 =	vand.u32 $0x7F, v9;
	v10 =	vand.u32 $0xFFFFFF00, v10  }
0x1a4: {  	v9 =	vor.u32 v9, v10;
	_ =	sdelay $0x4  }
0x1a5: {  	[tilespmem:v9+s17+$0x0] =	vst.idx.msk $0xffff, v8  }
0x1a6: {  	v9 =	vld [tilespmem:$0x380];
	_ =	sdelay $0x4  }
0x1a7: {  	v10 =	vshll.u32 v9, $0x1  }
0x1a8: {  	v10 =	vadd.s32 v0, v10  }
0x1a9: {  	v9 =	vand.u32 $0x7F, v9;
	v10 =	vand.u32 $0xFFFFFF00, v10  }
0x1aa: {  	v9 =	vor.u32 v10, v9  }
0x1ab: {  	v9 =	vor.u32 $0x80, v9;
	_ =	sdelay $0x4  }
0x1ac: {  	[tilespmem:v9+s17+$0x0] =	vst.idx.msk $0xffff, v8  }
0x1ad: {  	v9 =	vld [tilespmem:$0x390];
	_ =	sdelay $0x4  }
0x1ae: {  	v10 =	vshll.u32 v9, $0x1  }
0x1af: {  	v10 =	vadd.s32 v7, v10  }
0x1b0: {  	v9 =	vand.u32 $0x7F, v9;
	v10 =	vand.u32 $0xFFFFFF00, v10  }
0x1b1: {  	v9 =	vor.u32 v10, v9  }
0x1b2: {  	v9 =	vor.u32 $0x80, v9;
	_ =	sdelay $0x4  }
0x1b3: {  	[tilespmem:v9+s17+$0x0] =	vst.idx.msk $0xffff, v8  }
0x1b4: {  	v9 =	vld [tilespmem:$0x3A0];
	_ =	sdelay $0x4  }
0x1b5: {  	v10 =	vshll.u32 v9, $0x1  }
0x1b6: {  	v10 =	vadd.s32 v6, v10  }
0x1b7: {  	v9 =	vand.u32 $0x7F, v9;
	v10 =	vand.u32 $0xFFFFFF00, v10  }
0x1b8: {  	v9 =	vor.u32 v10, v9  }
0x1b9: {  	v9 =	vor.u32 $0x80, v9;
	_ =	sdelay $0x4  }
0x1ba: {  	[tilespmem:v9+s17+$0x0] =	vst.idx.msk $0xffff, v8  }
0x1bb: {  	v9 =	vld [tilespmem:$0x3B0];
	_ =	sdelay $0x4  }
0x1bc: {  	v10 =	vshll.u32 v9, $0x1  }
0x1bd: {  	v10 =	vadd.s32 v5, v10  }
0x1be: {  	v9 =	vand.u32 $0x7F, v9;
	v10 =	vand.u32 $0xFFFFFF00, v10  }
0x1bf: {  	v9 =	vor.u32 v10, v9  }
0x1c0: {  	v9 =	vor.u32 $0x80, v9;
	_ =	sdelay $0x4  }
0x1c1: {  	[tilespmem:v9+s17+$0x0] =	vst.idx.msk $0xffff, v8  }
0x1c2: {  	v9 =	vld [tilespmem:$0x3C0];
	_ =	sdelay $0x4  }
0x1c3: {  	v10 =	vshll.u32 v9, $0x1  }
0x1c4: {  	v10 =	vadd.s32 v4, v10  }
0x1c5: {  	v9 =	vand.u32 $0x7F, v9;
	v10 =	vand.u32 $0xFFFFFF00, v10  }
0x1c6: {  	v9 =	vor.u32 v10, v9  }
0x1c7: {  	v9 =	vor.u32 $0x80, v9;
	_ =	sdelay $0x4  }
0x1c8: {  	[tilespmem:v9+s17+$0x0] =	vst.idx.msk $0xffff, v8  }
0x1c9: {  	v9 =	vld [tilespmem:$0x3D0];
	_ =	sdelay $0x4  }
0x1ca: {  	v10 =	vshll.u32 v9, $0x1  }
0x1cb: {  	v10 =	vadd.s32 v3, v10  }
0x1cc: {  	v9 =	vand.u32 $0x7F, v9;
	v10 =	vand.u32 $0xFFFFFF00, v10  }
0x1cd: {  	v9 =	vor.u32 v10, v9  }
0x1ce: {  	v9 =	vor.u32 $0x80, v9;
	_ =	sdelay $0x4  }
0x1cf: {  	[tilespmem:v9+s17+$0x0] =	vst.idx.msk $0xffff, v8  }
0x1d0: {  	v9 =	vld [tilespmem:$0x3D4];
	_ =	sdelay $0x4  }
0x1d1: {  	v10 =	vshll.u32 v9, $0x1  }
0x1d2: {  	v10 =	vadd.s32 v2, v10  }
0x1d3: {  	v9 =	vand.u32 $0x7F, v9;
	v10 =	vand.u32 $0xFFFFFF00, v10  }
0x1d4: {  	v9 =	vor.u32 v10, v9  }
0x1d5: {  	v9 =	vor.u32 $0x80, v9;
	_ =	sdelay $0x1  }
.Ltmp6:
0x1d6: {  	_ = 	snop;
	(pc) =	sbr.rel .LBB2_10-.Ltmp6, $4  }
0x1d7: {  	_ = 	snop  }
0x1d8: {  	s22 =	simm.s32 $0x400  }
0x1d9: {  	s23 =	simm.s32 $0x4;
	s25 =	smov.u32 s10;
	s24 =	simm.s32 $0x400;
	[tilespmem:v9+s17+$0x0] =	vst.idx.msk $0xffff, v8  }
0x1da: {  	[hbm4b:s8+s13] =	stream.strided.scatter [tilespmem:s17], [sflag:$0x4], $0x6400, s22, s13, $0x38;
	[tilespmem:$0x1D000] =	vst v63  }
.LBB2_16:
0x1db: {  	_ =	swait.ge [sflag:s20], $0x6400  }
0x1dc: {  	[sflag:s20] =	ssyncset.done $0x0  }
0x1dd: {  	[sflag:s20] =	ssyncadd.s32 $0xFFFF9C00  }
0x1de: {  	v9 =	vld [tilespmem:s22+$0xFFFFFC00];
	_ =	sdelay $0x4  }
0x1df: {  	v10 =	vshll.u32 v9, $0x1  }
0x1e0: {  	v10 =	vadd.s32 v0, v10  }
0x1e1: {  	v9 =	vand.u32 $0x7F, v9;
	v10 =	vand.u32 $0xFFFFFF00, v10  }
0x1e2: {  	v9 =	vor.u32 v9, v10;
	_ =	sdelay $0x4  }
0x1e3: {  	[tilespmem:v9+s17+$0x0] =	vst.idx.msk $0xffff, v1  }
0x1e4: {  	v9 =	vld [tilespmem:s22+$0xFFFFFC10];
	_ =	sdelay $0x4  }
0x1e5: {  	v10 =	vshll.u32 v9, $0x1  }
0x1e6: {  	v10 =	vadd.s32 v7, v10  }
0x1e7: {  	v9 =	vand.u32 $0x7F, v9;
	v10 =	vand.u32 $0xFFFFFF00, v10  }
0x1e8: {  	v9 =	vor.u32 v9, v10;
	_ =	sdelay $0x4  }
0x1e9: {  	[tilespmem:v9+s17+$0x0] =	vst.idx.msk $0xffff, v1  }
0x1ea: {  	v9 =	vld [tilespmem:s22+$0xFFFFFC20];
	_ =	sdelay $0x4  }
0x1eb: {  	v10 =	vshll.u32 v9, $0x1  }
0x1ec: {  	v10 =	vadd.s32 v6, v10  }
0x1ed: {  	v9 =	vand.u32 $0x7F, v9;
	v10 =	vand.u32 $0xFFFFFF00, v10  }
0x1ee: {  	v9 =	vor.u32 v9, v10;
	_ =	sdelay $0x4  }
0x1ef: {  	[tilespmem:v9+s17+$0x0] =	vst.idx.msk $0xffff, v1  }
0x1f0: {  	v9 =	vld [tilespmem:s22+$0xFFFFFC30];
	_ =	sdelay $0x4  }
0x1f1: {  	v10 =	vshll.u32 v9, $0x1  }
0x1f2: {  	v10 =	vadd.s32 v5, v10  }
0x1f3: {  	v9 =	vand.u32 $0x7F, v9;
	v10 =	vand.u32 $0xFFFFFF00, v10  }
0x1f4: {  	v9 =	vor.u32 v9, v10;
	_ =	sdelay $0x4  }
0x1f5: {  	[tilespmem:v9+s17+$0x0] =	vst.idx.msk $0xffff, v1  }
0x1f6: {  	v9 =	vld [tilespmem:s22+$0xFFFFFC40];
	_ =	sdelay $0x4  }
0x1f7: {  	v10 =	vshll.u32 v9, $0x1  }
0x1f8: {  	v10 =	vadd.s32 v4, v10  }
0x1f9: {  	v9 =	vand.u32 $0x7F, v9;
	v10 =	vand.u32 $0xFFFFFF00, v10  }
0x1fa: {  	v9 =	vor.u32 v9, v10;
	_ =	sdelay $0x4  }
0x1fb: {  	[tilespmem:v9+s17+$0x0] =	vst.idx.msk $0xffff, v1  }
0x1fc: {  	v9 =	vld [tilespmem:s22+$0xFFFFFC50];
	_ =	sdelay $0x4  }
0x1fd: {  	v10 =	vshll.u32 v9, $0x1  }
0x1fe: {  	v10 =	vadd.s32 v3, v10  }
0x1ff: {  	v9 =	vand.u32 $0x7F, v9;
	v10 =	vand.u32 $0xFFFFFF00, v10  }
0x200: {  	v9 =	vor.u32 v9, v10;
	_ =	sdelay $0x4  }
0x201: {  	[tilespmem:v9+s17+$0x0] =	vst.idx.msk $0xffff, v1  }
0x202: {  	v9 =	vld [tilespmem:s22+$0xFFFFFC54];
	_ =	sdelay $0x4  }
0x203: {  	v10 =	vshll.u32 v9, $0x1  }
0x204: {  	v10 =	vadd.s32 v2, v10  }
0x205: {  	v9 =	vand.u32 $0x7F, v9;
	v10 =	vand.u32 $0xFFFFFF00, v10  }
0x206: {  	v9 =	vor.u32 v9, v10;
	_ =	sdelay $0x4  }
0x207: {  	[tilespmem:v9+s17+$0x0] =	vst.idx.msk $0xffff, v1  }
0x208: {  	v9 =	vld [tilespmem:s22+$0xFFFFFC80];
	_ =	sdelay $0x4  }
0x209: {  	v10 =	vshll.u32 v9, $0x1  }
0x20a: {  	v10 =	vadd.s32 v0, v10  }
0x20b: {  	v9 =	vand.u32 $0x7F, v9;
	v10 =	vand.u32 $0xFFFFFF00, v10  }
0x20c: {  	v9 =	vor.u32 v10, v9  }
0x20d: {  	v9 =	vor.u32 $0x80, v9;
	_ =	sdelay $0x4  }
0x20e: {  	[tilespmem:v9+s17+$0x0] =	vst.idx.msk $0xffff, v1  }
0x20f: {  	v9 =	vld [tilespmem:s22+$0xFFFFFC90];
	_ =	sdelay $0x4  }
0x210: {  	v10 =	vshll.u32 v9, $0x1  }
0x211: {  	v10 =	vadd.s32 v7, v10  }
0x212: {  	v9 =	vand.u32 $0x7F, v9;
	v10 =	vand.u32 $0xFFFFFF00, v10  }
0x213: {  	v9 =	vor.u32 v10, v9  }
0x214: {  	v9 =	vor.u32 $0x80, v9;
	_ =	sdelay $0x4  }
0x215: {  	[tilespmem:v9+s17+$0x0] =	vst.idx.msk $0xffff, v1  }
0x216: {  	v9 =	vld [tilespmem:s22+$0xFFFFFCA0];
	_ =	sdelay $0x4  }
0x217: {  	v10 =	vshll.u32 v9, $0x1  }
0x218: {  	v10 =	vadd.s32 v6, v10  }
0x219: {  	v9 =	vand.u32 $0x7F, v9;
	v10 =	vand.u32 $0xFFFFFF00, v10  }
0x21a: {  	v9 =	vor.u32 v10, v9  }
0x21b: {  	v9 =	vor.u32 $0x80, v9;
	_ =	sdelay $0x4  }
0x21c: {  	[tilespmem:v9+s17+$0x0] =	vst.idx.msk $0xffff, v1  }
0x21d: {  	v9 =	vld [tilespmem:s22+$0xFFFFFCB0];
	_ =	sdelay $0x4  }
0x21e: {  	v10 =	vshll.u32 v9, $0x1  }
0x21f: {  	v10 =	vadd.s32 v5, v10  }
0x220: {  	v9 =	vand.u32 $0x7F, v9;
	v10 =	vand.u32 $0xFFFFFF00, v10  }
0x221: {  	v9 =	vor.u32 v10, v9  }
0x222: {  	v9 =	vor.u32 $0x80, v9;
	_ =	sdelay $0x4  }
0x223: {  	[tilespmem:v9+s17+$0x0] =	vst.idx.msk $0xffff, v1  }
0x224: {  	v9 =	vld [tilespmem:s22+$0xFFFFFCC0];
	_ =	sdelay $0x4  }
0x225: {  	v10 =	vshll.u32 v9, $0x1  }
0x226: {  	v10 =	vadd.s32 v4, v10  }
0x227: {  	v9 =	vand.u32 $0x7F, v9;
	v10 =	vand.u32 $0xFFFFFF00, v10  }
0x228: {  	v9 =	vor.u32 v10, v9  }
0x229: {  	v9 =	vor.u32 $0x80, v9;
	_ =	sdelay $0x4  }
0x22a: {  	[tilespmem:v9+s17+$0x0] =	vst.idx.msk $0xffff, v1  }
0x22b: {  	v9 =	vld [tilespmem:s22+$0xFFFFFCD0];
	_ =	sdelay $0x4  }
0x22c: {  	v10 =	vshll.u32 v9, $0x1  }
0x22d: {  	v10 =	vadd.s32 v3, v10  }
0x22e: {  	v9 =	vand.u32 $0x7F, v9;
	v10 =	vand.u32 $0xFFFFFF00, v10  }
0x22f: {  	v9 =	vor.u32 v10, v9  }
0x230: {  	v9 =	vor.u32 $0x80, v9;
	_ =	sdelay $0x4  }
0x231: {  	[tilespmem:v9+s17+$0x0] =	vst.idx.msk $0xffff, v1  }
0x232: {  	v9 =	vld [tilespmem:s22+$0xFFFFFCD4];
	_ =	sdelay $0x4  }
0x233: {  	v10 =	vshll.u32 v9, $0x1  }
0x234: {  	v10 =	vadd.s32 v2, v10  }
0x235: {  	v9 =	vand.u32 $0x7F, v9;
	v10 =	vand.u32 $0xFFFFFF00, v10  }
0x236: {  	v9 =	vor.u32 v10, v9  }
0x237: {  	v9 =	vor.u32 $0x80, v9;
	_ =	sdelay $0x4  }
0x238: {  	[tilespmem:v9+s17+$0x0] =	vst.idx.msk $0xffff, v1  }
0x239: {  	v9 =	vld [tilespmem:s22+$0x0];
	_ =	sdelay $0x4  }
0x23a: {  	v10 =	vshll.u32 v9, $0x1  }
0x23b: {  	v10 =	vadd.s32 v0, v10  }
0x23c: {  	v9 =	vand.u32 $0x7F, v9;
	v10 =	vand.u32 $0xFFFFFF00, v10  }
0x23d: {  	v9 =	vor.u32 v9, v10;
	_ =	sdelay $0x4  }
0x23e: {  	[tilespmem:v9+s17+$0x0] =	vst.idx.msk $0xffff, v8  }
0x23f: {  	v9 =	vld [tilespmem:s22+$0x10];
	_ =	sdelay $0x4  }
0x240: {  	v10 =	vshll.u32 v9, $0x1  }
0x241: {  	v10 =	vadd.s32 v7, v10  }
0x242: {  	v9 =	vand.u32 $0x7F, v9;
	v10 =	vand.u32 $0xFFFFFF00, v10  }
0x243: {  	v9 =	vor.u32 v9, v10;
	_ =	sdelay $0x4  }
0x244: {  	[tilespmem:v9+s17+$0x0] =	vst.idx.msk $0xffff, v8  }
0x245: {  	v9 =	vld [tilespmem:s22+$0x20];
	_ =	sdelay $0x4  }
0x246: {  	v10 =	vshll.u32 v9, $0x1  }
0x247: {  	v10 =	vadd.s32 v6, v10  }
0x248: {  	v9 =	vand.u32 $0x7F, v9;
	v10 =	vand.u32 $0xFFFFFF00, v10  }
0x249: {  	v9 =	vor.u32 v9, v10;
	_ =	sdelay $0x4  }
0x24a: {  	[tilespmem:v9+s17+$0x0] =	vst.idx.msk $0xffff, v8  }
0x24b: {  	v9 =	vld [tilespmem:s22+$0x30];
	_ =	sdelay $0x4  }
0x24c: {  	v10 =	vshll.u32 v9, $0x1  }
0x24d: {  	v10 =	vadd.s32 v5, v10  }
0x24e: {  	v9 =	vand.u32 $0x7F, v9;
	v10 =	vand.u32 $0xFFFFFF00, v10  }
0x24f: {  	v9 =	vor.u32 v9, v10;
	_ =	sdelay $0x4  }
0x250: {  	[tilespmem:v9+s17+$0x0] =	vst.idx.msk $0xffff, v8  }
0x251: {  	v9 =	vld [tilespmem:s22+$0x40];
	_ =	sdelay $0x4  }
0x252: {  	v10 =	vshll.u32 v9, $0x1  }
0x253: {  	v10 =	vadd.s32 v4, v10  }
0x254: {  	v9 =	vand.u32 $0x7F, v9;
	v10 =	vand.u32 $0xFFFFFF00, v10  }
0x255: {  	v9 =	vor.u32 v9, v10;
	_ =	sdelay $0x4  }
0x256: {  	[tilespmem:v9+s17+$0x0] =	vst.idx.msk $0xffff, v8  }
0x257: {  	v9 =	vld [tilespmem:s22+$0x50];
	_ =	sdelay $0x4  }
0x258: {  	v10 =	vshll.u32 v9, $0x1  }
0x259: {  	v10 =	vadd.s32 v3, v10  }
0x25a: {  	v9 =	vand.u32 $0x7F, v9;
	v10 =	vand.u32 $0xFFFFFF00, v10  }
0x25b: {  	v9 =	vor.u32 v9, v10;
	_ =	sdelay $0x4  }
0x25c: {  	[tilespmem:v9+s17+$0x0] =	vst.idx.msk $0xffff, v8  }
0x25d: {  	v9 =	vld [tilespmem:s22+$0x54];
	_ =	sdelay $0x4  }
0x25e: {  	v10 =	vshll.u32 v9, $0x1  }
0x25f: {  	v10 =	vadd.s32 v2, v10  }
0x260: {  	v9 =	vand.u32 $0x7F, v9;
	v10 =	vand.u32 $0xFFFFFF00, v10  }
0x261: {  	v9 =	vor.u32 v9, v10;
	_ =	sdelay $0x4  }
0x262: {  	[tilespmem:v9+s17+$0x0] =	vst.idx.msk $0xffff, v8  }
0x263: {  	v9 =	vld [tilespmem:s22+$0x80];
	_ =	sdelay $0x4  }
0x264: {  	v10 =	vshll.u32 v9, $0x1  }
0x265: {  	v10 =	vadd.s32 v0, v10  }
0x266: {  	v9 =	vand.u32 $0x7F, v9;
	v10 =	vand.u32 $0xFFFFFF00, v10  }
0x267: {  	v9 =	vor.u32 v10, v9  }
0x268: {  	v9 =	vor.u32 $0x80, v9;
	_ =	sdelay $0x4  }
0x269: {  	[tilespmem:v9+s17+$0x0] =	vst.idx.msk $0xffff, v8  }
0x26a: {  	v9 =	vld [tilespmem:s22+$0x90];
	_ =	sdelay $0x4  }
0x26b: {  	v10 =	vshll.u32 v9, $0x1  }
0x26c: {  	v10 =	vadd.s32 v7, v10  }
0x26d: {  	v9 =	vand.u32 $0x7F, v9;
	v10 =	vand.u32 $0xFFFFFF00, v10  }
0x26e: {  	v9 =	vor.u32 v10, v9  }
0x26f: {  	v9 =	vor.u32 $0x80, v9;
	_ =	sdelay $0x4  }
0x270: {  	[tilespmem:v9+s17+$0x0] =	vst.idx.msk $0xffff, v8  }
0x271: {  	v9 =	vld [tilespmem:s22+$0xA0];
	_ =	sdelay $0x4  }
0x272: {  	v10 =	vshll.u32 v9, $0x1  }
0x273: {  	v10 =	vadd.s32 v6, v10  }
0x274: {  	v9 =	vand.u32 $0x7F, v9;
	v10 =	vand.u32 $0xFFFFFF00, v10  }
0x275: {  	v9 =	vor.u32 v10, v9  }
0x276: {  	v9 =	vor.u32 $0x80, v9;
	_ =	sdelay $0x4  }
0x277: {  	[tilespmem:v9+s17+$0x0] =	vst.idx.msk $0xffff, v8  }
0x278: {  	v9 =	vld [tilespmem:s22+$0xB0];
	_ =	sdelay $0x4  }
0x279: {  	v10 =	vshll.u32 v9, $0x1  }
0x27a: {  	v10 =	vadd.s32 v5, v10  }
0x27b: {  	v9 =	vand.u32 $0x7F, v9;
	v10 =	vand.u32 $0xFFFFFF00, v10  }
0x27c: {  	v9 =	vor.u32 v10, v9  }
0x27d: {  	v9 =	vor.u32 $0x80, v9;
	_ =	sdelay $0x4  }
0x27e: {  	[tilespmem:v9+s17+$0x0] =	vst.idx.msk $0xffff, v8  }
0x27f: {  	v9 =	vld [tilespmem:s22+$0xC0];
	_ =	sdelay $0x4  }
0x280: {  	v10 =	vshll.u32 v9, $0x1  }
0x281: {  	v10 =	vadd.s32 v4, v10  }
0x282: {  	v9 =	vand.u32 $0x7F, v9;
	v10 =	vand.u32 $0xFFFFFF00, v10  }
0x283: {  	v9 =	vor.u32 v10, v9  }
0x284: {  	v9 =	vor.u32 $0x80, v9;
	_ =	sdelay $0x4  }
0x285: {  	[tilespmem:v9+s17+$0x0] =	vst.idx.msk $0xffff, v8  }
0x286: {  	v9 =	vld [tilespmem:s22+$0xD0];
	_ =	sdelay $0x4  }
0x287: {  	v10 =	vshll.u32 v9, $0x1  }
0x288: {  	v10 =	vadd.s32 v3, v10  }
0x289: {  	v9 =	vand.u32 $0x7F, v9;
	v10 =	vand.u32 $0xFFFFFF00, v10  }
0x28a: {  	v9 =	vor.u32 v10, v9  }
0x28b: {  	v9 =	vor.u32 $0x80, v9;
	_ =	sdelay $0x4  }
0x28c: {  	[tilespmem:v9+s17+$0x0] =	vst.idx.msk $0xffff, v8  }
0x28d: {  	v9 =	vld [tilespmem:s22+$0xD4];
	_ =	sdelay $0x4  }
0x28e: {  	v10 =	vshll.u32 v9, $0x1  }
0x28f: {  	v10 =	vadd.s32 v2, v10  }
0x290: {  	v9 =	vand.u32 $0x7F, v9;
	v10 =	vand.u32 $0xFFFFFF00, v10  }
0x291: {  	v9 =	vor.u32 v10, v9  }
0x292: {  	s26 =	sshrl.u32 s25, $0x3;
	v9 =	vor.u32 $0x80, v9  }
0x293: {  	s26 =	smul.u32 $0x19000, s26  }
0x294: {  	s28 =	sand.u32 $0x300, s24  }
0x295: {  	s26 =	sor.u32 s28, s26  }
0x296: {  	s26 =	sshrl.u32 s26, $0x3  }
0x297: {  	s26 =	sadd.s32 s2, s26;
	[tilespmem:v9+s17+$0x0] =	vst.idx.msk $0xffff, v8  }
0x298: {  	[hbm4b:s26+s13] =	stream.strided.scatter [tilespmem:s17], [sflag:$0x4], $0x6400, s14, s13, $0x38;
	[tilespmem:$0x1D000] =	vst v63  }
.LBB2_17:
0x299: {  	s23 =	sadd.s32 $0x1, s23  }
0x29a: {  	p0 =	sne.s32 s23, $0x40  }
.Ltmp7:
0x29b: {  	_ = 	snop;
	(pc) =	sbr.rel @!p0 .LBB2_18-.Ltmp7, $2  }
0x29c: {  	_ =	sdelay $0x2  }
0x29d: {  	s25 =	sadd.s32 $0x2, s25;
	s24 =	sadd.s32 $0x100, s24;
	s22 =	sadd.s32 $0x100, s22  }
.LBB2_10:
0x29e: {  	s26 =	sand.u32 $0x3, s23  }
0x29f: {  	p0 =	sgt.s32 s26, $0x1  }
.Ltmp8:
0x2a0: {  	_ = 	snop;
	(pc) =	sbr.rel @p0 .LBB2_15-.Ltmp8, $1  }
0x2a1: {  	_ =	sdelay $0x3  }
0x2a2: {  	p0 =	seq.s32 s26, $0x0  }
.Ltmp9:
0x2a3: {  	_ = 	snop;
	(pc) =	sbr.rel @!p0 .LBB2_13-.Ltmp9, $1  }
0x2a4: {  	_ =	sdelay $0x3  }
0x2a5: {  	_ =	swait.ge [sflag:s11], $0x6400  }
0x2a6: {  	[sflag:s11] =	ssyncset.done $0x0  }
0x2a7: {  	[sflag:s11] =	ssyncadd.s32 $0xFFFF9C00  }
0x2a8: {  	v9 =	vld [tilespmem:s22+$0xFFFFFC00];
	_ =	sdelay $0x4  }
0x2a9: {  	v10 =	vshll.u32 v9, $0x1  }
0x2aa: {  	v10 =	vadd.s32 v0, v10  }
0x2ab: {  	v9 =	vand.u32 $0x7F, v9;
	v10 =	vand.u32 $0xFFFFFF00, v10  }
0x2ac: {  	v9 =	vor.u32 v9, v10;
	_ =	sdelay $0x4  }
0x2ad: {  	[tilespmem:v9+s12+$0x0] =	vst.idx.msk $0xffff, v1  }
0x2ae: {  	v9 =	vld [tilespmem:s22+$0xFFFFFC10];
	_ =	sdelay $0x4  }
0x2af: {  	v10 =	vshll.u32 v9, $0x1  }
0x2b0: {  	v10 =	vadd.s32 v7, v10  }
0x2b1: {  	v9 =	vand.u32 $0x7F, v9;
	v10 =	vand.u32 $0xFFFFFF00, v10  }
0x2b2: {  	v9 =	vor.u32 v9, v10;
	_ =	sdelay $0x4  }
0x2b3: {  	[tilespmem:v9+s12+$0x0] =	vst.idx.msk $0xffff, v1  }
0x2b4: {  	v9 =	vld [tilespmem:s22+$0xFFFFFC20];
	_ =	sdelay $0x4  }
0x2b5: {  	v10 =	vshll.u32 v9, $0x1  }
0x2b6: {  	v10 =	vadd.s32 v6, v10  }
0x2b7: {  	v9 =	vand.u32 $0x7F, v9;
	v10 =	vand.u32 $0xFFFFFF00, v10  }
0x2b8: {  	v9 =	vor.u32 v9, v10;
	_ =	sdelay $0x4  }
0x2b9: {  	[tilespmem:v9+s12+$0x0] =	vst.idx.msk $0xffff, v1  }
0x2ba: {  	v9 =	vld [tilespmem:s22+$0xFFFFFC30];
	_ =	sdelay $0x4  }
0x2bb: {  	v10 =	vshll.u32 v9, $0x1  }
0x2bc: {  	v10 =	vadd.s32 v5, v10  }
0x2bd: {  	v9 =	vand.u32 $0x7F, v9;
	v10 =	vand.u32 $0xFFFFFF00, v10  }
0x2be: {  	v9 =	vor.u32 v9, v10;
	_ =	sdelay $0x4  }
0x2bf: {  	[tilespmem:v9+s12+$0x0] =	vst.idx.msk $0xffff, v1  }
0x2c0: {  	v9 =	vld [tilespmem:s22+$0xFFFFFC40];
	_ =	sdelay $0x4  }
0x2c1: {  	v10 =	vshll.u32 v9, $0x1  }
0x2c2: {  	v10 =	vadd.s32 v4, v10  }
0x2c3: {  	v9 =	vand.u32 $0x7F, v9;
	v10 =	vand.u32 $0xFFFFFF00, v10  }
0x2c4: {  	v9 =	vor.u32 v9, v10;
	_ =	sdelay $0x4  }
0x2c5: {  	[tilespmem:v9+s12+$0x0] =	vst.idx.msk $0xffff, v1  }
0x2c6: {  	v9 =	vld [tilespmem:s22+$0xFFFFFC50];
	_ =	sdelay $0x4  }
0x2c7: {  	v10 =	vshll.u32 v9, $0x1  }
0x2c8: {  	v10 =	vadd.s32 v3, v10  }
0x2c9: {  	v9 =	vand.u32 $0x7F, v9;
	v10 =	vand.u32 $0xFFFFFF00, v10  }
0x2ca: {  	v9 =	vor.u32 v9, v10;
	_ =	sdelay $0x4  }
0x2cb: {  	[tilespmem:v9+s12+$0x0] =	vst.idx.msk $0xffff, v1  }
0x2cc: {  	v9 =	vld [tilespmem:s22+$0xFFFFFC54];
	_ =	sdelay $0x4  }
0x2cd: {  	v10 =	vshll.u32 v9, $0x1  }
0x2ce: {  	v10 =	vadd.s32 v2, v10  }
0x2cf: {  	v9 =	vand.u32 $0x7F, v9;
	v10 =	vand.u32 $0xFFFFFF00, v10  }
0x2d0: {  	v9 =	vor.u32 v9, v10;
	_ =	sdelay $0x4  }
0x2d1: {  	[tilespmem:v9+s12+$0x0] =	vst.idx.msk $0xffff, v1  }
0x2d2: {  	v9 =	vld [tilespmem:s22+$0xFFFFFC80];
	_ =	sdelay $0x4  }
0x2d3: {  	v10 =	vshll.u32 v9, $0x1  }
0x2d4: {  	v10 =	vadd.s32 v0, v10  }
0x2d5: {  	v9 =	vand.u32 $0x7F, v9;
	v10 =	vand.u32 $0xFFFFFF00, v10  }
0x2d6: {  	v9 =	vor.u32 v10, v9  }
0x2d7: {  	v9 =	vor.u32 $0x80, v9;
	_ =	sdelay $0x4  }
0x2d8: {  	[tilespmem:v9+s12+$0x0] =	vst.idx.msk $0xffff, v1  }
0x2d9: {  	v9 =	vld [tilespmem:s22+$0xFFFFFC90];
	_ =	sdelay $0x4  }
0x2da: {  	v10 =	vshll.u32 v9, $0x1  }
0x2db: {  	v10 =	vadd.s32 v7, v10  }
0x2dc: {  	v9 =	vand.u32 $0x7F, v9;
	v10 =	vand.u32 $0xFFFFFF00, v10  }
0x2dd: {  	v9 =	vor.u32 v10, v9  }
0x2de: {  	v9 =	vor.u32 $0x80, v9;
	_ =	sdelay $0x4  }
0x2df: {  	[tilespmem:v9+s12+$0x0] =	vst.idx.msk $0xffff, v1  }
0x2e0: {  	v9 =	vld [tilespmem:s22+$0xFFFFFCA0];
	_ =	sdelay $0x4  }
0x2e1: {  	v10 =	vshll.u32 v9, $0x1  }
0x2e2: {  	v10 =	vadd.s32 v6, v10  }
0x2e3: {  	v9 =	vand.u32 $0x7F, v9;
	v10 =	vand.u32 $0xFFFFFF00, v10  }
0x2e4: {  	v9 =	vor.u32 v10, v9  }
0x2e5: {  	v9 =	vor.u32 $0x80, v9;
	_ =	sdelay $0x4  }
0x2e6: {  	[tilespmem:v9+s12+$0x0] =	vst.idx.msk $0xffff, v1  }
0x2e7: {  	v9 =	vld [tilespmem:s22+$0xFFFFFCB0];
	_ =	sdelay $0x4  }
0x2e8: {  	v10 =	vshll.u32 v9, $0x1  }
0x2e9: {  	v10 =	vadd.s32 v5, v10  }
0x2ea: {  	v9 =	vand.u32 $0x7F, v9;
	v10 =	vand.u32 $0xFFFFFF00, v10  }
0x2eb: {  	v9 =	vor.u32 v10, v9  }
0x2ec: {  	v9 =	vor.u32 $0x80, v9;
	_ =	sdelay $0x4  }
0x2ed: {  	[tilespmem:v9+s12+$0x0] =	vst.idx.msk $0xffff, v1  }
0x2ee: {  	v9 =	vld [tilespmem:s22+$0xFFFFFCC0];
	_ =	sdelay $0x4  }
0x2ef: {  	v10 =	vshll.u32 v9, $0x1  }
0x2f0: {  	v10 =	vadd.s32 v4, v10  }
0x2f1: {  	v9 =	vand.u32 $0x7F, v9;
	v10 =	vand.u32 $0xFFFFFF00, v10  }
0x2f2: {  	v9 =	vor.u32 v10, v9  }
0x2f3: {  	v9 =	vor.u32 $0x80, v9;
	_ =	sdelay $0x4  }
0x2f4: {  	[tilespmem:v9+s12+$0x0] =	vst.idx.msk $0xffff, v1  }
0x2f5: {  	v9 =	vld [tilespmem:s22+$0xFFFFFCD0];
	_ =	sdelay $0x4  }
0x2f6: {  	v10 =	vshll.u32 v9, $0x1  }
0x2f7: {  	v10 =	vadd.s32 v3, v10  }
0x2f8: {  	v9 =	vand.u32 $0x7F, v9;
	v10 =	vand.u32 $0xFFFFFF00, v10  }
0x2f9: {  	v9 =	vor.u32 v10, v9  }
0x2fa: {  	v9 =	vor.u32 $0x80, v9;
	_ =	sdelay $0x4  }
0x2fb: {  	[tilespmem:v9+s12+$0x0] =	vst.idx.msk $0xffff, v1  }
0x2fc: {  	v9 =	vld [tilespmem:s22+$0xFFFFFCD4];
	_ =	sdelay $0x4  }
0x2fd: {  	v10 =	vshll.u32 v9, $0x1  }
0x2fe: {  	v10 =	vadd.s32 v2, v10  }
0x2ff: {  	v9 =	vand.u32 $0x7F, v9;
	v10 =	vand.u32 $0xFFFFFF00, v10  }
0x300: {  	v9 =	vor.u32 v10, v9  }
0x301: {  	v9 =	vor.u32 $0x80, v9;
	_ =	sdelay $0x4  }
0x302: {  	[tilespmem:v9+s12+$0x0] =	vst.idx.msk $0xffff, v1  }
0x303: {  	v9 =	vld [tilespmem:s22+$0x0];
	_ =	sdelay $0x4  }
0x304: {  	v10 =	vshll.u32 v9, $0x1  }
0x305: {  	v10 =	vadd.s32 v0, v10  }
0x306: {  	v9 =	vand.u32 $0x7F, v9;
	v10 =	vand.u32 $0xFFFFFF00, v10  }
0x307: {  	v9 =	vor.u32 v9, v10;
	_ =	sdelay $0x4  }
0x308: {  	[tilespmem:v9+s12+$0x0] =	vst.idx.msk $0xffff, v8  }
0x309: {  	v9 =	vld [tilespmem:s22+$0x10];
	_ =	sdelay $0x4  }
0x30a: {  	v10 =	vshll.u32 v9, $0x1  }
0x30b: {  	v10 =	vadd.s32 v7, v10  }
0x30c: {  	v9 =	vand.u32 $0x7F, v9;
	v10 =	vand.u32 $0xFFFFFF00, v10  }
0x30d: {  	v9 =	vor.u32 v9, v10;
	_ =	sdelay $0x4  }
0x30e: {  	[tilespmem:v9+s12+$0x0] =	vst.idx.msk $0xffff, v8  }
0x30f: {  	v9 =	vld [tilespmem:s22+$0x20];
	_ =	sdelay $0x4  }
0x310: {  	v10 =	vshll.u32 v9, $0x1  }
0x311: {  	v10 =	vadd.s32 v6, v10  }
0x312: {  	v9 =	vand.u32 $0x7F, v9;
	v10 =	vand.u32 $0xFFFFFF00, v10  }
0x313: {  	v9 =	vor.u32 v9, v10;
	_ =	sdelay $0x4  }
0x314: {  	[tilespmem:v9+s12+$0x0] =	vst.idx.msk $0xffff, v8  }
0x315: {  	v9 =	vld [tilespmem:s22+$0x30];
	_ =	sdelay $0x4  }
0x316: {  	v10 =	vshll.u32 v9, $0x1  }
0x317: {  	v10 =	vadd.s32 v5, v10  }
0x318: {  	v9 =	vand.u32 $0x7F, v9;
	v10 =	vand.u32 $0xFFFFFF00, v10  }
0x319: {  	v9 =	vor.u32 v9, v10;
	_ =	sdelay $0x4  }
0x31a: {  	[tilespmem:v9+s12+$0x0] =	vst.idx.msk $0xffff, v8  }
0x31b: {  	v9 =	vld [tilespmem:s22+$0x40];
	_ =	sdelay $0x4  }
0x31c: {  	v10 =	vshll.u32 v9, $0x1  }
0x31d: {  	v10 =	vadd.s32 v4, v10  }
0x31e: {  	v9 =	vand.u32 $0x7F, v9;
	v10 =	vand.u32 $0xFFFFFF00, v10  }
0x31f: {  	v9 =	vor.u32 v9, v10;
	_ =	sdelay $0x4  }
0x320: {  	[tilespmem:v9+s12+$0x0] =	vst.idx.msk $0xffff, v8  }
0x321: {  	v9 =	vld [tilespmem:s22+$0x50];
	_ =	sdelay $0x4  }
0x322: {  	v10 =	vshll.u32 v9, $0x1  }
0x323: {  	v10 =	vadd.s32 v3, v10  }
0x324: {  	v9 =	vand.u32 $0x7F, v9;
	v10 =	vand.u32 $0xFFFFFF00, v10  }
0x325: {  	v9 =	vor.u32 v9, v10;
	_ =	sdelay $0x4  }
0x326: {  	[tilespmem:v9+s12+$0x0] =	vst.idx.msk $0xffff, v8  }
0x327: {  	v9 =	vld [tilespmem:s22+$0x54];
	_ =	sdelay $0x4  }
0x328: {  	v10 =	vshll.u32 v9, $0x1  }
0x329: {  	v10 =	vadd.s32 v2, v10  }
0x32a: {  	v9 =	vand.u32 $0x7F, v9;
	v10 =	vand.u32 $0xFFFFFF00, v10  }
0x32b: {  	v9 =	vor.u32 v9, v10;
	_ =	sdelay $0x4  }
0x32c: {  	[tilespmem:v9+s12+$0x0] =	vst.idx.msk $0xffff, v8  }
0x32d: {  	v9 =	vld [tilespmem:s22+$0x80];
	_ =	sdelay $0x4  }
0x32e: {  	v10 =	vshll.u32 v9, $0x1  }
0x32f: {  	v10 =	vadd.s32 v0, v10  }
0x330: {  	v9 =	vand.u32 $0x7F, v9;
	v10 =	vand.u32 $0xFFFFFF00, v10  }
0x331: {  	v9 =	vor.u32 v10, v9  }
0x332: {  	v9 =	vor.u32 $0x80, v9;
	_ =	sdelay $0x4  }
0x333: {  	[tilespmem:v9+s12+$0x0] =	vst.idx.msk $0xffff, v8  }
0x334: {  	v9 =	vld [tilespmem:s22+$0x90];
	_ =	sdelay $0x4  }
0x335: {  	v10 =	vshll.u32 v9, $0x1  }
0x336: {  	v10 =	vadd.s32 v7, v10  }
0x337: {  	v9 =	vand.u32 $0x7F, v9;
	v10 =	vand.u32 $0xFFFFFF00, v10  }
0x338: {  	v9 =	vor.u32 v10, v9  }
0x339: {  	v9 =	vor.u32 $0x80, v9;
	_ =	sdelay $0x4  }
0x33a: {  	[tilespmem:v9+s12+$0x0] =	vst.idx.msk $0xffff, v8  }
0x33b: {  	v9 =	vld [tilespmem:s22+$0xA0];
	_ =	sdelay $0x4  }
0x33c: {  	v10 =	vshll.u32 v9, $0x1  }
0x33d: {  	v10 =	vadd.s32 v6, v10  }
0x33e: {  	v9 =	vand.u32 $0x7F, v9;
	v10 =	vand.u32 $0xFFFFFF00, v10  }
0x33f: {  	v9 =	vor.u32 v10, v9  }
0x340: {  	v9 =	vor.u32 $0x80, v9;
	_ =	sdelay $0x4  }
0x341: {  	[tilespmem:v9+s12+$0x0] =	vst.idx.msk $0xffff, v8  }
0x342: {  	v9 =	vld [tilespmem:s22+$0xB0];
	_ =	sdelay $0x4  }
0x343: {  	v10 =	vshll.u32 v9, $0x1  }
0x344: {  	v10 =	vadd.s32 v5, v10  }
0x345: {  	v9 =	vand.u32 $0x7F, v9;
	v10 =	vand.u32 $0xFFFFFF00, v10  }
0x346: {  	v9 =	vor.u32 v10, v9  }
0x347: {  	v9 =	vor.u32 $0x80, v9;
	_ =	sdelay $0x4  }
0x348: {  	[tilespmem:v9+s12+$0x0] =	vst.idx.msk $0xffff, v8  }
0x349: {  	v9 =	vld [tilespmem:s22+$0xC0];
	_ =	sdelay $0x4  }
0x34a: {  	v10 =	vshll.u32 v9, $0x1  }
0x34b: {  	v10 =	vadd.s32 v4, v10  }
0x34c: {  	v9 =	vand.u32 $0x7F, v9;
	v10 =	vand.u32 $0xFFFFFF00, v10  }
0x34d: {  	v9 =	vor.u32 v10, v9  }
0x34e: {  	v9 =	vor.u32 $0x80, v9;
	_ =	sdelay $0x4  }
0x34f: {  	[tilespmem:v9+s12+$0x0] =	vst.idx.msk $0xffff, v8  }
0x350: {  	v9 =	vld [tilespmem:s22+$0xD0];
	_ =	sdelay $0x4  }
0x351: {  	v10 =	vshll.u32 v9, $0x1  }
0x352: {  	v10 =	vadd.s32 v3, v10  }
0x353: {  	v9 =	vand.u32 $0x7F, v9;
	v10 =	vand.u32 $0xFFFFFF00, v10  }
0x354: {  	v9 =	vor.u32 v10, v9  }
0x355: {  	v9 =	vor.u32 $0x80, v9;
	_ =	sdelay $0x4  }
0x356: {  	[tilespmem:v9+s12+$0x0] =	vst.idx.msk $0xffff, v8  }
0x357: {  	v9 =	vld [tilespmem:s22+$0xD4];
	_ =	sdelay $0x4  }
0x358: {  	v10 =	vshll.u32 v9, $0x1  }
0x359: {  	v10 =	vadd.s32 v2, v10  }
0x35a: {  	v9 =	vand.u32 $0x7F, v9;
	v10 =	vand.u32 $0xFFFFFF00, v10  }
0x35b: {  	v9 =	vor.u32 v10, v9  }
0x35c: {  	s26 =	sshrl.u32 s25, $0x3;
	v9 =	vor.u32 $0x80, v9  }
0x35d: {  	s26 =	smul.u32 $0x19000, s26  }
.Ltmp10:
0x35e: {  	s28 =	sand.u32 $0x300, s24;
	(pc) =	sbr.rel .LBB2_17-.Ltmp10, $4  }
0x35f: {  	s26 =	sor.u32 s28, s26  }
0x360: {  	s26 =	sshrl.u32 s26, $0x3  }
0x361: {  	s26 =	sadd.s32 s2, s26;
	[tilespmem:v9+s12+$0x0] =	vst.idx.msk $0xffff, v8  }
0x362: {  	[hbm4b:s26+s13] =	stream.strided.scatter [tilespmem:s12], [sflag:$0x1], $0x6400, s14, s13, $0x38;
	[tilespmem:$0x1D000] =	vst v63  }
.LBB2_15:
0x363: {  	p0 =	seq.s32 s26, $0x2  }
.Ltmp11:
0x364: {  	_ = 	snop;
	(pc) =	sbr.rel @!p0 .LBB2_16-.Ltmp11, $1  }
0x365: {  	_ =	sdelay $0x3  }
0x366: {  	_ =	swait.ge [sflag:s19], $0x6400  }
0x367: {  	[sflag:s19] =	ssyncset.done $0x0  }
0x368: {  	[sflag:s19] =	ssyncadd.s32 $0xFFFF9C00  }
0x369: {  	v9 =	vld [tilespmem:s22+$0xFFFFFC00];
	_ =	sdelay $0x4  }
0x36a: {  	v10 =	vshll.u32 v9, $0x1  }
0x36b: {  	v10 =	vadd.s32 v0, v10  }
0x36c: {  	v9 =	vand.u32 $0x7F, v9;
	v10 =	vand.u32 $0xFFFFFF00, v10  }
0x36d: {  	v9 =	vor.u32 v9, v10;
	_ =	sdelay $0x4  }
0x36e: {  	[tilespmem:v9+s16+$0x0] =	vst.idx.msk $0xffff, v1  }
0x36f: {  	v9 =	vld [tilespmem:s22+$0xFFFFFC10];
	_ =	sdelay $0x4  }
0x370: {  	v10 =	vshll.u32 v9, $0x1  }
0x371: {  	v10 =	vadd.s32 v7, v10  }
0x372: {  	v9 =	vand.u32 $0x7F, v9;
	v10 =	vand.u32 $0xFFFFFF00, v10  }
0x373: {  	v9 =	vor.u32 v9, v10;
	_ =	sdelay $0x4  }
0x374: {  	[tilespmem:v9+s16+$0x0] =	vst.idx.msk $0xffff, v1  }
0x375: {  	v9 =	vld [tilespmem:s22+$0xFFFFFC20];
	_ =	sdelay $0x4  }
0x376: {  	v10 =	vshll.u32 v9, $0x1  }
0x377: {  	v10 =	vadd.s32 v6, v10  }
0x378: {  	v9 =	vand.u32 $0x7F, v9;
	v10 =	vand.u32 $0xFFFFFF00, v10  }
0x379: {  	v9 =	vor.u32 v9, v10;
	_ =	sdelay $0x4  }
0x37a: {  	[tilespmem:v9+s16+$0x0] =	vst.idx.msk $0xffff, v1  }
0x37b: {  	v9 =	vld [tilespmem:s22+$0xFFFFFC30];
	_ =	sdelay $0x4  }
0x37c: {  	v10 =	vshll.u32 v9, $0x1  }
0x37d: {  	v10 =	vadd.s32 v5, v10  }
0x37e: {  	v9 =	vand.u32 $0x7F, v9;
	v10 =	vand.u32 $0xFFFFFF00, v10  }
0x37f: {  	v9 =	vor.u32 v9, v10;
	_ =	sdelay $0x4  }
0x380: {  	[tilespmem:v9+s16+$0x0] =	vst.idx.msk $0xffff, v1  }
0x381: {  	v9 =	vld [tilespmem:s22+$0xFFFFFC40];
	_ =	sdelay $0x4  }
0x382: {  	v10 =	vshll.u32 v9, $0x1  }
0x383: {  	v10 =	vadd.s32 v4, v10  }
0x384: {  	v9 =	vand.u32 $0x7F, v9;
	v10 =	vand.u32 $0xFFFFFF00, v10  }
0x385: {  	v9 =	vor.u32 v9, v10;
	_ =	sdelay $0x4  }
0x386: {  	[tilespmem:v9+s16+$0x0] =	vst.idx.msk $0xffff, v1  }
0x387: {  	v9 =	vld [tilespmem:s22+$0xFFFFFC50];
	_ =	sdelay $0x4  }
0x388: {  	v10 =	vshll.u32 v9, $0x1  }
0x389: {  	v10 =	vadd.s32 v3, v10  }
0x38a: {  	v9 =	vand.u32 $0x7F, v9;
	v10 =	vand.u32 $0xFFFFFF00, v10  }
0x38b: {  	v9 =	vor.u32 v9, v10;
	_ =	sdelay $0x4  }
0x38c: {  	[tilespmem:v9+s16+$0x0] =	vst.idx.msk $0xffff, v1  }
0x38d: {  	v9 =	vld [tilespmem:s22+$0xFFFFFC54];
	_ =	sdelay $0x4  }
0x38e: {  	v10 =	vshll.u32 v9, $0x1  }
0x38f: {  	v10 =	vadd.s32 v2, v10  }
0x390: {  	v9 =	vand.u32 $0x7F, v9;
	v10 =	vand.u32 $0xFFFFFF00, v10  }
0x391: {  	v9 =	vor.u32 v9, v10;
	_ =	sdelay $0x4  }
0x392: {  	[tilespmem:v9+s16+$0x0] =	vst.idx.msk $0xffff, v1  }
0x393: {  	v9 =	vld [tilespmem:s22+$0xFFFFFC80];
	_ =	sdelay $0x4  }
0x394: {  	v10 =	vshll.u32 v9, $0x1  }
0x395: {  	v10 =	vadd.s32 v0, v10  }
0x396: {  	v9 =	vand.u32 $0x7F, v9;
	v10 =	vand.u32 $0xFFFFFF00, v10  }
0x397: {  	v9 =	vor.u32 v10, v9  }
0x398: {  	v9 =	vor.u32 $0x80, v9;
	_ =	sdelay $0x4  }
0x399: {  	[tilespmem:v9+s16+$0x0] =	vst.idx.msk $0xffff, v1  }
0x39a: {  	v9 =	vld [tilespmem:s22+$0xFFFFFC90];
	_ =	sdelay $0x4  }
0x39b: {  	v10 =	vshll.u32 v9, $0x1  }
0x39c: {  	v10 =	vadd.s32 v7, v10  }
0x39d: {  	v9 =	vand.u32 $0x7F, v9;
	v10 =	vand.u32 $0xFFFFFF00, v10  }
0x39e: {  	v9 =	vor.u32 v10, v9  }
0x39f: {  	v9 =	vor.u32 $0x80, v9;
	_ =	sdelay $0x4  }
0x3a0: {  	[tilespmem:v9+s16+$0x0] =	vst.idx.msk $0xffff, v1  }
0x3a1: {  	v9 =	vld [tilespmem:s22+$0xFFFFFCA0];
	_ =	sdelay $0x4  }
0x3a2: {  	v10 =	vshll.u32 v9, $0x1  }
0x3a3: {  	v10 =	vadd.s32 v6, v10  }
0x3a4: {  	v9 =	vand.u32 $0x7F, v9;
	v10 =	vand.u32 $0xFFFFFF00, v10  }
0x3a5: {  	v9 =	vor.u32 v10, v9  }
0x3a6: {  	v9 =	vor.u32 $0x80, v9;
	_ =	sdelay $0x4  }
0x3a7: {  	[tilespmem:v9+s16+$0x0] =	vst.idx.msk $0xffff, v1  }
0x3a8: {  	v9 =	vld [tilespmem:s22+$0xFFFFFCB0];
	_ =	sdelay $0x4  }
0x3a9: {  	v10 =	vshll.u32 v9, $0x1  }
0x3aa: {  	v10 =	vadd.s32 v5, v10  }
0x3ab: {  	v9 =	vand.u32 $0x7F, v9;
	v10 =	vand.u32 $0xFFFFFF00, v10  }
0x3ac: {  	v9 =	vor.u32 v10, v9  }
0x3ad: {  	v9 =	vor.u32 $0x80, v9;
	_ =	sdelay $0x4  }
0x3ae: {  	[tilespmem:v9+s16+$0x0] =	vst.idx.msk $0xffff, v1  }
0x3af: {  	v9 =	vld [tilespmem:s22+$0xFFFFFCC0];
	_ =	sdelay $0x4  }
0x3b0: {  	v10 =	vshll.u32 v9, $0x1  }
0x3b1: {  	v10 =	vadd.s32 v4, v10  }
0x3b2: {  	v9 =	vand.u32 $0x7F, v9;
	v10 =	vand.u32 $0xFFFFFF00, v10  }
0x3b3: {  	v9 =	vor.u32 v10, v9  }
0x3b4: {  	v9 =	vor.u32 $0x80, v9;
	_ =	sdelay $0x4  }
0x3b5: {  	[tilespmem:v9+s16+$0x0] =	vst.idx.msk $0xffff, v1  }
0x3b6: {  	v9 =	vld [tilespmem:s22+$0xFFFFFCD0];
	_ =	sdelay $0x4  }
0x3b7: {  	v10 =	vshll.u32 v9, $0x1  }
0x3b8: {  	v10 =	vadd.s32 v3, v10  }
0x3b9: {  	v9 =	vand.u32 $0x7F, v9;
	v10 =	vand.u32 $0xFFFFFF00, v10  }
0x3ba: {  	v9 =	vor.u32 v10, v9  }
0x3bb: {  	v9 =	vor.u32 $0x80, v9;
	_ =	sdelay $0x4  }
0x3bc: {  	[tilespmem:v9+s16+$0x0] =	vst.idx.msk $0xffff, v1  }
0x3bd: {  	v9 =	vld [tilespmem:s22+$0xFFFFFCD4];
	_ =	sdelay $0x4  }
0x3be: {  	v10 =	vshll.u32 v9, $0x1  }
0x3bf: {  	v10 =	vadd.s32 v2, v10  }
0x3c0: {  	v9 =	vand.u32 $0x7F, v9;
	v10 =	vand.u32 $0xFFFFFF00, v10  }
0x3c1: {  	v9 =	vor.u32 v10, v9  }
0x3c2: {  	v9 =	vor.u32 $0x80, v9;
	_ =	sdelay $0x4  }
0x3c3: {  	[tilespmem:v9+s16+$0x0] =	vst.idx.msk $0xffff, v1  }
0x3c4: {  	v9 =	vld [tilespmem:s22+$0x0];
	_ =	sdelay $0x4  }
0x3c5: {  	v10 =	vshll.u32 v9, $0x1  }
0x3c6: {  	v10 =	vadd.s32 v0, v10  }
0x3c7: {  	v9 =	vand.u32 $0x7F, v9;
	v10 =	vand.u32 $0xFFFFFF00, v10  }
0x3c8: {  	v9 =	vor.u32 v9, v10;
	_ =	sdelay $0x4  }
0x3c9: {  	[tilespmem:v9+s16+$0x0] =	vst.idx.msk $0xffff, v8  }
0x3ca: {  	v9 =	vld [tilespmem:s22+$0x10];
	_ =	sdelay $0x4  }
0x3cb: {  	v10 =	vshll.u32 v9, $0x1  }
0x3cc: {  	v10 =	vadd.s32 v7, v10  }
0x3cd: {  	v9 =	vand.u32 $0x7F, v9;
	v10 =	vand.u32 $0xFFFFFF00, v10  }
0x3ce: {  	v9 =	vor.u32 v9, v10;
	_ =	sdelay $0x4  }
0x3cf: {  	[tilespmem:v9+s16+$0x0] =	vst.idx.msk $0xffff, v8  }
0x3d0: {  	v9 =	vld [tilespmem:s22+$0x20];
	_ =	sdelay $0x4  }
0x3d1: {  	v10 =	vshll.u32 v9, $0x1  }
0x3d2: {  	v10 =	vadd.s32 v6, v10  }
0x3d3: {  	v9 =	vand.u32 $0x7F, v9;
	v10 =	vand.u32 $0xFFFFFF00, v10  }
0x3d4: {  	v9 =	vor.u32 v9, v10;
	_ =	sdelay $0x4  }
0x3d5: {  	[tilespmem:v9+s16+$0x0] =	vst.idx.msk $0xffff, v8  }
0x3d6: {  	v9 =	vld [tilespmem:s22+$0x30];
	_ =	sdelay $0x4  }
0x3d7: {  	v10 =	vshll.u32 v9, $0x1  }
0x3d8: {  	v10 =	vadd.s32 v5, v10  }
0x3d9: {  	v9 =	vand.u32 $0x7F, v9;
	v10 =	vand.u32 $0xFFFFFF00, v10  }
0x3da: {  	v9 =	vor.u32 v9, v10;
	_ =	sdelay $0x4  }
0x3db: {  	[tilespmem:v9+s16+$0x0] =	vst.idx.msk $0xffff, v8  }
0x3dc: {  	v9 =	vld [tilespmem:s22+$0x40];
	_ =	sdelay $0x4  }
0x3dd: {  	v10 =	vshll.u32 v9, $0x1  }
0x3de: {  	v10 =	vadd.s32 v4, v10  }
0x3df: {  	v9 =	vand.u32 $0x7F, v9;
	v10 =	vand.u32 $0xFFFFFF00, v10  }
0x3e0: {  	v9 =	vor.u32 v9, v10;
	_ =	sdelay $0x4  }
0x3e1: {  	[tilespmem:v9+s16+$0x0] =	vst.idx.msk $0xffff, v8  }
0x3e2: {  	v9 =	vld [tilespmem:s22+$0x50];
	_ =	sdelay $0x4  }
0x3e3: {  	v10 =	vshll.u32 v9, $0x1  }
0x3e4: {  	v10 =	vadd.s32 v3, v10  }
0x3e5: {  	v9 =	vand.u32 $0x7F, v9;
	v10 =	vand.u32 $0xFFFFFF00, v10  }
0x3e6: {  	v9 =	vor.u32 v9, v10;
	_ =	sdelay $0x4  }
0x3e7: {  	[tilespmem:v9+s16+$0x0] =	vst.idx.msk $0xffff, v8  }
0x3e8: {  	v9 =	vld [tilespmem:s22+$0x54];
	_ =	sdelay $0x4  }
0x3e9: {  	v10 =	vshll.u32 v9, $0x1  }
0x3ea: {  	v10 =	vadd.s32 v2, v10  }
0x3eb: {  	v9 =	vand.u32 $0x7F, v9;
	v10 =	vand.u32 $0xFFFFFF00, v10  }
0x3ec: {  	v9 =	vor.u32 v9, v10;
	_ =	sdelay $0x4  }
0x3ed: {  	[tilespmem:v9+s16+$0x0] =	vst.idx.msk $0xffff, v8  }
0x3ee: {  	v9 =	vld [tilespmem:s22+$0x80];
	_ =	sdelay $0x4  }
0x3ef: {  	v10 =	vshll.u32 v9, $0x1  }
0x3f0: {  	v10 =	vadd.s32 v0, v10  }
0x3f1: {  	v9 =	vand.u32 $0x7F, v9;
	v10 =	vand.u32 $0xFFFFFF00, v10  }
0x3f2: {  	v9 =	vor.u32 v10, v9  }
0x3f3: {  	v9 =	vor.u32 $0x80, v9;
	_ =	sdelay $0x4  }
0x3f4: {  	[tilespmem:v9+s16+$0x0] =	vst.idx.msk $0xffff, v8  }
0x3f5: {  	v9 =	vld [tilespmem:s22+$0x90];
	_ =	sdelay $0x4  }
0x3f6: {  	v10 =	vshll.u32 v9, $0x1  }
0x3f7: {  	v10 =	vadd.s32 v7, v10  }
0x3f8: {  	v9 =	vand.u32 $0x7F, v9;
	v10 =	vand.u32 $0xFFFFFF00, v10  }
0x3f9: {  	v9 =	vor.u32 v10, v9  }
0x3fa: {  	v9 =	vor.u32 $0x80, v9;
	_ =	sdelay $0x4  }
0x3fb: {  	[tilespmem:v9+s16+$0x0] =	vst.idx.msk $0xffff, v8  }
0x3fc: {  	v9 =	vld [tilespmem:s22+$0xA0];
	_ =	sdelay $0x4  }
0x3fd: {  	v10 =	vshll.u32 v9, $0x1  }
0x3fe: {  	v10 =	vadd.s32 v6, v10  }
0x3ff: {  	v9 =	vand.u32 $0x7F, v9;
	v10 =	vand.u32 $0xFFFFFF00, v10  }
0x400: {  	v9 =	vor.u32 v10, v9  }
0x401: {  	v9 =	vor.u32 $0x80, v9;
	_ =	sdelay $0x4  }
0x402: {  	[tilespmem:v9+s16+$0x0] =	vst.idx.msk $0xffff, v8  }
0x403: {  	v9 =	vld [tilespmem:s22+$0xB0];
	_ =	sdelay $0x4  }
0x404: {  	v10 =	vshll.u32 v9, $0x1  }
0x405: {  	v10 =	vadd.s32 v5, v10  }
0x406: {  	v9 =	vand.u32 $0x7F, v9;
	v10 =	vand.u32 $0xFFFFFF00, v10  }
0x407: {  	v9 =	vor.u32 v10, v9  }
0x408: {  	v9 =	vor.u32 $0x80, v9;
	_ =	sdelay $0x4  }
0x409: {  	[tilespmem:v9+s16+$0x0] =	vst.idx.msk $0xffff, v8  }
0x40a: {  	v9 =	vld [tilespmem:s22+$0xC0];
	_ =	sdelay $0x4  }
0x40b: {  	v10 =	vshll.u32 v9, $0x1  }
0x40c: {  	v10 =	vadd.s32 v4, v10  }
0x40d: {  	v9 =	vand.u32 $0x7F, v9;
	v10 =	vand.u32 $0xFFFFFF00, v10  }
0x40e: {  	v9 =	vor.u32 v10, v9  }
0x40f: {  	v9 =	vor.u32 $0x80, v9;
	_ =	sdelay $0x4  }
0x410: {  	[tilespmem:v9+s16+$0x0] =	vst.idx.msk $0xffff, v8  }
0x411: {  	v9 =	vld [tilespmem:s22+$0xD0];
	_ =	sdelay $0x4  }
0x412: {  	v10 =	vshll.u32 v9, $0x1  }
0x413: {  	v10 =	vadd.s32 v3, v10  }
0x414: {  	v9 =	vand.u32 $0x7F, v9;
	v10 =	vand.u32 $0xFFFFFF00, v10  }
0x415: {  	v9 =	vor.u32 v10, v9  }
0x416: {  	v9 =	vor.u32 $0x80, v9;
	_ =	sdelay $0x4  }
0x417: {  	[tilespmem:v9+s16+$0x0] =	vst.idx.msk $0xffff, v8  }
0x418: {  	v9 =	vld [tilespmem:s22+$0xD4];
	_ =	sdelay $0x4  }
0x419: {  	v10 =	vshll.u32 v9, $0x1  }
0x41a: {  	v10 =	vadd.s32 v2, v10  }
0x41b: {  	v9 =	vand.u32 $0x7F, v9;
	v10 =	vand.u32 $0xFFFFFF00, v10  }
0x41c: {  	v9 =	vor.u32 v10, v9  }
0x41d: {  	s26 =	sshrl.u32 s25, $0x3;
	v9 =	vor.u32 $0x80, v9  }
0x41e: {  	s26 =	smul.u32 $0x19000, s26  }
.Ltmp12:
0x41f: {  	s28 =	sand.u32 $0x300, s24;
	(pc) =	sbr.rel .LBB2_17-.Ltmp12, $4  }
0x420: {  	s26 =	sor.u32 s28, s26  }
0x421: {  	s26 =	sshrl.u32 s26, $0x3  }
0x422: {  	s26 =	sadd.s32 s2, s26;
	[tilespmem:v9+s16+$0x0] =	vst.idx.msk $0xffff, v8  }
0x423: {  	[hbm4b:s26+s13] =	stream.strided.scatter [tilespmem:s16], [sflag:$0x3], $0x6400, s14, s13, $0x38;
	[tilespmem:$0x1D000] =	vst v63  }
.LBB2_13:
0x424: {  	_ =	swait.ge [sflag:s18], $0x6400  }
0x425: {  	[sflag:s18] =	ssyncset.done $0x0  }
0x426: {  	[sflag:s18] =	ssyncadd.s32 $0xFFFF9C00  }
0x427: {  	v9 =	vld [tilespmem:s22+$0xFFFFFC00];
	_ =	sdelay $0x4  }
0x428: {  	v10 =	vshll.u32 v9, $0x1  }
0x429: {  	v10 =	vadd.s32 v0, v10  }
0x42a: {  	v9 =	vand.u32 $0x7F, v9;
	v10 =	vand.u32 $0xFFFFFF00, v10  }
0x42b: {  	v9 =	vor.u32 v9, v10;
	_ =	sdelay $0x4  }
0x42c: {  	[tilespmem:v9+s15+$0x0] =	vst.idx.msk $0xffff, v1  }
0x42d: {  	v9 =	vld [tilespmem:s22+$0xFFFFFC10];
	_ =	sdelay $0x4  }
0x42e: {  	v10 =	vshll.u32 v9, $0x1  }
0x42f: {  	v10 =	vadd.s32 v7, v10  }
0x430: {  	v9 =	vand.u32 $0x7F, v9;
	v10 =	vand.u32 $0xFFFFFF00, v10  }
0x431: {  	v9 =	vor.u32 v9, v10;
	_ =	sdelay $0x4  }
0x432: {  	[tilespmem:v9+s15+$0x0] =	vst.idx.msk $0xffff, v1  }
0x433: {  	v9 =	vld [tilespmem:s22+$0xFFFFFC20];
	_ =	sdelay $0x4  }
0x434: {  	v10 =	vshll.u32 v9, $0x1  }
0x435: {  	v10 =	vadd.s32 v6, v10  }
0x436: {  	v9 =	vand.u32 $0x7F, v9;
	v10 =	vand.u32 $0xFFFFFF00, v10  }
0x437: {  	v9 =	vor.u32 v9, v10;
	_ =	sdelay $0x4  }
0x438: {  	[tilespmem:v9+s15+$0x0] =	vst.idx.msk $0xffff, v1  }
0x439: {  	v9 =	vld [tilespmem:s22+$0xFFFFFC30];
	_ =	sdelay $0x4  }
0x43a: {  	v10 =	vshll.u32 v9, $0x1  }
0x43b: {  	v10 =	vadd.s32 v5, v10  }
0x43c: {  	v9 =	vand.u32 $0x7F, v9;
	v10 =	vand.u32 $0xFFFFFF00, v10  }
0x43d: {  	v9 =	vor.u32 v9, v10;
	_ =	sdelay $0x4  }
0x43e: {  	[tilespmem:v9+s15+$0x0] =	vst.idx.msk $0xffff, v1  }
0x43f: {  	v9 =	vld [tilespmem:s22+$0xFFFFFC40];
	_ =	sdelay $0x4  }
0x440: {  	v10 =	vshll.u32 v9, $0x1  }
0x441: {  	v10 =	vadd.s32 v4, v10  }
0x442: {  	v9 =	vand.u32 $0x7F, v9;
	v10 =	vand.u32 $0xFFFFFF00, v10  }
0x443: {  	v9 =	vor.u32 v9, v10;
	_ =	sdelay $0x4  }
0x444: {  	[tilespmem:v9+s15+$0x0] =	vst.idx.msk $0xffff, v1  }
0x445: {  	v9 =	vld [tilespmem:s22+$0xFFFFFC50];
	_ =	sdelay $0x4  }
0x446: {  	v10 =	vshll.u32 v9, $0x1  }
0x447: {  	v10 =	vadd.s32 v3, v10  }
0x448: {  	v9 =	vand.u32 $0x7F, v9;
	v10 =	vand.u32 $0xFFFFFF00, v10  }
0x449: {  	v9 =	vor.u32 v9, v10;
	_ =	sdelay $0x4  }
0x44a: {  	[tilespmem:v9+s15+$0x0] =	vst.idx.msk $0xffff, v1  }
0x44b: {  	v9 =	vld [tilespmem:s22+$0xFFFFFC54];
	_ =	sdelay $0x4  }
0x44c: {  	v10 =	vshll.u32 v9, $0x1  }
0x44d: {  	v10 =	vadd.s32 v2, v10  }
0x44e: {  	v9 =	vand.u32 $0x7F, v9;
	v10 =	vand.u32 $0xFFFFFF00, v10  }
0x44f: {  	v9 =	vor.u32 v9, v10;
	_ =	sdelay $0x4  }
0x450: {  	[tilespmem:v9+s15+$0x0] =	vst.idx.msk $0xffff, v1  }
0x451: {  	v9 =	vld [tilespmem:s22+$0xFFFFFC80];
	_ =	sdelay $0x4  }
0x452: {  	v10 =	vshll.u32 v9, $0x1  }
0x453: {  	v10 =	vadd.s32 v0, v10  }
0x454: {  	v9 =	vand.u32 $0x7F, v9;
	v10 =	vand.u32 $0xFFFFFF00, v10  }
0x455: {  	v9 =	vor.u32 v10, v9  }
0x456: {  	v9 =	vor.u32 $0x80, v9;
	_ =	sdelay $0x4  }
0x457: {  	[tilespmem:v9+s15+$0x0] =	vst.idx.msk $0xffff, v1  }
0x458: {  	v9 =	vld [tilespmem:s22+$0xFFFFFC90];
	_ =	sdelay $0x4  }
0x459: {  	v10 =	vshll.u32 v9, $0x1  }
0x45a: {  	v10 =	vadd.s32 v7, v10  }
0x45b: {  	v9 =	vand.u32 $0x7F, v9;
	v10 =	vand.u32 $0xFFFFFF00, v10  }
0x45c: {  	v9 =	vor.u32 v10, v9  }
0x45d: {  	v9 =	vor.u32 $0x80, v9;
	_ =	sdelay $0x4  }
0x45e: {  	[tilespmem:v9+s15+$0x0] =	vst.idx.msk $0xffff, v1  }
0x45f: {  	v9 =	vld [tilespmem:s22+$0xFFFFFCA0];
	_ =	sdelay $0x4  }
0x460: {  	v10 =	vshll.u32 v9, $0x1  }
0x461: {  	v10 =	vadd.s32 v6, v10  }
0x462: {  	v9 =	vand.u32 $0x7F, v9;
	v10 =	vand.u32 $0xFFFFFF00, v10  }
0x463: {  	v9 =	vor.u32 v10, v9  }
0x464: {  	v9 =	vor.u32 $0x80, v9;
	_ =	sdelay $0x4  }
0x465: {  	[tilespmem:v9+s15+$0x0] =	vst.idx.msk $0xffff, v1  }
0x466: {  	v9 =	vld [tilespmem:s22+$0xFFFFFCB0];
	_ =	sdelay $0x4  }
0x467: {  	v10 =	vshll.u32 v9, $0x1  }
0x468: {  	v10 =	vadd.s32 v5, v10  }
0x469: {  	v9 =	vand.u32 $0x7F, v9;
	v10 =	vand.u32 $0xFFFFFF00, v10  }
0x46a: {  	v9 =	vor.u32 v10, v9  }
0x46b: {  	v9 =	vor.u32 $0x80, v9;
	_ =	sdelay $0x4  }
0x46c: {  	[tilespmem:v9+s15+$0x0] =	vst.idx.msk $0xffff, v1  }
0x46d: {  	v9 =	vld [tilespmem:s22+$0xFFFFFCC0];
	_ =	sdelay $0x4  }
0x46e: {  	v10 =	vshll.u32 v9, $0x1  }
0x46f: {  	v10 =	vadd.s32 v4, v10  }
0x470: {  	v9 =	vand.u32 $0x7F, v9;
	v10 =	vand.u32 $0xFFFFFF00, v10  }
0x471: {  	v9 =	vor.u32 v10, v9  }
0x472: {  	v9 =	vor.u32 $0x80, v9;
	_ =	sdelay $0x4  }
0x473: {  	[tilespmem:v9+s15+$0x0] =	vst.idx.msk $0xffff, v1  }
0x474: {  	v9 =	vld [tilespmem:s22+$0xFFFFFCD0];
	_ =	sdelay $0x4  }
0x475: {  	v10 =	vshll.u32 v9, $0x1  }
0x476: {  	v10 =	vadd.s32 v3, v10  }
0x477: {  	v9 =	vand.u32 $0x7F, v9;
	v10 =	vand.u32 $0xFFFFFF00, v10  }
0x478: {  	v9 =	vor.u32 v10, v9  }
0x479: {  	v9 =	vor.u32 $0x80, v9;
	_ =	sdelay $0x4  }
0x47a: {  	[tilespmem:v9+s15+$0x0] =	vst.idx.msk $0xffff, v1  }
0x47b: {  	v9 =	vld [tilespmem:s22+$0xFFFFFCD4];
	_ =	sdelay $0x4  }
0x47c: {  	v10 =	vshll.u32 v9, $0x1  }
0x47d: {  	v10 =	vadd.s32 v2, v10  }
0x47e: {  	v9 =	vand.u32 $0x7F, v9;
	v10 =	vand.u32 $0xFFFFFF00, v10  }
0x47f: {  	v9 =	vor.u32 v10, v9  }
0x480: {  	v9 =	vor.u32 $0x80, v9;
	_ =	sdelay $0x4  }
0x481: {  	[tilespmem:v9+s15+$0x0] =	vst.idx.msk $0xffff, v1  }
0x482: {  	v9 =	vld [tilespmem:s22+$0x0];
	_ =	sdelay $0x4  }
0x483: {  	v10 =	vshll.u32 v9, $0x1  }
0x484: {  	v10 =	vadd.s32 v0, v10  }
0x485: {  	v9 =	vand.u32 $0x7F, v9;
	v10 =	vand.u32 $0xFFFFFF00, v10  }
0x486: {  	v9 =	vor.u32 v9, v10;
	_ =	sdelay $0x4  }
0x487: {  	[tilespmem:v9+s15+$0x0] =	vst.idx.msk $0xffff, v8  }
0x488: {  	v9 =	vld [tilespmem:s22+$0x10];
	_ =	sdelay $0x4  }
0x489: {  	v10 =	vshll.u32 v9, $0x1  }
0x48a: {  	v10 =	vadd.s32 v7, v10  }
0x48b: {  	v9 =	vand.u32 $0x7F, v9;
	v10 =	vand.u32 $0xFFFFFF00, v10  }
0x48c: {  	v9 =	vor.u32 v9, v10;
	_ =	sdelay $0x4  }
0x48d: {  	[tilespmem:v9+s15+$0x0] =	vst.idx.msk $0xffff, v8  }
0x48e: {  	v9 =	vld [tilespmem:s22+$0x20];
	_ =	sdelay $0x4  }
0x48f: {  	v10 =	vshll.u32 v9, $0x1  }
0x490: {  	v10 =	vadd.s32 v6, v10  }
0x491: {  	v9 =	vand.u32 $0x7F, v9;
	v10 =	vand.u32 $0xFFFFFF00, v10  }
0x492: {  	v9 =	vor.u32 v9, v10;
	_ =	sdelay $0x4  }
0x493: {  	[tilespmem:v9+s15+$0x0] =	vst.idx.msk $0xffff, v8  }
0x494: {  	v9 =	vld [tilespmem:s22+$0x30];
	_ =	sdelay $0x4  }
0x495: {  	v10 =	vshll.u32 v9, $0x1  }
0x496: {  	v10 =	vadd.s32 v5, v10  }
0x497: {  	v9 =	vand.u32 $0x7F, v9;
	v10 =	vand.u32 $0xFFFFFF00, v10  }
0x498: {  	v9 =	vor.u32 v9, v10;
	_ =	sdelay $0x4  }
0x499: {  	[tilespmem:v9+s15+$0x0] =	vst.idx.msk $0xffff, v8  }
0x49a: {  	v9 =	vld [tilespmem:s22+$0x40];
	_ =	sdelay $0x4  }
0x49b: {  	v10 =	vshll.u32 v9, $0x1  }
0x49c: {  	v10 =	vadd.s32 v4, v10  }
0x49d: {  	v9 =	vand.u32 $0x7F, v9;
	v10 =	vand.u32 $0xFFFFFF00, v10  }
0x49e: {  	v9 =	vor.u32 v9, v10;
	_ =	sdelay $0x4  }
0x49f: {  	[tilespmem:v9+s15+$0x0] =	vst.idx.msk $0xffff, v8  }
0x4a0: {  	v9 =	vld [tilespmem:s22+$0x50];
	_ =	sdelay $0x4  }
0x4a1: {  	v10 =	vshll.u32 v9, $0x1  }
0x4a2: {  	v10 =	vadd.s32 v3, v10  }
0x4a3: {  	v9 =	vand.u32 $0x7F, v9;
	v10 =	vand.u32 $0xFFFFFF00, v10  }
0x4a4: {  	v9 =	vor.u32 v9, v10;
	_ =	sdelay $0x4  }
0x4a5: {  	[tilespmem:v9+s15+$0x0] =	vst.idx.msk $0xffff, v8  }
0x4a6: {  	v9 =	vld [tilespmem:s22+$0x54];
	_ =	sdelay $0x4  }
0x4a7: {  	v10 =	vshll.u32 v9, $0x1  }
0x4a8: {  	v10 =	vadd.s32 v2, v10  }
0x4a9: {  	v9 =	vand.u32 $0x7F, v9;
	v10 =	vand.u32 $0xFFFFFF00, v10  }
0x4aa: {  	v9 =	vor.u32 v9, v10;
	_ =	sdelay $0x4  }
0x4ab: {  	[tilespmem:v9+s15+$0x0] =	vst.idx.msk $0xffff, v8  }
0x4ac: {  	v9 =	vld [tilespmem:s22+$0x80];
	_ =	sdelay $0x4  }
0x4ad: {  	v10 =	vshll.u32 v9, $0x1  }
0x4ae: {  	v10 =	vadd.s32 v0, v10  }
0x4af: {  	v9 =	vand.u32 $0x7F, v9;
	v10 =	vand.u32 $0xFFFFFF00, v10  }
0x4b0: {  	v9 =	vor.u32 v10, v9  }
0x4b1: {  	v9 =	vor.u32 $0x80, v9;
	_ =	sdelay $0x4  }
0x4b2: {  	[tilespmem:v9+s15+$0x0] =	vst.idx.msk $0xffff, v8  }
0x4b3: {  	v9 =	vld [tilespmem:s22+$0x90];
	_ =	sdelay $0x4  }
0x4b4: {  	v10 =	vshll.u32 v9, $0x1  }
0x4b5: {  	v10 =	vadd.s32 v7, v10  }
0x4b6: {  	v9 =	vand.u32 $0x7F, v9;
	v10 =	vand.u32 $0xFFFFFF00, v10  }
0x4b7: {  	v9 =	vor.u32 v10, v9  }
0x4b8: {  	v9 =	vor.u32 $0x80, v9;
	_ =	sdelay $0x4  }
0x4b9: {  	[tilespmem:v9+s15+$0x0] =	vst.idx.msk $0xffff, v8  }
0x4ba: {  	v9 =	vld [tilespmem:s22+$0xA0];
	_ =	sdelay $0x4  }
0x4bb: {  	v10 =	vshll.u32 v9, $0x1  }
0x4bc: {  	v10 =	vadd.s32 v6, v10  }
0x4bd: {  	v9 =	vand.u32 $0x7F, v9;
	v10 =	vand.u32 $0xFFFFFF00, v10  }
0x4be: {  	v9 =	vor.u32 v10, v9  }
0x4bf: {  	v9 =	vor.u32 $0x80, v9;
	_ =	sdelay $0x4  }
0x4c0: {  	[tilespmem:v9+s15+$0x0] =	vst.idx.msk $0xffff, v8  }
0x4c1: {  	v9 =	vld [tilespmem:s22+$0xB0];
	_ =	sdelay $0x4  }
0x4c2: {  	v10 =	vshll.u32 v9, $0x1  }
0x4c3: {  	v10 =	vadd.s32 v5, v10  }
0x4c4: {  	v9 =	vand.u32 $0x7F, v9;
	v10 =	vand.u32 $0xFFFFFF00, v10  }
0x4c5: {  	v9 =	vor.u32 v10, v9  }
0x4c6: {  	v9 =	vor.u32 $0x80, v9;
	_ =	sdelay $0x4  }
0x4c7: {  	[tilespmem:v9+s15+$0x0] =	vst.idx.msk $0xffff, v8  }
0x4c8: {  	v9 =	vld [tilespmem:s22+$0xC0];
	_ =	sdelay $0x4  }
0x4c9: {  	v10 =	vshll.u32 v9, $0x1  }
0x4ca: {  	v10 =	vadd.s32 v4, v10  }
0x4cb: {  	v9 =	vand.u32 $0x7F, v9;
	v10 =	vand.u32 $0xFFFFFF00, v10  }
0x4cc: {  	v9 =	vor.u32 v10, v9  }
0x4cd: {  	v9 =	vor.u32 $0x80, v9;
	_ =	sdelay $0x4  }
0x4ce: {  	[tilespmem:v9+s15+$0x0] =	vst.idx.msk $0xffff, v8  }
0x4cf: {  	v9 =	vld [tilespmem:s22+$0xD0];
	_ =	sdelay $0x4  }
0x4d0: {  	v10 =	vshll.u32 v9, $0x1  }
0x4d1: {  	v10 =	vadd.s32 v3, v10  }
0x4d2: {  	v9 =	vand.u32 $0x7F, v9;
	v10 =	vand.u32 $0xFFFFFF00, v10  }
0x4d3: {  	v9 =	vor.u32 v10, v9  }
0x4d4: {  	v9 =	vor.u32 $0x80, v9;
	_ =	sdelay $0x4  }
0x4d5: {  	[tilespmem:v9+s15+$0x0] =	vst.idx.msk $0xffff, v8  }
0x4d6: {  	v9 =	vld [tilespmem:s22+$0xD4];
	_ =	sdelay $0x4  }
0x4d7: {  	v10 =	vshll.u32 v9, $0x1  }
0x4d8: {  	v10 =	vadd.s32 v2, v10  }
0x4d9: {  	v9 =	vand.u32 $0x7F, v9;
	v10 =	vand.u32 $0xFFFFFF00, v10  }
0x4da: {  	v9 =	vor.u32 v10, v9  }
0x4db: {  	s26 =	sshrl.u32 s25, $0x3;
	v9 =	vor.u32 $0x80, v9  }
0x4dc: {  	s26 =	smul.u32 $0x19000, s26  }
.Ltmp13:
0x4dd: {  	s28 =	sand.u32 $0x300, s24;
	(pc) =	sbr.rel .LBB2_17-.Ltmp13, $4  }
0x4de: {  	s26 =	sor.u32 s28, s26  }
0x4df: {  	s26 =	sshrl.u32 s26, $0x3  }
0x4e0: {  	s26 =	sadd.s32 s2, s26;
	[tilespmem:v9+s15+$0x0] =	vst.idx.msk $0xffff, v8  }
0x4e1: {  	[hbm4b:s26+s13] =	stream.strided.scatter [tilespmem:s15], [sflag:$0x2], $0x6400, s14, s13, $0x38;
	[tilespmem:$0x1D000] =	vst v63  }
.LBB2_19:
0x4e2: {  	_ =	sfence.sel $0x180000  }
0x4e3: {  	[bflag:$0x0] =	sbarrier.arrive $0xFFFF  }
0x4e4: {  	p0 =	sne.s32 s0, $0x0;
	_ =	strace $0x90000047  }
0x4e5: {  	s0 =	sadd.s32 @!p0 $0x100000, s1;
	[bflag:$0x2] =	sbarrier.arrive $0xFFFF  }
0x4e6: {  	[sflag:s0] =	ssyncadd.tile.s32 @!p0 $0x1;
	_ =	shalt  }
.Lfunc_end2:
_tile_overlayer_lowered:
.L_overlay_start_2:
0x4e7: {  	(tag) =	ssettag $0x2  }
0x4e8: {  	s0 =	rddreg [dreg:$0x0];
	s2 =	stileid.u32  }
0x4e9: {  	s1 =	rddreg [dreg:$0x1];
	p0 =	sne.s32 s2, $0x0  }
0x4ea: {  	s3 =	rddreg [dreg:$0x2];
	[bflag:$0x3] =	sbarrier.arrive $0xFFFF;
	s2 =	simm.s32 @!p0 $0x1C05  }
0x4eb: {  	[timem:s3], [sflag:s2] =	dma.local @!p0 [hbm:s0], s1  }
0x4ec: {  	s0 =	simm.s32 @!p0 $0x5  }
0x4ed: {  	_ =	swait.ge @!p0 [sflag:s0], s1  }
0x4ee: {  	s1 =	ssub.s32 @!p0 $0x0, s1;
	[sflag:s0] =	ssyncset.done @!p0 $0x0  }
0x4ef: {  	[sflag:s0] =	ssyncadd.s32 @!p0 s1  }
0x4f0: {  	[bflag:$0x3] =	sbarrier.arrive $0xFFFF  }
0x4f1: {  	_ =	shalt  }

</sc_bundles>
